<compile_context>
chip_gen: v7x
topology: tpu7x:2x2x1
jax: 0.10.2.dev20260603
libtpu: 0.0.44.dev20260713+nightly
codegen_flags: <defaults>
</compile_context>

<pallas_src>
import functools

import jax
import jax.numpy as jnp
from jax import lax
from jax.experimental import pallas as pl
from jax.experimental.pallas import tpu as pltpu
from jax.experimental.pallas import tpu_sc as plsc

N_GRAPHS = 1024
BLK = 4096
NC = 2
NS = 16
NW = NC * NS
ACC_ROWS = 1152
SUB = 128
LCH = 128
NBUF = 4


def _dense_kernel(h_ref, wcat_ref, b1_ref, w2_ref, b2_ref, bp_ref, out_ref):
    h = h_ref[...].astype(jnp.bfloat16)
    x = jnp.dot(h, wcat_ref[...],
                preferred_element_type=jnp.float32)
    feat = x[:, :128] + bp_ref[...]
    hid = jnp.maximum(x[:, 128:192] + b1_ref[...], 0.0)
    logit = jnp.dot(hid.astype(jnp.bfloat16), w2_ref[...],
                    preferred_element_type=jnp.float32) + b2_ref[0, 0]
    gate = jax.nn.sigmoid(logit)
    out_ref[...] = gate * feat


def _make_sc_segsum(n_pad):
    rows_per_w = n_pad // NW
    n_loads = rows_per_w // LCH
    acc_slab = ACC_ROWS // NS
    out_slab = N_GRAPHS // NS
    mesh = plsc.VectorSubcoreMesh(core_axis_name="c", subcore_axis_name="s",
                                  num_cores=NC)

    @functools.partial(
        pl.kernel, mesh=mesh,
        out_type=jax.ShapeDtypeStruct((NC, N_GRAPHS, 128), jnp.float32),
        scratch_types=[
            pltpu.VMEM((rows_per_w // SUB, SUB), jnp.int32),
            pltpu.VMEM((NBUF * LCH, 128), jnp.float32),
            pltpu.VMEM_SHARED((ACC_ROWS, 128), jnp.float32),
            pltpu.SemaphoreType.DMA,
            pltpu.SemaphoreType.DMA,
            pltpu.SemaphoreType.DMA,
            pltpu.SemaphoreType.DMA,
            pltpu.SemaphoreType.DMA,
            pltpu.SemaphoreType.DMA,
            pltpu.SemaphoreType.DMA,
            pltpu.SemaphoreType.DMA,
        ],
    )
    def segsum(gated_hbm, seg2d_hbm, zeros_hbm, out_hbm, idx_v, rows_v,
               acc_smem, sem0, sem1, sem2, sem3, sem4, sem5, sem6, sem7):
        sems = (sem0, sem1, sem2, sem3)
        ssems = (sem4, sem5, sem6, sem7)
        c = lax.axis_index("c")
        s = lax.axis_index("s")
        wid = c * NS + s
        w_base = wid * rows_per_w

        pltpu.sync_copy(seg2d_hbm.at[wid], idx_v)
        pltpu.sync_copy(zeros_hbm.at[pl.ds(s * acc_slab, acc_slab), :],
                        acc_smem.at[pl.ds(s * acc_slab, acc_slab), :])
        plsc.subcore_barrier()

        def start_load(k):
            b = k % NBUF
            return pltpu.async_copy(
                gated_hbm.at[pl.ds(w_base + k * LCH, LCH), :],
                rows_v.at[pl.ds(b * LCH, LCH), :], sems[b])

        inflight = {}
        scatters = {}
        for k in range(min(NBUF - 1, n_loads)):
            inflight[k] = start_load(k)
        for k in range(n_loads):
            inflight.pop(k).wait()
            b = k % NBUF
            scatters[k] = pltpu.async_copy(
                rows_v.at[pl.ds(b * LCH, LCH), :],
                acc_smem.at[idx_v.at[k]], ssems[b], add=True)
            m = k + NBUF - 1
            if m < n_loads:
                if m - NBUF in scatters:
                    scatters.pop(m - NBUF).wait()
                inflight[m] = start_load(m)
        for k in sorted(scatters):
            scatters.pop(k).wait()
        plsc.subcore_barrier()

        pltpu.sync_copy(acc_smem.at[pl.ds(s * out_slab, out_slab), :],
                        out_hbm.at[c, pl.ds(s * out_slab, out_slab), :])

    return segsum


@jax.jit
def kernel(h_nodes, batch, W1, b1, W2, b2, Wp, bp):
    n, d = h_nodes.shape
    out_dim = Wp.shape[0]
    hidden = W1.shape[0]
    n_pad = -(-n // (NW * LCH)) * (NW * LCH)
    nblk = n_pad // BLK
    assert (nblk - 1) * BLK < n
    seg_flat = jnp.pad(batch.astype(jnp.int32), (0, n_pad - n),
                       constant_values=N_GRAPHS)

    wcat = jnp.zeros((d, 256), jnp.float32)
    wcat = wcat.at[:, :out_dim].set(Wp.T).at[:, 128:128 + hidden].set(W1.T)
    wcat = wcat.astype(jnp.bfloat16)
    b1r = b1.reshape(1, hidden)
    w2t = jnp.tile(W2.T, (1, 128)).astype(jnp.bfloat16)
    b2r = b2.reshape(1, 1)
    bpr = bp.reshape(1, out_dim)

    blk_a = -(-nblk // 2)
    splits = [(0, blk_a), (blk_a, nblk - blk_a)]
    zeros = jnp.zeros((ACC_ROWS, 128), jnp.float32)

    partial_sums = []
    for off_blocks, nb in splits:
        n_half = nb * BLK
        off_rows = off_blocks * BLK
        gated = pl.pallas_call(
            _dense_kernel,
            grid=(nb,),
            in_specs=[
                pl.BlockSpec((BLK, d),
                             lambda i, o=off_blocks: (i + o, 0)),
                pl.BlockSpec((d, 256), lambda i: (0, 0)),
                pl.BlockSpec((1, hidden), lambda i: (0, 0)),
                pl.BlockSpec((hidden, 128), lambda i: (0, 0)),
                pl.BlockSpec((1, 1), lambda i: (0, 0)),
                pl.BlockSpec((1, out_dim), lambda i: (0, 0)),
            ],
            out_specs=pl.BlockSpec((BLK, out_dim), lambda i: (i, 0)),
            out_shape=jax.ShapeDtypeStruct((n_half, out_dim), jnp.float32),
        )(h_nodes, wcat, b1r, w2t, b2r, bpr)

        seg2d = seg_flat[off_rows:off_rows + n_half].reshape(
            NW, n_half // (NW * SUB), SUB)
        partial_sums.append(_make_sc_segsum(n_half)(gated, seg2d, zeros))

    return sum(p[0] + p[1] for p in partial_sums)

# --- scband reference (transcript-rebuilt; emitter-appended) ---
"""Pipeline reference for scband-gin-att-proj-76888504533071 (READ-ONLY COPY).

The authoritative reference and input builder live on the scoring server;
editing this copy changes nothing except your own understanding.
"""

import jax, jax.numpy as jnp
import numpy as np

NODE_DIM = 128
OUT_DIM = 128
HIDDEN = 64
N_NODES = 100000
N_GRAPHS = 1024


def setup_inputs(seed: int = 0) -> dict:
    key = jax.random.key(seed)
    k_h, k_b, k_w1, k_b1, k_w2, k_b2, k_wp, k_bp = jax.random.split(key, 8)
    h_nodes = jax.random.normal(k_h, (N_NODES, NODE_DIM), dtype=jnp.float32)
    batch = jnp.sort(jax.random.randint(k_b, (N_NODES,), 0, N_GRAPHS, dtype=jnp.int64))
    # gate_nn: Linear(node_dim, 64) -> ReLU -> Linear(64, 1)
    W1 = jax.random.normal(k_w1, (HIDDEN, NODE_DIM), dtype=jnp.float32) * (1.0 / np.sqrt(NODE_DIM))
    b1 = jax.random.normal(k_b1, (HIDDEN,), dtype=jnp.float32) * 0.01
    W2 = jax.random.normal(k_w2, (1, HIDDEN), dtype=jnp.float32) * (1.0 / np.sqrt(HIDDEN))
    b2 = jax.random.normal(k_b2, (1,), dtype=jnp.float32) * 0.01
    # feat_proj: Linear(node_dim, out_dim)
    Wp = jax.random.normal(k_wp, (OUT_DIM, NODE_DIM), dtype=jnp.float32) * (1.0 / np.sqrt(NODE_DIM))
    bp = jax.random.normal(k_bp, (OUT_DIM,), dtype=jnp.float32) * 0.01
    return {"h_nodes": h_nodes, "batch": batch, "W1": W1, "b1": b1, "W2": W2, "b2": b2, "Wp": Wp, "bp": bp}


def reference(h_nodes, batch, W1, b1, W2, b2, Wp, bp):
    # gate_nn forward: Linear -> ReLU -> Linear, then sigmoid
    hidden = jnp.maximum(h_nodes @ W1.T + b1, 0.0)
    gate_logits = hidden @ W2.T + b2          # [N, 1]
    gate_scores = jax.nn.sigmoid(gate_logits)  # [N, 1]
    feat_proj = h_nodes @ Wp.T + bp            # [N, out_dim]
    gated_feat = gate_scores * feat_proj       # [N, out_dim]
    batch_size = N_GRAPHS
    graph_embed = jax.ops.segment_sum(gated_feat, batch, num_segments=batch_size)
    return graph_embed

if __name__ == "__main__":
    import jax
    _d = setup_inputs()
    print(jax.jit(kernel)(*tuple(_d.values())))

</pallas_src>

<mosaic_0001>
#map = affine_map<(d0, d1) -> (0, 0)>
#map1 = affine_map<(d0, d1) -> (0, 0, 0)>
module attributes {stable_mosaic.version = 14 : i64} {
  func.func @segsum(%arg0: i32, %arg1: i32, %arg2: memref<49152x128xf32, #tpu.memory_space<hbm>>, %arg3: memref<32x12x128xi32, #tpu.memory_space<hbm>>, %arg4: memref<1152x128xf32, #tpu.memory_space<hbm>>, %arg5: memref<2x1024x128xf32, #tpu.memory_space<hbm>>, %arg6: memref<12x128xi32, #tpu.memory_space<vmem>>, %arg7: memref<512x128xf32, #tpu.memory_space<vmem>>, %arg8: memref<1152x128xf32, #tpu.memory_space<vmem_shared>>, %arg9: memref<!tpu.dma_semaphore, #tpu.memory_space<semaphore_mem>>, %arg10: memref<!tpu.dma_semaphore, #tpu.memory_space<semaphore_mem>>, %arg11: memref<!tpu.dma_semaphore, #tpu.memory_space<semaphore_mem>>, %arg12: memref<!tpu.dma_semaphore, #tpu.memory_space<semaphore_mem>>, %arg13: memref<!tpu.dma_semaphore, #tpu.memory_space<semaphore_mem>>, %arg14: memref<!tpu.dma_semaphore, #tpu.memory_space<semaphore_mem>>, %arg15: memref<!tpu.dma_semaphore, #tpu.memory_space<semaphore_mem>>, %arg16: memref<!tpu.dma_semaphore, #tpu.memory_space<semaphore_mem>>) attributes {dimension_semantics = [#tpu.dimension_semantics<core_parallel>, #tpu.dimension_semantics<subcore_parallel>], iteration_bounds = array<i64: 2, 16>, scalar_prefetch = 0 : i64, scratch_operands = 11 : i64, tpu.core_type = #tpu.core_type<sc_vector_subcore>, window_params = [{transform_indices = #map}, {transform_indices = #map1}, {transform_indices = #map}, {transform_indices = #map1}]} {
    %mul3A = arith.constant 16 : i32
    %mul3A_0 = arith.muli %arg0, %mul3A : i32
    %add3A = arith.addi %mul3A_0, %arg1 : i32
    %mul3A_1 = arith.constant 1536 : i32
    %mul3A_2 = arith.muli %add3A, %mul3A_1 : i32
    "tpu.region"() ({
      %run_scoped3A = tpu.sem_alloc : memref<!tpu.dma_semaphore, #tpu.memory_space<semaphore_mem>>
      %dma_start3A_514 = arith.constant 0 : i32
      %dma_start3A_515 = arith.constant 0 : i32
      %dma_start3A_516 = tpu.memref_slice %arg3[%add3A, %dma_start3A_514, %dma_start3A_515] : memref<32x12x128xi32, #tpu.memory_space<hbm>> -> memref<1x12x128xi32, #tpu.memory_space<hbm>>
      %dma_start3A_517 = tpu.memref_squeeze %dma_start3A_516 : memref<1x12x128xi32, #tpu.memory_space<hbm>> -> memref<12x128xi32, #tpu.memory_space<hbm>>
      %dma_start3A_518 = arith.constant 0 : i32
      %dma_start3A_519 = arith.constant 0 : i32
      %dma_start3A_520 = tpu.memref_slice %arg3[%add3A, %dma_start3A_518, %dma_start3A_519] : memref<32x12x128xi32, #tpu.memory_space<hbm>> -> memref<1x12x128xi32, #tpu.memory_space<hbm>>
      %dma_start3A_521 = tpu.memref_squeeze %dma_start3A_520 : memref<1x12x128xi32, #tpu.memory_space<hbm>> -> memref<12x128xi32, #tpu.memory_space<hbm>>
      tpu.enqueue_dma source(%dma_start3A_521 : memref<12x128xi32, #tpu.memory_space<hbm>>) target(%arg6 : memref<12x128xi32, #tpu.memory_space<vmem>>) target_semaphore(%run_scoped3A : memref<!tpu.dma_semaphore, #tpu.memory_space<semaphore_mem>>)
      %dma_wait3A_522 = arith.constant 0 : i32
      %dma_wait3A_523 = arith.constant 0 : i32
      %dma_wait3A_524 = tpu.memref_slice %arg3[%add3A, %dma_wait3A_522, %dma_wait3A_523] : memref<32x12x128xi32, #tpu.memory_space<hbm>> -> memref<1x12x128xi32, #tpu.memory_space<hbm>>
      %dma_wait3A_525 = tpu.memref_squeeze %dma_wait3A_524 : memref<1x12x128xi32, #tpu.memory_space<hbm>> -> memref<12x128xi32, #tpu.memory_space<hbm>>
      %dma_wait3A_526 = arith.constant 0 : i32
      %dma_wait3A_527 = arith.constant 0 : i32
      %dma_wait3A_528 = tpu.memref_slice %arg3[%add3A, %dma_wait3A_526, %dma_wait3A_527] : memref<32x12x128xi32, #tpu.memory_space<hbm>> -> memref<1x12x128xi32, #tpu.memory_space<hbm>>
      %dma_wait3A_529 = tpu.memref_squeeze %dma_wait3A_528 : memref<1x12x128xi32, #tpu.memory_space<hbm>> -> memref<12x128xi32, #tpu.memory_space<hbm>>
      tpu.wait_dma2 semaphore(%run_scoped3A : memref<!tpu.dma_semaphore, #tpu.memory_space<semaphore_mem>>) src(%dma_wait3A_529 : memref<12x128xi32, #tpu.memory_space<hbm>>) dst(%arg6 : memref<12x128xi32, #tpu.memory_space<vmem>>)
      tpu.yield
    }) : () -> ()
    %mul3A_3 = arith.constant 72 : i32
    %mul3A_4 = arith.muli %arg1, %mul3A_3 : i32
    %mul3A_5 = arith.constant 72 : i32
    %mul3A_6 = arith.muli %arg1, %mul3A_5 : i32
    "tpu.region"() ({
      %run_scoped3A = tpu.sem_alloc : memref<!tpu.dma_semaphore, #tpu.memory_space<semaphore_mem>>
      %dma_start3A_514 = arith.constant 0 : i32
      %dma_start3A_515 = tpu.memref_slice %arg8[%mul3A_6, %dma_start3A_514] : memref<1152x128xf32, #tpu.memory_space<vmem_shared>> -> memref<72x128xf32, #tpu.memory_space<vmem_shared>>
      %dma_start3A_516 = arith.constant 0 : i32
      %dma_start3A_517 = tpu.memref_slice %arg4[%mul3A_4, %dma_start3A_516] : memref<1152x128xf32, #tpu.memory_space<hbm>> -> memref<72x128xf32, #tpu.memory_space<hbm>>
      tpu.enqueue_dma source(%dma_start3A_517 : memref<72x128xf32, #tpu.memory_space<hbm>>) target(%dma_start3A_515 : memref<72x128xf32, #tpu.memory_space<vmem_shared>>) target_semaphore(%run_scoped3A : memref<!tpu.dma_semaphore, #tpu.memory_space<semaphore_mem>>)
      %dma_wait3A_518 = arith.constant 0 : i32
      %dma_wait3A_519 = tpu.memref_slice %arg8[%mul3A_6, %dma_wait3A_518] : memref<1152x128xf32, #tpu.memory_space<vmem_shared>> -> memref<72x128xf32, #tpu.memory_space<vmem_shared>>
      %dma_wait3A_520 = arith.constant 0 : i32
      %dma_wait3A_521 = tpu.memref_slice %arg4[%mul3A_4, %dma_wait3A_520] : memref<1152x128xf32, #tpu.memory_space<hbm>> -> memref<72x128xf32, #tpu.memory_space<hbm>>
      tpu.wait_dma2 semaphore(%run_scoped3A : memref<!tpu.dma_semaphore, #tpu.memory_space<semaphore_mem>>) src(%dma_wait3A_521 : memref<72x128xf32, #tpu.memory_space<hbm>>) dst(%dma_wait3A_519 : memref<72x128xf32, #tpu.memory_space<vmem_shared>>)
      tpu.yield
    }) : () -> ()
    %barrier3A = arith.constant 0 : index
    tpu.barrier barrier_id(%barrier3A)
    %add3A_7 = arith.constant 0 : i32
    %add3A_8 = arith.addi %mul3A_2, %add3A_7 : i32
    %dma_start3A = arith.constant 0 : i32
    %dma_start3A_9 = arith.constant 0 : i32
    %dma_start3A_10 = tpu.memref_slice %arg7[%dma_start3A, %dma_start3A_9] : memref<512x128xf32, #tpu.memory_space<vmem>> -> memref<128x128xf32, #tpu.memory_space<vmem>>
    %dma_start3A_11 = arith.constant 0 : i32
    %dma_start3A_12 = tpu.memref_slice %arg2[%add3A_8, %dma_start3A_11] : memref<49152x128xf32, #tpu.memory_space<hbm>> -> memref<128x128xf32, #tpu.memory_space<hbm>>
    %dma_start3A_13 = arith.constant 0 : i32
    %dma_start3A_14 = arith.constant 0 : i32
    %dma_start3A_15 = tpu.memref_slice %arg7[%dma_start3A_13, %dma_start3A_14] : memref<512x128xf32, #tpu.memory_space<vmem>> -> memref<128x128xf32, #tpu.memory_space<vmem>>
    %dma_start3A_16 = arith.constant 0 : i32
    %dma_start3A_17 = tpu.memref_slice %arg2[%add3A_8, %dma_start3A_16] : memref<49152x128xf32, #tpu.memory_space<hbm>> -> memref<128x128xf32, #tpu.memory_space<hbm>>
    tpu.enqueue_dma source(%dma_start3A_17 : memref<128x128xf32, #tpu.memory_space<hbm>>) target(%dma_start3A_15 : memref<128x128xf32, #tpu.memory_space<vmem>>) target_semaphore(%arg9 : memref<!tpu.dma_semaphore, #tpu.memory_space<semaphore_mem>>)
    %add3A_18 = arith.constant 128 : i32
    %add3A_19 = arith.addi %mul3A_2, %add3A_18 : i32
    %dma_start3A_20 = arith.constant 128 : i32
    %dma_start3A_21 = arith.constant 0 : i32
    %dma_start3A_22 = tpu.memref_slice %arg7[%dma_start3A_20, %dma_start3A_21] : memref<512x128xf32, #tpu.memory_space<vmem>> -> memref<128x128xf32, #tpu.memory_space<vmem>>
    %dma_start3A_23 = arith.constant 0 : i32
    %dma_start3A_24 = tpu.memref_slice %arg2[%add3A_19, %dma_start3A_23] : memref<49152x128xf32, #tpu.memory_space<hbm>> -> memref<128x128xf32, #tpu.memory_space<hbm>>
    %dma_start3A_25 = arith.constant 128 : i32
    %dma_start3A_26 = arith.constant 0 : i32
    %dma_start3A_27 = tpu.memref_slice %arg7[%dma_start3A_25, %dma_start3A_26] : memref<512x128xf32, #tpu.memory_space<vmem>> -> memref<128x128xf32, #tpu.memory_space<vmem>>
    %dma_start3A_28 = arith.constant 0 : i32
    %dma_start3A_29 = tpu.memref_slice %arg2[%add3A_19, %dma_start3A_28] : memref<49152x128xf32, #tpu.memory_space<hbm>> -> memref<128x128xf32, #tpu.memory_space<hbm>>
    tpu.enqueue_dma source(%dma_start3A_29 : memref<128x128xf32, #tpu.memory_space<hbm>>) target(%dma_start3A_27 : memref<128x128xf32, #tpu.memory_space<vmem>>) target_semaphore(%arg10 : memref<!tpu.dma_semaphore, #tpu.memory_space<semaphore_mem>>)
    %add3A_30 = arith.constant 256 : i32
    %add3A_31 = arith.addi %mul3A_2, %add3A_30 : i32
    %dma_start3A_32 = arith.constant 256 : i32
    %dma_start3A_33 = arith.constant 0 : i32
    %dma_start3A_34 = tpu.memref_slice %arg7[%dma_start3A_32, %dma_start3A_33] : memref<512x128xf32, #tpu.memory_space<vmem>> -> memref<128x128xf32, #tpu.memory_space<vmem>>
    %dma_start3A_35 = arith.constant 0 : i32
    %dma_start3A_36 = tpu.memref_slice %arg2[%add3A_31, %dma_start3A_35] : memref<49152x128xf32, #tpu.memory_space<hbm>> -> memref<128x128xf32, #tpu.memory_space<hbm>>
    %dma_start3A_37 = arith.constant 256 : i32
    %dma_start3A_38 = arith.constant 0 : i32
    %dma_start3A_39 = tpu.memref_slice %arg7[%dma_start3A_37, %dma_start3A_38] : memref<512x128xf32, #tpu.memory_space<vmem>> -> memref<128x128xf32, #tpu.memory_space<vmem>>
    %dma_start3A_40 = arith.constant 0 : i32
    %dma_start3A_41 = tpu.memref_slice %arg2[%add3A_31, %dma_start3A_40] : memref<49152x128xf32, #tpu.memory_space<hbm>> -> memref<128x128xf32, #tpu.memory_space<hbm>>
    tpu.enqueue_dma source(%dma_start3A_41 : memref<128x128xf32, #tpu.memory_space<hbm>>) target(%dma_start3A_39 : memref<128x128xf32, #tpu.memory_space<vmem>>) target_semaphore(%arg11 : memref<!tpu.dma_semaphore, #tpu.memory_space<semaphore_mem>>)
    %dma_wait3A = arith.constant 0 : i32
    %dma_wait3A_42 = arith.constant 0 : i32
    %dma_wait3A_43 = tpu.memref_slice %arg7[%dma_wait3A, %dma_wait3A_42] : memref<512x128xf32, #tpu.memory_space<vmem>> -> memref<128x128xf32, #tpu.memory_space<vmem>>
    %dma_wait3A_44 = arith.constant 0 : i32
    %dma_wait3A_45 = tpu.memref_slice %arg2[%add3A_8, %dma_wait3A_44] : memref<49152x128xf32, #tpu.memory_space<hbm>> -> memref<128x128xf32, #tpu.memory_space<hbm>>
    %dma_wait3A_46 = arith.constant 0 : i32
    %dma_wait3A_47 = arith.constant 0 : i32
    %dma_wait3A_48 = tpu.memref_slice %arg7[%dma_wait3A_46, %dma_wait3A_47] : memref<512x128xf32, #tpu.memory_space<vmem>> -> memref<128x128xf32, #tpu.memory_space<vmem>>
    %dma_wait3A_49 = arith.constant 0 : i32
    %dma_wait3A_50 = tpu.memref_slice %arg2[%add3A_8, %dma_wait3A_49] : memref<49152x128xf32, #tpu.memory_space<hbm>> -> memref<128x128xf32, #tpu.memory_space<hbm>>
    tpu.wait_dma2 semaphore(%arg9 : memref<!tpu.dma_semaphore, #tpu.memory_space<semaphore_mem>>) src(%dma_wait3A_50 : memref<128x128xf32, #tpu.memory_space<hbm>>) dst(%dma_wait3A_48 : memref<128x128xf32, #tpu.memory_space<vmem>>)
    %dma_start3A_51 = arith.constant 0 : i32
    %dma_start3A_52 = arith.constant 0 : i32
    %dma_start3A_53 = arith.constant 0 : i32
    %dma_start3A_54 = tpu.memref_slice %arg7[%dma_start3A_52, %dma_start3A_53] : memref<512x128xf32, #tpu.memory_space<vmem>> -> memref<128x128xf32, #tpu.memory_space<vmem>>
    %dma_start3A_55 = arith.constant 0 : i32
    %dma_start3A_56 = tpu.memref_slice %arg6[%dma_start3A_51, %dma_start3A_55] : memref<12x128xi32, #tpu.memory_space<vmem>> -> memref<1x128xi32, #tpu.memory_space<vmem>>
    %dma_start3A_57 = tpu.memref_squeeze %dma_start3A_56 : memref<1x128xi32, #tpu.memory_space<vmem>> -> memref<128xi32, #tpu.memory_space<vmem>>
    %dma_start3A_58 = arith.constant 0 : i32
    %dma_start3A_59 = arith.constant 0 : i32
    %dma_start3A_60 = tpu.memref_slice %arg8[%dma_start3A_58, %dma_start3A_59] : memref<1152x128xf32, #tpu.memory_space<vmem_shared>> -> memref<1152x128xf32, #tpu.memory_space<vmem_shared>>
    tpu.enqueue_indirect_dma source(%dma_start3A_54 : memref<128x128xf32, #tpu.memory_space<vmem>>) target(%dma_start3A_60 : memref<1152x128xf32, #tpu.memory_space<vmem_shared>>) offsets(%dma_start3A_57 : memref<128xi32, #tpu.memory_space<vmem>>) semaphore(%arg13 : memref<!tpu.dma_semaphore, #tpu.memory_space<semaphore_mem>>) {add = true}
    %add3A_61 = arith.constant 384 : i32
    %add3A_62 = arith.addi %mul3A_2, %add3A_61 : i32
    %dma_start3A_63 = arith.constant 384 : i32
    %dma_start3A_64 = arith.constant 0 : i32
    %dma_start3A_65 = tpu.memref_slice %arg7[%dma_start3A_63, %dma_start3A_64] : memref<512x128xf32, #tpu.memory_space<vmem>> -> memref<128x128xf32, #tpu.memory_space<vmem>>
    %dma_start3A_66 = arith.constant 0 : i32
    %dma_start3A_67 = tpu.memref_slice %arg2[%add3A_62, %dma_start3A_66] : memref<49152x128xf32, #tpu.memory_space<hbm>> -> memref<128x128xf32, #tpu.memory_space<hbm>>
    %dma_start3A_68 = arith.constant 384 : i32
    %dma_start3A_69 = arith.constant 0 : i32
    %dma_start3A_70 = tpu.memref_slice %arg7[%dma_start3A_68, %dma_start3A_69] : memref<512x128xf32, #tpu.memory_space<vmem>> -> memref<128x128xf32, #tpu.memory_space<vmem>>
    %dma_start3A_71 = arith.constant 0 : i32
    %dma_start3A_72 = tpu.memref_slice %arg2[%add3A_62, %dma_start3A_71] : memref<49152x128xf32, #tpu.memory_space<hbm>> -> memref<128x128xf32, #tpu.memory_space<hbm>>
    tpu.enqueue_dma source(%dma_start3A_72 : memref<128x128xf32, #tpu.memory_space<hbm>>) target(%dma_start3A_70 : memref<128x128xf32, #tpu.memory_space<vmem>>) target_semaphore(%arg12 : memref<!tpu.dma_semaphore, #tpu.memory_space<semaphore_mem>>)
    %dma_wait3A_73 = arith.constant 128 : i32
    %dma_wait3A_74 = arith.constant 0 : i32
    %dma_wait3A_75 = tpu.memref_slice %arg7[%dma_wait3A_73, %dma_wait3A_74] : memref<512x128xf32, #tpu.memory_space<vmem>> -> memref<128x128xf32, #tpu.memory_space<vmem>>
    %dma_wait3A_76 = arith.constant 0 : i32
    %dma_wait3A_77 = tpu.memref_slice %arg2[%add3A_19, %dma_wait3A_76] : memref<49152x128xf32, #tpu.memory_space<hbm>> -> memref<128x128xf32, #tpu.memory_space<hbm>>
    %dma_wait3A_78 = arith.constant 128 : i32
    %dma_wait3A_79 = arith.constant 0 : i32
    %dma_wait3A_80 = tpu.memref_slice %arg7[%dma_wait3A_78, %dma_wait3A_79] : memref<512x128xf32, #tpu.memory_space<vmem>> -> memref<128x128xf32, #tpu.memory_space<vmem>>
    %dma_wait3A_81 = arith.constant 0 : i32
    %dma_wait3A_82 = tpu.memref_slice %arg2[%add3A_19, %dma_wait3A_81] : memref<49152x128xf32, #tpu.memory_space<hbm>> -> memref<128x128xf32, #tpu.memory_space<hbm>>
    tpu.wait_dma2 semaphore(%arg10 : memref<!tpu.dma_semaphore, #tpu.memory_space<semaphore_mem>>) src(%dma_wait3A_82 : memref<128x128xf32, #tpu.memory_space<hbm>>) dst(%dma_wait3A_80 : memref<128x128xf32, #tpu.memory_space<vmem>>)
    %dma_start3A_83 = arith.constant 1 : i32
    %dma_start3A_84 = arith.constant 128 : i32
    %dma_start3A_85 = arith.constant 0 : i32
    %dma_start3A_86 = tpu.memref_slice %arg7[%dma_start3A_84, %dma_start3A_85] : memref<512x128xf32, #tpu.memory_space<vmem>> -> memref<128x128xf32, #tpu.memory_space<vmem>>
    %dma_start3A_87 = arith.constant 0 : i32
    %dma_start3A_88 = tpu.memref_slice %arg6[%dma_start3A_83, %dma_start3A_87] : memref<12x128xi32, #tpu.memory_space<vmem>> -> memref<1x128xi32, #tpu.memory_space<vmem>>
    %dma_start3A_89 = tpu.memref_squeeze %dma_start3A_88 : memref<1x128xi32, #tpu.memory_space<vmem>> -> memref<128xi32, #tpu.memory_space<vmem>>
    %dma_start3A_90 = arith.constant 0 : i32
    %dma_start3A_91 = arith.constant 0 : i32
    %dma_start3A_92 = tpu.memref_slice %arg8[%dma_start3A_90, %dma_start3A_91] : memref<1152x128xf32, #tpu.memory_space<vmem_shared>> -> memref<1152x128xf32, #tpu.memory_space<vmem_shared>>
    tpu.enqueue_indirect_dma source(%dma_start3A_86 : memref<128x128xf32, #tpu.memory_space<vmem>>) target(%dma_start3A_92 : memref<1152x128xf32, #tpu.memory_space<vmem_shared>>) offsets(%dma_start3A_89 : memref<128xi32, #tpu.memory_space<vmem>>) semaphore(%arg14 : memref<!tpu.dma_semaphore, #tpu.memory_space<semaphore_mem>>) {add = true}
    %dma_wait3A_93 = arith.constant 0 : i32
    %dma_wait3A_94 = arith.constant 0 : i32
    %dma_wait3A_95 = arith.constant 0 : i32
    %dma_wait3A_96 = tpu.memref_slice %arg7[%dma_wait3A_94, %dma_wait3A_95] : memref<512x128xf32, #tpu.memory_space<vmem>> -> memref<128x128xf32, #tpu.memory_space<vmem>>
    %dma_wait3A_97 = arith.constant 0 : i32
    %dma_wait3A_98 = tpu.memref_slice %arg6[%dma_wait3A_93, %dma_wait3A_97] : memref<12x128xi32, #tpu.memory_space<vmem>> -> memref<1x128xi32, #tpu.memory_space<vmem>>
    %dma_wait3A_99 = tpu.memref_squeeze %dma_wait3A_98 : memref<1x128xi32, #tpu.memory_space<vmem>> -> memref<128xi32, #tpu.memory_space<vmem>>
    %dma_wait3A_100 = arith.constant 0 : i32
    %dma_wait3A_101 = arith.constant 0 : i32
    %dma_wait3A_102 = tpu.memref_slice %arg8[%dma_wait3A_100, %dma_wait3A_101] : memref<1152x128xf32, #tpu.memory_space<vmem_shared>> -> memref<1152x128xf32, #tpu.memory_space<vmem_shared>>
    tpu.wait_indirect_dma semaphore(%arg13 : memref<!tpu.dma_semaphore, #tpu.memory_space<semaphore_mem>>) src(%dma_wait3A_96 : memref<128x128xf32, #tpu.memory_space<vmem>>) dst(%dma_wait3A_102 : memref<1152x128xf32, #tpu.memory_space<vmem_shared>>)
    %add3A_103 = arith.constant 512 : i32
    %add3A_104 = arith.addi %mul3A_2, %add3A_103 : i32
    %dma_start3A_105 = arith.constant 0 : i32
    %dma_start3A_106 = arith.constant 0 : i32
    %dma_start3A_107 = tpu.memref_slice %arg7[%dma_start3A_105, %dma_start3A_106] : memref<512x128xf32, #tpu.memory_space<vmem>> -> memref<128x128xf32, #tpu.memory_space<vmem>>
    %dma_start3A_108 = arith.constant 0 : i32
    %dma_start3A_109 = tpu.memref_slice %arg2[%add3A_104, %dma_start3A_108] : memref<49152x128xf32, #tpu.memory_space<hbm>> -> memref<128x128xf32, #tpu.memory_space<hbm>>
    %dma_start3A_110 = arith.constant 0 : i32
    %dma_start3A_111 = arith.constant 0 : i32
    %dma_start3A_112 = tpu.memref_slice %arg7[%dma_start3A_110, %dma_start3A_111] : memref<512x128xf32, #tpu.memory_space<vmem>> -> memref<128x128xf32, #tpu.memory_space<vmem>>
    %dma_start3A_113 = arith.constant 0 : i32
    %dma_start3A_114 = tpu.memref_slice %arg2[%add3A_104, %dma_start3A_113] : memref<49152x128xf32, #tpu.memory_space<hbm>> -> memref<128x128xf32, #tpu.memory_space<hbm>>
    tpu.enqueue_dma source(%dma_start3A_114 : memref<128x128xf32, #tpu.memory_space<hbm>>) target(%dma_start3A_112 : memref<128x128xf32, #tpu.memory_space<vmem>>) target_semaphore(%arg9 : memref<!tpu.dma_semaphore, #tpu.memory_space<semaphore_mem>>)
    %dma_wait3A_115 = arith.constant 256 : i32
    %dma_wait3A_116 = arith.constant 0 : i32
    %dma_wait3A_117 = tpu.memref_slice %arg7[%dma_wait3A_115, %dma_wait3A_116] : memref<512x128xf32, #tpu.memory_space<vmem>> -> memref<128x128xf32, #tpu.memory_space<vmem>>
    %dma_wait3A_118 = arith.constant 0 : i32
    %dma_wait3A_119 = tpu.memref_slice %arg2[%add3A_31, %dma_wait3A_118] : memref<49152x128xf32, #tpu.memory_space<hbm>> -> memref<128x128xf32, #tpu.memory_space<hbm>>
    %dma_wait3A_120 = arith.constant 256 : i32
    %dma_wait3A_121 = arith.constant 0 : i32
    %dma_wait3A_122 = tpu.memref_slice %arg7[%dma_wait3A_120, %dma_wait3A_121] : memref<512x128xf32, #tpu.memory_space<vmem>> -> memref<128x128xf32, #tpu.memory_space<vmem>>
    %dma_wait3A_123 = arith.constant 0 : i32
    %dma_wait3A_124 = tpu.memref_slice %arg2[%add3A_31, %dma_wait3A_123] : memref<49152x128xf32, #tpu.memory_space<hbm>> -> memref<128x128xf32, #tpu.memory_space<hbm>>
    tpu.wait_dma2 semaphore(%arg11 : memref<!tpu.dma_semaphore, #tpu.memory_space<semaphore_mem>>) src(%dma_wait3A_124 : memref<128x128xf32, #tpu.memory_space<hbm>>) dst(%dma_wait3A_122 : memref<128x128xf32, #tpu.memory_space<vmem>>)
    %dma_start3A_125 = arith.constant 2 : i32
    %dma_start3A_126 = arith.constant 256 : i32
    %dma_start3A_127 = arith.constant 0 : i32
    %dma_start3A_128 = tpu.memref_slice %arg7[%dma_start3A_126, %dma_start3A_127] : memref<512x128xf32, #tpu.memory_space<vmem>> -> memref<128x128xf32, #tpu.memory_space<vmem>>
    %dma_start3A_129 = arith.constant 0 : i32
    %dma_start3A_130 = tpu.memref_slice %arg6[%dma_start3A_125, %dma_start3A_129] : memref<12x128xi32, #tpu.memory_space<vmem>> -> memref<1x128xi32, #tpu.memory_space<vmem>>
    %dma_start3A_131 = tpu.memref_squeeze %dma_start3A_130 : memref<1x128xi32, #tpu.memory_space<vmem>> -> memref<128xi32, #tpu.memory_space<vmem>>
    %dma_start3A_132 = arith.constant 0 : i32
    %dma_start3A_133 = arith.constant 0 : i32
    %dma_start3A_134 = tpu.memref_slice %arg8[%dma_start3A_132, %dma_start3A_133] : memref<1152x128xf32, #tpu.memory_space<vmem_shared>> -> memref<1152x128xf32, #tpu.memory_space<vmem_shared>>
    tpu.enqueue_indirect_dma source(%dma_start3A_128 : memref<128x128xf32, #tpu.memory_space<vmem>>) target(%dma_start3A_134 : memref<1152x128xf32, #tpu.memory_space<vmem_shared>>) offsets(%dma_start3A_131 : memref<128xi32, #tpu.memory_space<vmem>>) semaphore(%arg15 : memref<!tpu.dma_semaphore, #tpu.memory_space<semaphore_mem>>) {add = true}
    %dma_wait3A_135 = arith.constant 1 : i32
    %dma_wait3A_136 = arith.constant 128 : i32
    %dma_wait3A_137 = arith.constant 0 : i32
    %dma_wait3A_138 = tpu.memref_slice %arg7[%dma_wait3A_136, %dma_wait3A_137] : memref<512x128xf32, #tpu.memory_space<vmem>> -> memref<128x128xf32, #tpu.memory_space<vmem>>
    %dma_wait3A_139 = arith.constant 0 : i32
    %dma_wait3A_140 = tpu.memref_slice %arg6[%dma_wait3A_135, %dma_wait3A_139] : memref<12x128xi32, #tpu.memory_space<vmem>> -> memref<1x128xi32, #tpu.memory_space<vmem>>
    %dma_wait3A_141 = tpu.memref_squeeze %dma_wait3A_140 : memref<1x128xi32, #tpu.memory_space<vmem>> -> memref<128xi32, #tpu.memory_space<vmem>>
    %dma_wait3A_142 = arith.constant 0 : i32
    %dma_wait3A_143 = arith.constant 0 : i32
    %dma_wait3A_144 = tpu.memref_slice %arg8[%dma_wait3A_142, %dma_wait3A_143] : memref<1152x128xf32, #tpu.memory_space<vmem_shared>> -> memref<1152x128xf32, #tpu.memory_space<vmem_shared>>
    tpu.wait_indirect_dma semaphore(%arg14 : memref<!tpu.dma_semaphore, #tpu.memory_space<semaphore_mem>>) src(%dma_wait3A_138 : memref<128x128xf32, #tpu.memory_space<vmem>>) dst(%dma_wait3A_144 : memref<1152x128xf32, #tpu.memory_space<vmem_shared>>)
    %add3A_145 = arith.constant 640 : i32
    %add3A_146 = arith.addi %mul3A_2, %add3A_145 : i32
    %dma_start3A_147 = arith.constant 128 : i32
    %dma_start3A_148 = arith.constant 0 : i32
    %dma_start3A_149 = tpu.memref_slice %arg7[%dma_start3A_147, %dma_start3A_148] : memref<512x128xf32, #tpu.memory_space<vmem>> -> memref<128x128xf32, #tpu.memory_space<vmem>>
    %dma_start3A_150 = arith.constant 0 : i32
    %dma_start3A_151 = tpu.memref_slice %arg2[%add3A_146, %dma_start3A_150] : memref<49152x128xf32, #tpu.memory_space<hbm>> -> memref<128x128xf32, #tpu.memory_space<hbm>>
    %dma_start3A_152 = arith.constant 128 : i32
    %dma_start3A_153 = arith.constant 0 : i32
    %dma_start3A_154 = tpu.memref_slice %arg7[%dma_start3A_152, %dma_start3A_153] : memref<512x128xf32, #tpu.memory_space<vmem>> -> memref<128x128xf32, #tpu.memory_space<vmem>>
    %dma_start3A_155 = arith.constant 0 : i32
    %dma_start3A_156 = tpu.memref_slice %arg2[%add3A_146, %dma_start3A_155] : memref<49152x128xf32, #tpu.memory_space<hbm>> -> memref<128x128xf32, #tpu.memory_space<hbm>>
    tpu.enqueue_dma source(%dma_start3A_156 : memref<128x128xf32, #tpu.memory_space<hbm>>) target(%dma_start3A_154 : memref<128x128xf32, #tpu.memory_space<vmem>>) target_semaphore(%arg10 : memref<!tpu.dma_semaphore, #tpu.memory_space<semaphore_mem>>)
    %dma_wait3A_157 = arith.constant 384 : i32
    %dma_wait3A_158 = arith.constant 0 : i32
    %dma_wait3A_159 = tpu.memref_slice %arg7[%dma_wait3A_157, %dma_wait3A_158] : memref<512x128xf32, #tpu.memory_space<vmem>> -> memref<128x128xf32, #tpu.memory_space<vmem>>
    %dma_wait3A_160 = arith.constant 0 : i32
    %dma_wait3A_161 = tpu.memref_slice %arg2[%add3A_62, %dma_wait3A_160] : memref<49152x128xf32, #tpu.memory_space<hbm>> -> memref<128x128xf32, #tpu.memory_space<hbm>>
    %dma_wait3A_162 = arith.constant 384 : i32
    %dma_wait3A_163 = arith.constant 0 : i32
    %dma_wait3A_164 = tpu.memref_slice %arg7[%dma_wait3A_162, %dma_wait3A_163] : memref<512x128xf32, #tpu.memory_space<vmem>> -> memref<128x128xf32, #tpu.memory_space<vmem>>
    %dma_wait3A_165 = arith.constant 0 : i32
    %dma_wait3A_166 = tpu.memref_slice %arg2[%add3A_62, %dma_wait3A_165] : memref<49152x128xf32, #tpu.memory_space<hbm>> -> memref<128x128xf32, #tpu.memory_space<hbm>>
    tpu.wait_dma2 semaphore(%arg12 : memref<!tpu.dma_semaphore, #tpu.memory_space<semaphore_mem>>) src(%dma_wait3A_166 : memref<128x128xf32, #tpu.memory_space<hbm>>) dst(%dma_wait3A_164 : memref<128x128xf32, #tpu.memory_space<vmem>>)
    %dma_start3A_167 = arith.constant 3 : i32
    %dma_start3A_168 = arith.constant 384 : i32
    %dma_start3A_169 = arith.constant 0 : i32
    %dma_start3A_170 = tpu.memref_slice %arg7[%dma_start3A_168, %dma_start3A_169] : memref<512x128xf32, #tpu.memory_space<vmem>> -> memref<128x128xf32, #tpu.memory_space<vmem>>
    %dma_start3A_171 = arith.constant 0 : i32
    %dma_start3A_172 = tpu.memref_slice %arg6[%dma_start3A_167, %dma_start3A_171] : memref<12x128xi32, #tpu.memory_space<vmem>> -> memref<1x128xi32, #tpu.memory_space<vmem>>
    %dma_start3A_173 = tpu.memref_squeeze %dma_start3A_172 : memref<1x128xi32, #tpu.memory_space<vmem>> -> memref<128xi32, #tpu.memory_space<vmem>>
    %dma_start3A_174 = arith.constant 0 : i32
    %dma_start3A_175 = arith.constant 0 : i32
    %dma_start3A_176 = tpu.memref_slice %arg8[%dma_start3A_174, %dma_start3A_175] : memref<1152x128xf32, #tpu.memory_space<vmem_shared>> -> memref<1152x128xf32, #tpu.memory_space<vmem_shared>>
    tpu.enqueue_indirect_dma source(%dma_start3A_170 : memref<128x128xf32, #tpu.memory_space<vmem>>) target(%dma_start3A_176 : memref<1152x128xf32, #tpu.memory_space<vmem_shared>>) offsets(%dma_start3A_173 : memref<128xi32, #tpu.memory_space<vmem>>) semaphore(%arg16 : memref<!tpu.dma_semaphore, #tpu.memory_space<semaphore_mem>>) {add = true}
    %dma_wait3A_177 = arith.constant 2 : i32
    %dma_wait3A_178 = arith.constant 256 : i32
    %dma_wait3A_179 = arith.constant 0 : i32
    %dma_wait3A_180 = tpu.memref_slice %arg7[%dma_wait3A_178, %dma_wait3A_179] : memref<512x128xf32, #tpu.memory_space<vmem>> -> memref<128x128xf32, #tpu.memory_space<vmem>>
    %dma_wait3A_181 = arith.constant 0 : i32
    %dma_wait3A_182 = tpu.memref_slice %arg6[%dma_wait3A_177, %dma_wait3A_181] : memref<12x128xi32, #tpu.memory_space<vmem>> -> memref<1x128xi32, #tpu.memory_space<vmem>>
    %dma_wait3A_183 = tpu.memref_squeeze %dma_wait3A_182 : memref<1x128xi32, #tpu.memory_space<vmem>> -> memref<128xi32, #tpu.memory_space<vmem>>
    %dma_wait3A_184 = arith.constant 0 : i32
    %dma_wait3A_185 = arith.constant 0 : i32
    %dma_wait3A_186 = tpu.memref_slice %arg8[%dma_wait3A_184, %dma_wait3A_185] : memref<1152x128xf32, #tpu.memory_space<vmem_shared>> -> memref<1152x128xf32, #tpu.memory_space<vmem_shared>>
    tpu.wait_indirect_dma semaphore(%arg15 : memref<!tpu.dma_semaphore, #tpu.memory_space<semaphore_mem>>) src(%dma_wait3A_180 : memref<128x128xf32, #tpu.memory_space<vmem>>) dst(%dma_wait3A_186 : memref<1152x128xf32, #tpu.memory_space<vmem_shared>>)
    %add3A_187 = arith.constant 768 : i32
    %add3A_188 = arith.addi %mul3A_2, %add3A_187 : i32
    %dma_start3A_189 = arith.constant 256 : i32
    %dma_start3A_190 = arith.constant 0 : i32
    %dma_start3A_191 = tpu.memref_slice %arg7[%dma_start3A_189, %dma_start3A_190] : memref<512x128xf32, #tpu.memory_space<vmem>> -> memref<128x128xf32, #tpu.memory_space<vmem>>
    %dma_start3A_192 = arith.constant 0 : i32
    %dma_start3A_193 = tpu.memref_slice %arg2[%add3A_188, %dma_start3A_192] : memref<49152x128xf32, #tpu.memory_space<hbm>> -> memref<128x128xf32, #tpu.memory_space<hbm>>
    %dma_start3A_194 = arith.constant 256 : i32
    %dma_start3A_195 = arith.constant 0 : i32
    %dma_start3A_196 = tpu.memref_slice %arg7[%dma_start3A_194, %dma_start3A_195] : memref<512x128xf32, #tpu.memory_space<vmem>> -> memref<128x128xf32, #tpu.memory_space<vmem>>
    %dma_start3A_197 = arith.constant 0 : i32
    %dma_start3A_198 = tpu.memref_slice %arg2[%add3A_188, %dma_start3A_197] : memref<49152x128xf32, #tpu.memory_space<hbm>> -> memref<128x128xf32, #tpu.memory_space<hbm>>
    tpu.enqueue_dma source(%dma_start3A_198 : memref<128x128xf32, #tpu.memory_space<hbm>>) target(%dma_start3A_196 : memref<128x128xf32, #tpu.memory_space<vmem>>) target_semaphore(%arg11 : memref<!tpu.dma_semaphore, #tpu.memory_space<semaphore_mem>>)
    %dma_wait3A_199 = arith.constant 0 : i32
    %dma_wait3A_200 = arith.constant 0 : i32
    %dma_wait3A_201 = tpu.memref_slice %arg7[%dma_wait3A_199, %dma_wait3A_200] : memref<512x128xf32, #tpu.memory_space<vmem>> -> memref<128x128xf32, #tpu.memory_space<vmem>>
    %dma_wait3A_202 = arith.constant 0 : i32
    %dma_wait3A_203 = tpu.memref_slice %arg2[%add3A_104, %dma_wait3A_202] : memref<49152x128xf32, #tpu.memory_space<hbm>> -> memref<128x128xf32, #tpu.memory_space<hbm>>
    %dma_wait3A_204 = arith.constant 0 : i32
    %dma_wait3A_205 = arith.constant 0 : i32
    %dma_wait3A_206 = tpu.memref_slice %arg7[%dma_wait3A_204, %dma_wait3A_205] : memref<512x128xf32, #tpu.memory_space<vmem>> -> memref<128x128xf32, #tpu.memory_space<vmem>>
    %dma_wait3A_207 = arith.constant 0 : i32
    %dma_wait3A_208 = tpu.memref_slice %arg2[%add3A_104, %dma_wait3A_207] : memref<49152x128xf32, #tpu.memory_space<hbm>> -> memref<128x128xf32, #tpu.memory_space<hbm>>
    tpu.wait_dma2 semaphore(%arg9 : memref<!tpu.dma_semaphore, #tpu.memory_space<semaphore_mem>>) src(%dma_wait3A_208 : memref<128x128xf32, #tpu.memory_space<hbm>>) dst(%dma_wait3A_206 : memref<128x128xf32, #tpu.memory_space<vmem>>)
    %dma_start3A_209 = arith.constant 4 : i32
    %dma_start3A_210 = arith.constant 0 : i32
    %dma_start3A_211 = arith.constant 0 : i32
    %dma_start3A_212 = tpu.memref_slice %arg7[%dma_start3A_210, %dma_start3A_211] : memref<512x128xf32, #tpu.memory_space<vmem>> -> memref<128x128xf32, #tpu.memory_space<vmem>>
    %dma_start3A_213 = arith.constant 0 : i32
    %dma_start3A_214 = tpu.memref_slice %arg6[%dma_start3A_209, %dma_start3A_213] : memref<12x128xi32, #tpu.memory_space<vmem>> -> memref<1x128xi32, #tpu.memory_space<vmem>>
    %dma_start3A_215 = tpu.memref_squeeze %dma_start3A_214 : memref<1x128xi32, #tpu.memory_space<vmem>> -> memref<128xi32, #tpu.memory_space<vmem>>
    %dma_start3A_216 = arith.constant 0 : i32
    %dma_start3A_217 = arith.constant 0 : i32
    %dma_start3A_218 = tpu.memref_slice %arg8[%dma_start3A_216, %dma_start3A_217] : memref<1152x128xf32, #tpu.memory_space<vmem_shared>> -> memref<1152x128xf32, #tpu.memory_space<vmem_shared>>
    tpu.enqueue_indirect_dma source(%dma_start3A_212 : memref<128x128xf32, #tpu.memory_space<vmem>>) target(%dma_start3A_218 : memref<1152x128xf32, #tpu.memory_space<vmem_shared>>) offsets(%dma_start3A_215 : memref<128xi32, #tpu.memory_space<vmem>>) semaphore(%arg13 : memref<!tpu.dma_semaphore, #tpu.memory_space<semaphore_mem>>) {add = true}
    %dma_wait3A_219 = arith.constant 3 : i32
    %dma_wait3A_220 = arith.constant 384 : i32
    %dma_wait3A_221 = arith.constant 0 : i32
    %dma_wait3A_222 = tpu.memref_slice %arg7[%dma_wait3A_220, %dma_wait3A_221] : memref<512x128xf32, #tpu.memory_space<vmem>> -> memref<128x128xf32, #tpu.memory_space<vmem>>
    %dma_wait3A_223 = arith.constant 0 : i32
    %dma_wait3A_224 = tpu.memref_slice %arg6[%dma_wait3A_219, %dma_wait3A_223] : memref<12x128xi32, #tpu.memory_space<vmem>> -> memref<1x128xi32, #tpu.memory_space<vmem>>
    %dma_wait3A_225 = tpu.memref_squeeze %dma_wait3A_224 : memref<1x128xi32, #tpu.memory_space<vmem>> -> memref<128xi32, #tpu.memory_space<vmem>>
    %dma_wait3A_226 = arith.constant 0 : i32
    %dma_wait3A_227 = arith.constant 0 : i32
    %dma_wait3A_228 = tpu.memref_slice %arg8[%dma_wait3A_226, %dma_wait3A_227] : memref<1152x128xf32, #tpu.memory_space<vmem_shared>> -> memref<1152x128xf32, #tpu.memory_space<vmem_shared>>
    tpu.wait_indirect_dma semaphore(%arg16 : memref<!tpu.dma_semaphore, #tpu.memory_space<semaphore_mem>>) src(%dma_wait3A_222 : memref<128x128xf32, #tpu.memory_space<vmem>>) dst(%dma_wait3A_228 : memref<1152x128xf32, #tpu.memory_space<vmem_shared>>)
    %add3A_229 = arith.constant 896 : i32
    %add3A_230 = arith.addi %mul3A_2, %add3A_229 : i32
    %dma_start3A_231 = arith.constant 384 : i32
    %dma_start3A_232 = arith.constant 0 : i32
    %dma_start3A_233 = tpu.memref_slice %arg7[%dma_start3A_231, %dma_start3A_232] : memref<512x128xf32, #tpu.memory_space<vmem>> -> memref<128x128xf32, #tpu.memory_space<vmem>>
    %dma_start3A_234 = arith.constant 0 : i32
    %dma_start3A_235 = tpu.memref_slice %arg2[%add3A_230, %dma_start3A_234] : memref<49152x128xf32, #tpu.memory_space<hbm>> -> memref<128x128xf32, #tpu.memory_space<hbm>>
    %dma_start3A_236 = arith.constant 384 : i32
    %dma_start3A_237 = arith.constant 0 : i32
    %dma_start3A_238 = tpu.memref_slice %arg7[%dma_start3A_236, %dma_start3A_237] : memref<512x128xf32, #tpu.memory_space<vmem>> -> memref<128x128xf32, #tpu.memory_space<vmem>>
    %dma_start3A_239 = arith.constant 0 : i32
    %dma_start3A_240 = tpu.memref_slice %arg2[%add3A_230, %dma_start3A_239] : memref<49152x128xf32, #tpu.memory_space<hbm>> -> memref<128x128xf32, #tpu.memory_space<hbm>>
    tpu.enqueue_dma source(%dma_start3A_240 : memref<128x128xf32, #tpu.memory_space<hbm>>) target(%dma_start3A_238 : memref<128x128xf32, #tpu.memory_space<vmem>>) target_semaphore(%arg12 : memref<!tpu.dma_semaphore, #tpu.memory_space<semaphore_mem>>)
    %dma_wait3A_241 = arith.constant 128 : i32
    %dma_wait3A_242 = arith.constant 0 : i32
    %dma_wait3A_243 = tpu.memref_slice %arg7[%dma_wait3A_241, %dma_wait3A_242] : memref<512x128xf32, #tpu.memory_space<vmem>> -> memref<128x128xf32, #tpu.memory_space<vmem>>
    %dma_wait3A_244 = arith.constant 0 : i32
    %dma_wait3A_245 = tpu.memref_slice %arg2[%add3A_146, %dma_wait3A_244] : memref<49152x128xf32, #tpu.memory_space<hbm>> -> memref<128x128xf32, #tpu.memory_space<hbm>>
    %dma_wait3A_246 = arith.constant 128 : i32
    %dma_wait3A_247 = arith.constant 0 : i32
    %dma_wait3A_248 = tpu.memref_slice %arg7[%dma_wait3A_246, %dma_wait3A_247] : memref<512x128xf32, #tpu.memory_space<vmem>> -> memref<128x128xf32, #tpu.memory_space<vmem>>
    %dma_wait3A_249 = arith.constant 0 : i32
    %dma_wait3A_250 = tpu.memref_slice %arg2[%add3A_146, %dma_wait3A_249] : memref<49152x128xf32, #tpu.memory_space<hbm>> -> memref<128x128xf32, #tpu.memory_space<hbm>>
    tpu.wait_dma2 semaphore(%arg10 : memref<!tpu.dma_semaphore, #tpu.memory_space<semaphore_mem>>) src(%dma_wait3A_250 : memref<128x128xf32, #tpu.memory_space<hbm>>) dst(%dma_wait3A_248 : memref<128x128xf32, #tpu.memory_space<vmem>>)
    %dma_start3A_251 = arith.constant 5 : i32
    %dma_start3A_252 = arith.constant 128 : i32
    %dma_start3A_253 = arith.constant 0 : i32
    %dma_start3A_254 = tpu.memref_slice %arg7[%dma_start3A_252, %dma_start3A_253] : memref<512x128xf32, #tpu.memory_space<vmem>> -> memref<128x128xf32, #tpu.memory_space<vmem>>
    %dma_start3A_255 = arith.constant 0 : i32
    %dma_start3A_256 = tpu.memref_slice %arg6[%dma_start3A_251, %dma_start3A_255] : memref<12x128xi32, #tpu.memory_space<vmem>> -> memref<1x128xi32, #tpu.memory_space<vmem>>
    %dma_start3A_257 = tpu.memref_squeeze %dma_start3A_256 : memref<1x128xi32, #tpu.memory_space<vmem>> -> memref<128xi32, #tpu.memory_space<vmem>>
    %dma_start3A_258 = arith.constant 0 : i32
    %dma_start3A_259 = arith.constant 0 : i32
    %dma_start3A_260 = tpu.memref_slice %arg8[%dma_start3A_258, %dma_start3A_259] : memref<1152x128xf32, #tpu.memory_space<vmem_shared>> -> memref<1152x128xf32, #tpu.memory_space<vmem_shared>>
    tpu.enqueue_indirect_dma source(%dma_start3A_254 : memref<128x128xf32, #tpu.memory_space<vmem>>) target(%dma_start3A_260 : memref<1152x128xf32, #tpu.memory_space<vmem_shared>>) offsets(%dma_start3A_257 : memref<128xi32, #tpu.memory_space<vmem>>) semaphore(%arg14 : memref<!tpu.dma_semaphore, #tpu.memory_space<semaphore_mem>>) {add = true}
    %dma_wait3A_261 = arith.constant 4 : i32
    %dma_wait3A_262 = arith.constant 0 : i32
    %dma_wait3A_263 = arith.constant 0 : i32
    %dma_wait3A_264 = tpu.memref_slice %arg7[%dma_wait3A_262, %dma_wait3A_263] : memref<512x128xf32, #tpu.memory_space<vmem>> -> memref<128x128xf32, #tpu.memory_space<vmem>>
    %dma_wait3A_265 = arith.constant 0 : i32
    %dma_wait3A_266 = tpu.memref_slice %arg6[%dma_wait3A_261, %dma_wait3A_265] : memref<12x128xi32, #tpu.memory_space<vmem>> -> memref<1x128xi32, #tpu.memory_space<vmem>>
    %dma_wait3A_267 = tpu.memref_squeeze %dma_wait3A_266 : memref<1x128xi32, #tpu.memory_space<vmem>> -> memref<128xi32, #tpu.memory_space<vmem>>
    %dma_wait3A_268 = arith.constant 0 : i32
    %dma_wait3A_269 = arith.constant 0 : i32
    %dma_wait3A_270 = tpu.memref_slice %arg8[%dma_wait3A_268, %dma_wait3A_269] : memref<1152x128xf32, #tpu.memory_space<vmem_shared>> -> memref<1152x128xf32, #tpu.memory_space<vmem_shared>>
    tpu.wait_indirect_dma semaphore(%arg13 : memref<!tpu.dma_semaphore, #tpu.memory_space<semaphore_mem>>) src(%dma_wait3A_264 : memref<128x128xf32, #tpu.memory_space<vmem>>) dst(%dma_wait3A_270 : memref<1152x128xf32, #tpu.memory_space<vmem_shared>>)
    %add3A_271 = arith.constant 1024 : i32
    %add3A_272 = arith.addi %mul3A_2, %add3A_271 : i32
    %dma_start3A_273 = arith.constant 0 : i32
    %dma_start3A_274 = arith.constant 0 : i32
    %dma_start3A_275 = tpu.memref_slice %arg7[%dma_start3A_273, %dma_start3A_274] : memref<512x128xf32, #tpu.memory_space<vmem>> -> memref<128x128xf32, #tpu.memory_space<vmem>>
    %dma_start3A_276 = arith.constant 0 : i32
    %dma_start3A_277 = tpu.memref_slice %arg2[%add3A_272, %dma_start3A_276] : memref<49152x128xf32, #tpu.memory_space<hbm>> -> memref<128x128xf32, #tpu.memory_space<hbm>>
    %dma_start3A_278 = arith.constant 0 : i32
    %dma_start3A_279 = arith.constant 0 : i32
    %dma_start3A_280 = tpu.memref_slice %arg7[%dma_start3A_278, %dma_start3A_279] : memref<512x128xf32, #tpu.memory_space<vmem>> -> memref<128x128xf32, #tpu.memory_space<vmem>>
    %dma_start3A_281 = arith.constant 0 : i32
    %dma_start3A_282 = tpu.memref_slice %arg2[%add3A_272, %dma_start3A_281] : memref<49152x128xf32, #tpu.memory_space<hbm>> -> memref<128x128xf32, #tpu.memory_space<hbm>>
    tpu.enqueue_dma source(%dma_start3A_282 : memref<128x128xf32, #tpu.memory_space<hbm>>) target(%dma_start3A_280 : memref<128x128xf32, #tpu.memory_space<vmem>>) target_semaphore(%arg9 : memref<!tpu.dma_semaphore, #tpu.memory_space<semaphore_mem>>)
    %dma_wait3A_283 = arith.constant 256 : i32
    %dma_wait3A_284 = arith.constant 0 : i32
    %dma_wait3A_285 = tpu.memref_slice %arg7[%dma_wait3A_283, %dma_wait3A_284] : memref<512x128xf32, #tpu.memory_space<vmem>> -> memref<128x128xf32, #tpu.memory_space<vmem>>
    %dma_wait3A_286 = arith.constant 0 : i32
    %dma_wait3A_287 = tpu.memref_slice %arg2[%add3A_188, %dma_wait3A_286] : memref<49152x128xf32, #tpu.memory_space<hbm>> -> memref<128x128xf32, #tpu.memory_space<hbm>>
    %dma_wait3A_288 = arith.constant 256 : i32
    %dma_wait3A_289 = arith.constant 0 : i32
    %dma_wait3A_290 = tpu.memref_slice %arg7[%dma_wait3A_288, %dma_wait3A_289] : memref<512x128xf32, #tpu.memory_space<vmem>> -> memref<128x128xf32, #tpu.memory_space<vmem>>
    %dma_wait3A_291 = arith.constant 0 : i32
    %dma_wait3A_292 = tpu.memref_slice %arg2[%add3A_188, %dma_wait3A_291] : memref<49152x128xf32, #tpu.memory_space<hbm>> -> memref<128x128xf32, #tpu.memory_space<hbm>>
    tpu.wait_dma2 semaphore(%arg11 : memref<!tpu.dma_semaphore, #tpu.memory_space<semaphore_mem>>) src(%dma_wait3A_292 : memref<128x128xf32, #tpu.memory_space<hbm>>) dst(%dma_wait3A_290 : memref<128x128xf32, #tpu.memory_space<vmem>>)
    %dma_start3A_293 = arith.constant 6 : i32
    %dma_start3A_294 = arith.constant 256 : i32
    %dma_start3A_295 = arith.constant 0 : i32
    %dma_start3A_296 = tpu.memref_slice %arg7[%dma_start3A_294, %dma_start3A_295] : memref<512x128xf32, #tpu.memory_space<vmem>> -> memref<128x128xf32, #tpu.memory_space<vmem>>
    %dma_start3A_297 = arith.constant 0 : i32
    %dma_start3A_298 = tpu.memref_slice %arg6[%dma_start3A_293, %dma_start3A_297] : memref<12x128xi32, #tpu.memory_space<vmem>> -> memref<1x128xi32, #tpu.memory_space<vmem>>
    %dma_start3A_299 = tpu.memref_squeeze %dma_start3A_298 : memref<1x128xi32, #tpu.memory_space<vmem>> -> memref<128xi32, #tpu.memory_space<vmem>>
    %dma_start3A_300 = arith.constant 0 : i32
    %dma_start3A_301 = arith.constant 0 : i32
    %dma_start3A_302 = tpu.memref_slice %arg8[%dma_start3A_300, %dma_start3A_301] : memref<1152x128xf32, #tpu.memory_space<vmem_shared>> -> memref<1152x128xf32, #tpu.memory_space<vmem_shared>>
    tpu.enqueue_indirect_dma source(%dma_start3A_296 : memref<128x128xf32, #tpu.memory_space<vmem>>) target(%dma_start3A_302 : memref<1152x128xf32, #tpu.memory_space<vmem_shared>>) offsets(%dma_start3A_299 : memref<128xi32, #tpu.memory_space<vmem>>) semaphore(%arg15 : memref<!tpu.dma_semaphore, #tpu.memory_space<semaphore_mem>>) {add = true}
    %dma_wait3A_303 = arith.constant 5 : i32
    %dma_wait3A_304 = arith.constant 128 : i32
    %dma_wait3A_305 = arith.constant 0 : i32
    %dma_wait3A_306 = tpu.memref_slice %arg7[%dma_wait3A_304, %dma_wait3A_305] : memref<512x128xf32, #tpu.memory_space<vmem>> -> memref<128x128xf32, #tpu.memory_space<vmem>>
    %dma_wait3A_307 = arith.constant 0 : i32
    %dma_wait3A_308 = tpu.memref_slice %arg6[%dma_wait3A_303, %dma_wait3A_307] : memref<12x128xi32, #tpu.memory_space<vmem>> -> memref<1x128xi32, #tpu.memory_space<vmem>>
    %dma_wait3A_309 = tpu.memref_squeeze %dma_wait3A_308 : memref<1x128xi32, #tpu.memory_space<vmem>> -> memref<128xi32, #tpu.memory_space<vmem>>
    %dma_wait3A_310 = arith.constant 0 : i32
    %dma_wait3A_311 = arith.constant 0 : i32
    %dma_wait3A_312 = tpu.memref_slice %arg8[%dma_wait3A_310, %dma_wait3A_311] : memref<1152x128xf32, #tpu.memory_space<vmem_shared>> -> memref<1152x128xf32, #tpu.memory_space<vmem_shared>>
    tpu.wait_indirect_dma semaphore(%arg14 : memref<!tpu.dma_semaphore, #tpu.memory_space<semaphore_mem>>) src(%dma_wait3A_306 : memref<128x128xf32, #tpu.memory_space<vmem>>) dst(%dma_wait3A_312 : memref<1152x128xf32, #tpu.memory_space<vmem_shared>>)
    %add3A_313 = arith.constant 1152 : i32
    %add3A_314 = arith.addi %mul3A_2, %add3A_313 : i32
    %dma_start3A_315 = arith.constant 128 : i32
    %dma_start3A_316 = arith.constant 0 : i32
    %dma_start3A_317 = tpu.memref_slice %arg7[%dma_start3A_315, %dma_start3A_316] : memref<512x128xf32, #tpu.memory_space<vmem>> -> memref<128x128xf32, #tpu.memory_space<vmem>>
    %dma_start3A_318 = arith.constant 0 : i32
    %dma_start3A_319 = tpu.memref_slice %arg2[%add3A_314, %dma_start3A_318] : memref<49152x128xf32, #tpu.memory_space<hbm>> -> memref<128x128xf32, #tpu.memory_space<hbm>>
    %dma_start3A_320 = arith.constant 128 : i32
    %dma_start3A_321 = arith.constant 0 : i32
    %dma_start3A_322 = tpu.memref_slice %arg7[%dma_start3A_320, %dma_start3A_321] : memref<512x128xf32, #tpu.memory_space<vmem>> -> memref<128x128xf32, #tpu.memory_space<vmem>>
    %dma_start3A_323 = arith.constant 0 : i32
    %dma_start3A_324 = tpu.memref_slice %arg2[%add3A_314, %dma_start3A_323] : memref<49152x128xf32, #tpu.memory_space<hbm>> -> memref<128x128xf32, #tpu.memory_space<hbm>>
    tpu.enqueue_dma source(%dma_start3A_324 : memref<128x128xf32, #tpu.memory_space<hbm>>) target(%dma_start3A_322 : memref<128x128xf32, #tpu.memory_space<vmem>>) target_semaphore(%arg10 : memref<!tpu.dma_semaphore, #tpu.memory_space<semaphore_mem>>)
    %dma_wait3A_325 = arith.constant 384 : i32
    %dma_wait3A_326 = arith.constant 0 : i32
    %dma_wait3A_327 = tpu.memref_slice %arg7[%dma_wait3A_325, %dma_wait3A_326] : memref<512x128xf32, #tpu.memory_space<vmem>> -> memref<128x128xf32, #tpu.memory_space<vmem>>
    %dma_wait3A_328 = arith.constant 0 : i32
    %dma_wait3A_329 = tpu.memref_slice %arg2[%add3A_230, %dma_wait3A_328] : memref<49152x128xf32, #tpu.memory_space<hbm>> -> memref<128x128xf32, #tpu.memory_space<hbm>>
    %dma_wait3A_330 = arith.constant 384 : i32
    %dma_wait3A_331 = arith.constant 0 : i32
    %dma_wait3A_332 = tpu.memref_slice %arg7[%dma_wait3A_330, %dma_wait3A_331] : memref<512x128xf32, #tpu.memory_space<vmem>> -> memref<128x128xf32, #tpu.memory_space<vmem>>
    %dma_wait3A_333 = arith.constant 0 : i32
    %dma_wait3A_334 = tpu.memref_slice %arg2[%add3A_230, %dma_wait3A_333] : memref<49152x128xf32, #tpu.memory_space<hbm>> -> memref<128x128xf32, #tpu.memory_space<hbm>>
    tpu.wait_dma2 semaphore(%arg12 : memref<!tpu.dma_semaphore, #tpu.memory_space<semaphore_mem>>) src(%dma_wait3A_334 : memref<128x128xf32, #tpu.memory_space<hbm>>) dst(%dma_wait3A_332 : memref<128x128xf32, #tpu.memory_space<vmem>>)
    %dma_start3A_335 = arith.constant 7 : i32
    %dma_start3A_336 = arith.constant 384 : i32
    %dma_start3A_337 = arith.constant 0 : i32
    %dma_start3A_338 = tpu.memref_slice %arg7[%dma_start3A_336, %dma_start3A_337] : memref<512x128xf32, #tpu.memory_space<vmem>> -> memref<128x128xf32, #tpu.memory_space<vmem>>
    %dma_start3A_339 = arith.constant 0 : i32
    %dma_start3A_340 = tpu.memref_slice %arg6[%dma_start3A_335, %dma_start3A_339] : memref<12x128xi32, #tpu.memory_space<vmem>> -> memref<1x128xi32, #tpu.memory_space<vmem>>
    %dma_start3A_341 = tpu.memref_squeeze %dma_start3A_340 : memref<1x128xi32, #tpu.memory_space<vmem>> -> memref<128xi32, #tpu.memory_space<vmem>>
    %dma_start3A_342 = arith.constant 0 : i32
    %dma_start3A_343 = arith.constant 0 : i32
    %dma_start3A_344 = tpu.memref_slice %arg8[%dma_start3A_342, %dma_start3A_343] : memref<1152x128xf32, #tpu.memory_space<vmem_shared>> -> memref<1152x128xf32, #tpu.memory_space<vmem_shared>>
    tpu.enqueue_indirect_dma source(%dma_start3A_338 : memref<128x128xf32, #tpu.memory_space<vmem>>) target(%dma_start3A_344 : memref<1152x128xf32, #tpu.memory_space<vmem_shared>>) offsets(%dma_start3A_341 : memref<128xi32, #tpu.memory_space<vmem>>) semaphore(%arg16 : memref<!tpu.dma_semaphore, #tpu.memory_space<semaphore_mem>>) {add = true}
    %dma_wait3A_345 = arith.constant 6 : i32
    %dma_wait3A_346 = arith.constant 256 : i32
    %dma_wait3A_347 = arith.constant 0 : i32
    %dma_wait3A_348 = tpu.memref_slice %arg7[%dma_wait3A_346, %dma_wait3A_347] : memref<512x128xf32, #tpu.memory_space<vmem>> -> memref<128x128xf32, #tpu.memory_space<vmem>>
    %dma_wait3A_349 = arith.constant 0 : i32
    %dma_wait3A_350 = tpu.memref_slice %arg6[%dma_wait3A_345, %dma_wait3A_349] : memref<12x128xi32, #tpu.memory_space<vmem>> -> memref<1x128xi32, #tpu.memory_space<vmem>>
    %dma_wait3A_351 = tpu.memref_squeeze %dma_wait3A_350 : memref<1x128xi32, #tpu.memory_space<vmem>> -> memref<128xi32, #tpu.memory_space<vmem>>
    %dma_wait3A_352 = arith.constant 0 : i32
    %dma_wait3A_353 = arith.constant 0 : i32
    %dma_wait3A_354 = tpu.memref_slice %arg8[%dma_wait3A_352, %dma_wait3A_353] : memref<1152x128xf32, #tpu.memory_space<vmem_shared>> -> memref<1152x128xf32, #tpu.memory_space<vmem_shared>>
    tpu.wait_indirect_dma semaphore(%arg15 : memref<!tpu.dma_semaphore, #tpu.memory_space<semaphore_mem>>) src(%dma_wait3A_348 : memref<128x128xf32, #tpu.memory_space<vmem>>) dst(%dma_wait3A_354 : memref<1152x128xf32, #tpu.memory_space<vmem_shared>>)
    %add3A_355 = arith.constant 1280 : i32
    %add3A_356 = arith.addi %mul3A_2, %add3A_355 : i32
    %dma_start3A_357 = arith.constant 256 : i32
    %dma_start3A_358 = arith.constant 0 : i32
    %dma_start3A_359 = tpu.memref_slice %arg7[%dma_start3A_357, %dma_start3A_358] : memref<512x128xf32, #tpu.memory_space<vmem>> -> memref<128x128xf32, #tpu.memory_space<vmem>>
    %dma_start3A_360 = arith.constant 0 : i32
    %dma_start3A_361 = tpu.memref_slice %arg2[%add3A_356, %dma_start3A_360] : memref<49152x128xf32, #tpu.memory_space<hbm>> -> memref<128x128xf32, #tpu.memory_space<hbm>>
    %dma_start3A_362 = arith.constant 256 : i32
    %dma_start3A_363 = arith.constant 0 : i32
    %dma_start3A_364 = tpu.memref_slice %arg7[%dma_start3A_362, %dma_start3A_363] : memref<512x128xf32, #tpu.memory_space<vmem>> -> memref<128x128xf32, #tpu.memory_space<vmem>>
    %dma_start3A_365 = arith.constant 0 : i32
    %dma_start3A_366 = tpu.memref_slice %arg2[%add3A_356, %dma_start3A_365] : memref<49152x128xf32, #tpu.memory_space<hbm>> -> memref<128x128xf32, #tpu.memory_space<hbm>>
    tpu.enqueue_dma source(%dma_start3A_366 : memref<128x128xf32, #tpu.memory_space<hbm>>) target(%dma_start3A_364 : memref<128x128xf32, #tpu.memory_space<vmem>>) target_semaphore(%arg11 : memref<!tpu.dma_semaphore, #tpu.memory_space<semaphore_mem>>)
    %dma_wait3A_367 = arith.constant 0 : i32
    %dma_wait3A_368 = arith.constant 0 : i32
    %dma_wait3A_369 = tpu.memref_slice %arg7[%dma_wait3A_367, %dma_wait3A_368] : memref<512x128xf32, #tpu.memory_space<vmem>> -> memref<128x128xf32, #tpu.memory_space<vmem>>
    %dma_wait3A_370 = arith.constant 0 : i32
    %dma_wait3A_371 = tpu.memref_slice %arg2[%add3A_272, %dma_wait3A_370] : memref<49152x128xf32, #tpu.memory_space<hbm>> -> memref<128x128xf32, #tpu.memory_space<hbm>>
    %dma_wait3A_372 = arith.constant 0 : i32
    %dma_wait3A_373 = arith.constant 0 : i32
    %dma_wait3A_374 = tpu.memref_slice %arg7[%dma_wait3A_372, %dma_wait3A_373] : memref<512x128xf32, #tpu.memory_space<vmem>> -> memref<128x128xf32, #tpu.memory_space<vmem>>
    %dma_wait3A_375 = arith.constant 0 : i32
    %dma_wait3A_376 = tpu.memref_slice %arg2[%add3A_272, %dma_wait3A_375] : memref<49152x128xf32, #tpu.memory_space<hbm>> -> memref<128x128xf32, #tpu.memory_space<hbm>>
    tpu.wait_dma2 semaphore(%arg9 : memref<!tpu.dma_semaphore, #tpu.memory_space<semaphore_mem>>) src(%dma_wait3A_376 : memref<128x128xf32, #tpu.memory_space<hbm>>) dst(%dma_wait3A_374 : memref<128x128xf32, #tpu.memory_space<vmem>>)
    %dma_start3A_377 = arith.constant 8 : i32
    %dma_start3A_378 = arith.constant 0 : i32
    %dma_start3A_379 = arith.constant 0 : i32
    %dma_start3A_380 = tpu.memref_slice %arg7[%dma_start3A_378, %dma_start3A_379] : memref<512x128xf32, #tpu.memory_space<vmem>> -> memref<128x128xf32, #tpu.memory_space<vmem>>
    %dma_start3A_381 = arith.constant 0 : i32
    %dma_start3A_382 = tpu.memref_slice %arg6[%dma_start3A_377, %dma_start3A_381] : memref<12x128xi32, #tpu.memory_space<vmem>> -> memref<1x128xi32, #tpu.memory_space<vmem>>
    %dma_start3A_383 = tpu.memref_squeeze %dma_start3A_382 : memref<1x128xi32, #tpu.memory_space<vmem>> -> memref<128xi32, #tpu.memory_space<vmem>>
    %dma_start3A_384 = arith.constant 0 : i32
    %dma_start3A_385 = arith.constant 0 : i32
    %dma_start3A_386 = tpu.memref_slice %arg8[%dma_start3A_384, %dma_start3A_385] : memref<1152x128xf32, #tpu.memory_space<vmem_shared>> -> memref<1152x128xf32, #tpu.memory_space<vmem_shared>>
    tpu.enqueue_indirect_dma source(%dma_start3A_380 : memref<128x128xf32, #tpu.memory_space<vmem>>) target(%dma_start3A_386 : memref<1152x128xf32, #tpu.memory_space<vmem_shared>>) offsets(%dma_start3A_383 : memref<128xi32, #tpu.memory_space<vmem>>) semaphore(%arg13 : memref<!tpu.dma_semaphore, #tpu.memory_space<semaphore_mem>>) {add = true}
    %dma_wait3A_387 = arith.constant 7 : i32
    %dma_wait3A_388 = arith.constant 384 : i32
    %dma_wait3A_389 = arith.constant 0 : i32
    %dma_wait3A_390 = tpu.memref_slice %arg7[%dma_wait3A_388, %dma_wait3A_389] : memref<512x128xf32, #tpu.memory_space<vmem>> -> memref<128x128xf32, #tpu.memory_space<vmem>>
    %dma_wait3A_391 = arith.constant 0 : i32
    %dma_wait3A_392 = tpu.memref_slice %arg6[%dma_wait3A_387, %dma_wait3A_391] : memref<12x128xi32, #tpu.memory_space<vmem>> -> memref<1x128xi32, #tpu.memory_space<vmem>>
    %dma_wait3A_393 = tpu.memref_squeeze %dma_wait3A_392 : memref<1x128xi32, #tpu.memory_space<vmem>> -> memref<128xi32, #tpu.memory_space<vmem>>
    %dma_wait3A_394 = arith.constant 0 : i32
    %dma_wait3A_395 = arith.constant 0 : i32
    %dma_wait3A_396 = tpu.memref_slice %arg8[%dma_wait3A_394, %dma_wait3A_395] : memref<1152x128xf32, #tpu.memory_space<vmem_shared>> -> memref<1152x128xf32, #tpu.memory_space<vmem_shared>>
    tpu.wait_indirect_dma semaphore(%arg16 : memref<!tpu.dma_semaphore, #tpu.memory_space<semaphore_mem>>) src(%dma_wait3A_390 : memref<128x128xf32, #tpu.memory_space<vmem>>) dst(%dma_wait3A_396 : memref<1152x128xf32, #tpu.memory_space<vmem_shared>>)
    %add3A_397 = arith.constant 1408 : i32
    %add3A_398 = arith.addi %mul3A_2, %add3A_397 : i32
    %dma_start3A_399 = arith.constant 384 : i32
    %dma_start3A_400 = arith.constant 0 : i32
    %dma_start3A_401 = tpu.memref_slice %arg7[%dma_start3A_399, %dma_start3A_400] : memref<512x128xf32, #tpu.memory_space<vmem>> -> memref<128x128xf32, #tpu.memory_space<vmem>>
    %dma_start3A_402 = arith.constant 0 : i32
    %dma_start3A_403 = tpu.memref_slice %arg2[%add3A_398, %dma_start3A_402] : memref<49152x128xf32, #tpu.memory_space<hbm>> -> memref<128x128xf32, #tpu.memory_space<hbm>>
    %dma_start3A_404 = arith.constant 384 : i32
    %dma_start3A_405 = arith.constant 0 : i32
    %dma_start3A_406 = tpu.memref_slice %arg7[%dma_start3A_404, %dma_start3A_405] : memref<512x128xf32, #tpu.memory_space<vmem>> -> memref<128x128xf32, #tpu.memory_space<vmem>>
    %dma_start3A_407 = arith.constant 0 : i32
    %dma_start3A_408 = tpu.memref_slice %arg2[%add3A_398, %dma_start3A_407] : memref<49152x128xf32, #tpu.memory_space<hbm>> -> memref<128x128xf32, #tpu.memory_space<hbm>>
    tpu.enqueue_dma source(%dma_start3A_408 : memref<128x128xf32, #tpu.memory_space<hbm>>) target(%dma_start3A_406 : memref<128x128xf32, #tpu.memory_space<vmem>>) target_semaphore(%arg12 : memref<!tpu.dma_semaphore, #tpu.memory_space<semaphore_mem>>)
    %dma_wait3A_409 = arith.constant 128 : i32
    %dma_wait3A_410 = arith.constant 0 : i32
    %dma_wait3A_411 = tpu.memref_slice %arg7[%dma_wait3A_409, %dma_wait3A_410] : memref<512x128xf32, #tpu.memory_space<vmem>> -> memref<128x128xf32, #tpu.memory_space<vmem>>
    %dma_wait3A_412 = arith.constant 0 : i32
    %dma_wait3A_413 = tpu.memref_slice %arg2[%add3A_314, %dma_wait3A_412] : memref<49152x128xf32, #tpu.memory_space<hbm>> -> memref<128x128xf32, #tpu.memory_space<hbm>>
    %dma_wait3A_414 = arith.constant 128 : i32
    %dma_wait3A_415 = arith.constant 0 : i32
    %dma_wait3A_416 = tpu.memref_slice %arg7[%dma_wait3A_414, %dma_wait3A_415] : memref<512x128xf32, #tpu.memory_space<vmem>> -> memref<128x128xf32, #tpu.memory_space<vmem>>
    %dma_wait3A_417 = arith.constant 0 : i32
    %dma_wait3A_418 = tpu.memref_slice %arg2[%add3A_314, %dma_wait3A_417] : memref<49152x128xf32, #tpu.memory_space<hbm>> -> memref<128x128xf32, #tpu.memory_space<hbm>>
    tpu.wait_dma2 semaphore(%arg10 : memref<!tpu.dma_semaphore, #tpu.memory_space<semaphore_mem>>) src(%dma_wait3A_418 : memref<128x128xf32, #tpu.memory_space<hbm>>) dst(%dma_wait3A_416 : memref<128x128xf32, #tpu.memory_space<vmem>>)
    %dma_start3A_419 = arith.constant 9 : i32
    %dma_start3A_420 = arith.constant 128 : i32
    %dma_start3A_421 = arith.constant 0 : i32
    %dma_start3A_422 = tpu.memref_slice %arg7[%dma_start3A_420, %dma_start3A_421] : memref<512x128xf32, #tpu.memory_space<vmem>> -> memref<128x128xf32, #tpu.memory_space<vmem>>
    %dma_start3A_423 = arith.constant 0 : i32
    %dma_start3A_424 = tpu.memref_slice %arg6[%dma_start3A_419, %dma_start3A_423] : memref<12x128xi32, #tpu.memory_space<vmem>> -> memref<1x128xi32, #tpu.memory_space<vmem>>
    %dma_start3A_425 = tpu.memref_squeeze %dma_start3A_424 : memref<1x128xi32, #tpu.memory_space<vmem>> -> memref<128xi32, #tpu.memory_space<vmem>>
    %dma_start3A_426 = arith.constant 0 : i32
    %dma_start3A_427 = arith.constant 0 : i32
    %dma_start3A_428 = tpu.memref_slice %arg8[%dma_start3A_426, %dma_start3A_427] : memref<1152x128xf32, #tpu.memory_space<vmem_shared>> -> memref<1152x128xf32, #tpu.memory_space<vmem_shared>>
    tpu.enqueue_indirect_dma source(%dma_start3A_422 : memref<128x128xf32, #tpu.memory_space<vmem>>) target(%dma_start3A_428 : memref<1152x128xf32, #tpu.memory_space<vmem_shared>>) offsets(%dma_start3A_425 : memref<128xi32, #tpu.memory_space<vmem>>) semaphore(%arg14 : memref<!tpu.dma_semaphore, #tpu.memory_space<semaphore_mem>>) {add = true}
    %dma_wait3A_429 = arith.constant 256 : i32
    %dma_wait3A_430 = arith.constant 0 : i32
    %dma_wait3A_431 = tpu.memref_slice %arg7[%dma_wait3A_429, %dma_wait3A_430] : memref<512x128xf32, #tpu.memory_space<vmem>> -> memref<128x128xf32, #tpu.memory_space<vmem>>
    %dma_wait3A_432 = arith.constant 0 : i32
    %dma_wait3A_433 = tpu.memref_slice %arg2[%add3A_356, %dma_wait3A_432] : memref<49152x128xf32, #tpu.memory_space<hbm>> -> memref<128x128xf32, #tpu.memory_space<hbm>>
    %dma_wait3A_434 = arith.constant 256 : i32
    %dma_wait3A_435 = arith.constant 0 : i32
    %dma_wait3A_436 = tpu.memref_slice %arg7[%dma_wait3A_434, %dma_wait3A_435] : memref<512x128xf32, #tpu.memory_space<vmem>> -> memref<128x128xf32, #tpu.memory_space<vmem>>
    %dma_wait3A_437 = arith.constant 0 : i32
    %dma_wait3A_438 = tpu.memref_slice %arg2[%add3A_356, %dma_wait3A_437] : memref<49152x128xf32, #tpu.memory_space<hbm>> -> memref<128x128xf32, #tpu.memory_space<hbm>>
    tpu.wait_dma2 semaphore(%arg11 : memref<!tpu.dma_semaphore, #tpu.memory_space<semaphore_mem>>) src(%dma_wait3A_438 : memref<128x128xf32, #tpu.memory_space<hbm>>) dst(%dma_wait3A_436 : memref<128x128xf32, #tpu.memory_space<vmem>>)
    %dma_start3A_439 = arith.constant 10 : i32
    %dma_start3A_440 = arith.constant 256 : i32
    %dma_start3A_441 = arith.constant 0 : i32
    %dma_start3A_442 = tpu.memref_slice %arg7[%dma_start3A_440, %dma_start3A_441] : memref<512x128xf32, #tpu.memory_space<vmem>> -> memref<128x128xf32, #tpu.memory_space<vmem>>
    %dma_start3A_443 = arith.constant 0 : i32
    %dma_start3A_444 = tpu.memref_slice %arg6[%dma_start3A_439, %dma_start3A_443] : memref<12x128xi32, #tpu.memory_space<vmem>> -> memref<1x128xi32, #tpu.memory_space<vmem>>
    %dma_start3A_445 = tpu.memref_squeeze %dma_start3A_444 : memref<1x128xi32, #tpu.memory_space<vmem>> -> memref<128xi32, #tpu.memory_space<vmem>>
    %dma_start3A_446 = arith.constant 0 : i32
    %dma_start3A_447 = arith.constant 0 : i32
    %dma_start3A_448 = tpu.memref_slice %arg8[%dma_start3A_446, %dma_start3A_447] : memref<1152x128xf32, #tpu.memory_space<vmem_shared>> -> memref<1152x128xf32, #tpu.memory_space<vmem_shared>>
    tpu.enqueue_indirect_dma source(%dma_start3A_442 : memref<128x128xf32, #tpu.memory_space<vmem>>) target(%dma_start3A_448 : memref<1152x128xf32, #tpu.memory_space<vmem_shared>>) offsets(%dma_start3A_445 : memref<128xi32, #tpu.memory_space<vmem>>) semaphore(%arg15 : memref<!tpu.dma_semaphore, #tpu.memory_space<semaphore_mem>>) {add = true}
    %dma_wait3A_449 = arith.constant 384 : i32
    %dma_wait3A_450 = arith.constant 0 : i32
    %dma_wait3A_451 = tpu.memref_slice %arg7[%dma_wait3A_449, %dma_wait3A_450] : memref<512x128xf32, #tpu.memory_space<vmem>> -> memref<128x128xf32, #tpu.memory_space<vmem>>
    %dma_wait3A_452 = arith.constant 0 : i32
    %dma_wait3A_453 = tpu.memref_slice %arg2[%add3A_398, %dma_wait3A_452] : memref<49152x128xf32, #tpu.memory_space<hbm>> -> memref<128x128xf32, #tpu.memory_space<hbm>>
    %dma_wait3A_454 = arith.constant 384 : i32
    %dma_wait3A_455 = arith.constant 0 : i32
    %dma_wait3A_456 = tpu.memref_slice %arg7[%dma_wait3A_454, %dma_wait3A_455] : memref<512x128xf32, #tpu.memory_space<vmem>> -> memref<128x128xf32, #tpu.memory_space<vmem>>
    %dma_wait3A_457 = arith.constant 0 : i32
    %dma_wait3A_458 = tpu.memref_slice %arg2[%add3A_398, %dma_wait3A_457] : memref<49152x128xf32, #tpu.memory_space<hbm>> -> memref<128x128xf32, #tpu.memory_space<hbm>>
    tpu.wait_dma2 semaphore(%arg12 : memref<!tpu.dma_semaphore, #tpu.memory_space<semaphore_mem>>) src(%dma_wait3A_458 : memref<128x128xf32, #tpu.memory_space<hbm>>) dst(%dma_wait3A_456 : memref<128x128xf32, #tpu.memory_space<vmem>>)
    %dma_start3A_459 = arith.constant 11 : i32
    %dma_start3A_460 = arith.constant 384 : i32
    %dma_start3A_461 = arith.constant 0 : i32
    %dma_start3A_462 = tpu.memref_slice %arg7[%dma_start3A_460, %dma_start3A_461] : memref<512x128xf32, #tpu.memory_space<vmem>> -> memref<128x128xf32, #tpu.memory_space<vmem>>
    %dma_start3A_463 = arith.constant 0 : i32
    %dma_start3A_464 = tpu.memref_slice %arg6[%dma_start3A_459, %dma_start3A_463] : memref<12x128xi32, #tpu.memory_space<vmem>> -> memref<1x128xi32, #tpu.memory_space<vmem>>
    %dma_start3A_465 = tpu.memref_squeeze %dma_start3A_464 : memref<1x128xi32, #tpu.memory_space<vmem>> -> memref<128xi32, #tpu.memory_space<vmem>>
    %dma_start3A_466 = arith.constant 0 : i32
    %dma_start3A_467 = arith.constant 0 : i32
    %dma_start3A_468 = tpu.memref_slice %arg8[%dma_start3A_466, %dma_start3A_467] : memref<1152x128xf32, #tpu.memory_space<vmem_shared>> -> memref<1152x128xf32, #tpu.memory_space<vmem_shared>>
    tpu.enqueue_indirect_dma source(%dma_start3A_462 : memref<128x128xf32, #tpu.memory_space<vmem>>) target(%dma_start3A_468 : memref<1152x128xf32, #tpu.memory_space<vmem_shared>>) offsets(%dma_start3A_465 : memref<128xi32, #tpu.memory_space<vmem>>) semaphore(%arg16 : memref<!tpu.dma_semaphore, #tpu.memory_space<semaphore_mem>>) {add = true}
    %dma_wait3A_469 = arith.constant 8 : i32
    %dma_wait3A_470 = arith.constant 0 : i32
    %dma_wait3A_471 = arith.constant 0 : i32
    %dma_wait3A_472 = tpu.memref_slice %arg7[%dma_wait3A_470, %dma_wait3A_471] : memref<512x128xf32, #tpu.memory_space<vmem>> -> memref<128x128xf32, #tpu.memory_space<vmem>>
    %dma_wait3A_473 = arith.constant 0 : i32
    %dma_wait3A_474 = tpu.memref_slice %arg6[%dma_wait3A_469, %dma_wait3A_473] : memref<12x128xi32, #tpu.memory_space<vmem>> -> memref<1x128xi32, #tpu.memory_space<vmem>>
    %dma_wait3A_475 = tpu.memref_squeeze %dma_wait3A_474 : memref<1x128xi32, #tpu.memory_space<vmem>> -> memref<128xi32, #tpu.memory_space<vmem>>
    %dma_wait3A_476 = arith.constant 0 : i32
    %dma_wait3A_477 = arith.constant 0 : i32
    %dma_wait3A_478 = tpu.memref_slice %arg8[%dma_wait3A_476, %dma_wait3A_477] : memref<1152x128xf32, #tpu.memory_space<vmem_shared>> -> memref<1152x128xf32, #tpu.memory_space<vmem_shared>>
    tpu.wait_indirect_dma semaphore(%arg13 : memref<!tpu.dma_semaphore, #tpu.memory_space<semaphore_mem>>) src(%dma_wait3A_472 : memref<128x128xf32, #tpu.memory_space<vmem>>) dst(%dma_wait3A_478 : memref<1152x128xf32, #tpu.memory_space<vmem_shared>>)
    %dma_wait3A_479 = arith.constant 9 : i32
    %dma_wait3A_480 = arith.constant 128 : i32
    %dma_wait3A_481 = arith.constant 0 : i32
    %dma_wait3A_482 = tpu.memref_slice %arg7[%dma_wait3A_480, %dma_wait3A_481] : memref<512x128xf32, #tpu.memory_space<vmem>> -> memref<128x128xf32, #tpu.memory_space<vmem>>
    %dma_wait3A_483 = arith.constant 0 : i32
    %dma_wait3A_484 = tpu.memref_slice %arg6[%dma_wait3A_479, %dma_wait3A_483] : memref<12x128xi32, #tpu.memory_space<vmem>> -> memref<1x128xi32, #tpu.memory_space<vmem>>
    %dma_wait3A_485 = tpu.memref_squeeze %dma_wait3A_484 : memref<1x128xi32, #tpu.memory_space<vmem>> -> memref<128xi32, #tpu.memory_space<vmem>>
    %dma_wait3A_486 = arith.constant 0 : i32
    %dma_wait3A_487 = arith.constant 0 : i32
    %dma_wait3A_488 = tpu.memref_slice %arg8[%dma_wait3A_486, %dma_wait3A_487] : memref<1152x128xf32, #tpu.memory_space<vmem_shared>> -> memref<1152x128xf32, #tpu.memory_space<vmem_shared>>
    tpu.wait_indirect_dma semaphore(%arg14 : memref<!tpu.dma_semaphore, #tpu.memory_space<semaphore_mem>>) src(%dma_wait3A_482 : memref<128x128xf32, #tpu.memory_space<vmem>>) dst(%dma_wait3A_488 : memref<1152x128xf32, #tpu.memory_space<vmem_shared>>)
    %dma_wait3A_489 = arith.constant 10 : i32
    %dma_wait3A_490 = arith.constant 256 : i32
    %dma_wait3A_491 = arith.constant 0 : i32
    %dma_wait3A_492 = tpu.memref_slice %arg7[%dma_wait3A_490, %dma_wait3A_491] : memref<512x128xf32, #tpu.memory_space<vmem>> -> memref<128x128xf32, #tpu.memory_space<vmem>>
    %dma_wait3A_493 = arith.constant 0 : i32
    %dma_wait3A_494 = tpu.memref_slice %arg6[%dma_wait3A_489, %dma_wait3A_493] : memref<12x128xi32, #tpu.memory_space<vmem>> -> memref<1x128xi32, #tpu.memory_space<vmem>>
    %dma_wait3A_495 = tpu.memref_squeeze %dma_wait3A_494 : memref<1x128xi32, #tpu.memory_space<vmem>> -> memref<128xi32, #tpu.memory_space<vmem>>
    %dma_wait3A_496 = arith.constant 0 : i32
    %dma_wait3A_497 = arith.constant 0 : i32
    %dma_wait3A_498 = tpu.memref_slice %arg8[%dma_wait3A_496, %dma_wait3A_497] : memref<1152x128xf32, #tpu.memory_space<vmem_shared>> -> memref<1152x128xf32, #tpu.memory_space<vmem_shared>>
    tpu.wait_indirect_dma semaphore(%arg15 : memref<!tpu.dma_semaphore, #tpu.memory_space<semaphore_mem>>) src(%dma_wait3A_492 : memref<128x128xf32, #tpu.memory_space<vmem>>) dst(%dma_wait3A_498 : memref<1152x128xf32, #tpu.memory_space<vmem_shared>>)
    %dma_wait3A_499 = arith.constant 11 : i32
    %dma_wait3A_500 = arith.constant 384 : i32
    %dma_wait3A_501 = arith.constant 0 : i32
    %dma_wait3A_502 = tpu.memref_slice %arg7[%dma_wait3A_500, %dma_wait3A_501] : memref<512x128xf32, #tpu.memory_space<vmem>> -> memref<128x128xf32, #tpu.memory_space<vmem>>
    %dma_wait3A_503 = arith.constant 0 : i32
    %dma_wait3A_504 = tpu.memref_slice %arg6[%dma_wait3A_499, %dma_wait3A_503] : memref<12x128xi32, #tpu.memory_space<vmem>> -> memref<1x128xi32, #tpu.memory_space<vmem>>
    %dma_wait3A_505 = tpu.memref_squeeze %dma_wait3A_504 : memref<1x128xi32, #tpu.memory_space<vmem>> -> memref<128xi32, #tpu.memory_space<vmem>>
    %dma_wait3A_506 = arith.constant 0 : i32
    %dma_wait3A_507 = arith.constant 0 : i32
    %dma_wait3A_508 = tpu.memref_slice %arg8[%dma_wait3A_506, %dma_wait3A_507] : memref<1152x128xf32, #tpu.memory_space<vmem_shared>> -> memref<1152x128xf32, #tpu.memory_space<vmem_shared>>
    tpu.wait_indirect_dma semaphore(%arg16 : memref<!tpu.dma_semaphore, #tpu.memory_space<semaphore_mem>>) src(%dma_wait3A_502 : memref<128x128xf32, #tpu.memory_space<vmem>>) dst(%dma_wait3A_508 : memref<1152x128xf32, #tpu.memory_space<vmem_shared>>)
    %barrier3A_509 = arith.constant 0 : index
    tpu.barrier barrier_id(%barrier3A_509)
    %mul3A_510 = arith.constant 64 : i32
    %mul3A_511 = arith.muli %arg1, %mul3A_510 : i32
    %mul3A_512 = arith.constant 64 : i32
    %mul3A_513 = arith.muli %arg1, %mul3A_512 : i32
    "tpu.region"() ({
      %run_scoped3A = tpu.sem_alloc : memref<!tpu.dma_semaphore, #tpu.memory_space<semaphore_mem>>
      %dma_start3A_514 = arith.constant 0 : i32
      %dma_start3A_515 = tpu.memref_slice %arg5[%arg0, %mul3A_513, %dma_start3A_514] : memref<2x1024x128xf32, #tpu.memory_space<hbm>> -> memref<1x64x128xf32, #tpu.memory_space<hbm>>
      %dma_start3A_516 = tpu.memref_squeeze %dma_start3A_515 : memref<1x64x128xf32, #tpu.memory_space<hbm>> -> memref<64x128xf32, #tpu.memory_space<hbm>>
      %dma_start3A_517 = arith.constant 0 : i32
      %dma_start3A_518 = tpu.memref_slice %arg8[%mul3A_511, %dma_start3A_517] : memref<1152x128xf32, #tpu.memory_space<vmem_shared>> -> memref<64x128xf32, #tpu.memory_space<vmem_shared>>
      tpu.enqueue_dma source(%dma_start3A_518 : memref<64x128xf32, #tpu.memory_space<vmem_shared>>) target(%dma_start3A_516 : memref<64x128xf32, #tpu.memory_space<hbm>>) target_semaphore(%run_scoped3A : memref<!tpu.dma_semaphore, #tpu.memory_space<semaphore_mem>>)
      %dma_wait3A_519 = arith.constant 0 : i32
      %dma_wait3A_520 = tpu.memref_slice %arg5[%arg0, %mul3A_513, %dma_wait3A_519] : memref<2x1024x128xf32, #tpu.memory_space<hbm>> -> memref<1x64x128xf32, #tpu.memory_space<hbm>>
      %dma_wait3A_521 = tpu.memref_squeeze %dma_wait3A_520 : memref<1x64x128xf32, #tpu.memory_space<hbm>> -> memref<64x128xf32, #tpu.memory_space<hbm>>
      %dma_wait3A_522 = arith.constant 0 : i32
      %dma_wait3A_523 = tpu.memref_slice %arg8[%mul3A_511, %dma_wait3A_522] : memref<1152x128xf32, #tpu.memory_space<vmem_shared>> -> memref<64x128xf32, #tpu.memory_space<vmem_shared>>
      tpu.wait_dma2 semaphore(%run_scoped3A : memref<!tpu.dma_semaphore, #tpu.memory_space<semaphore_mem>>) src(%dma_wait3A_523 : memref<64x128xf32, #tpu.memory_space<vmem_shared>>) dst(%dma_wait3A_521 : memref<64x128xf32, #tpu.memory_space<hbm>>)
      tpu.yield
    }) : () -> ()
    return
  }
}

#map = affine_map<(d0, d1) -> (0, 0)>
#map1 = affine_map<(d0, d1) -> (0, 0, 0)>
module attributes {stable_mosaic.version = 14 : i64} {
  func.func @segsum(%arg0: i32, %arg1: i32, %arg2: memref<53248x128xf32, #tpu.memory_space<hbm>>, %arg3: memref<32x13x128xi32, #tpu.memory_space<hbm>>, %arg4: memref<1152x128xf32, #tpu.memory_space<hbm>>, %arg5: memref<2x1024x128xf32, #tpu.memory_space<hbm>>, %arg6: memref<13x128xi32, #tpu.memory_space<vmem>>, %arg7: memref<512x128xf32, #tpu.memory_space<vmem>>, %arg8: memref<1152x128xf32, #tpu.memory_space<vmem_shared>>, %arg9: memref<!tpu.dma_semaphore, #tpu.memory_space<semaphore_mem>>, %arg10: memref<!tpu.dma_semaphore, #tpu.memory_space<semaphore_mem>>, %arg11: memref<!tpu.dma_semaphore, #tpu.memory_space<semaphore_mem>>, %arg12: memref<!tpu.dma_semaphore, #tpu.memory_space<semaphore_mem>>, %arg13: memref<!tpu.dma_semaphore, #tpu.memory_space<semaphore_mem>>, %arg14: memref<!tpu.dma_semaphore, #tpu.memory_space<semaphore_mem>>, %arg15: memref<!tpu.dma_semaphore, #tpu.memory_space<semaphore_mem>>, %arg16: memref<!tpu.dma_semaphore, #tpu.memory_space<semaphore_mem>>) attributes {dimension_semantics = [#tpu.dimension_semantics<core_parallel>, #tpu.dimension_semantics<subcore_parallel>], iteration_bounds = array<i64: 2, 16>, scalar_prefetch = 0 : i64, scratch_operands = 11 : i64, tpu.core_type = #tpu.core_type<sc_vector_subcore>, window_params = [{transform_indices = #map}, {transform_indices = #map1}, {transform_indices = #map}, {transform_indices = #map1}]} {
    %mul3A = arith.constant 16 : i32
    %mul3A_0 = arith.muli %arg0, %mul3A : i32
    %add3A = arith.addi %mul3A_0, %arg1 : i32
    %mul3A_1 = arith.constant 1664 : i32
    %mul3A_2 = arith.muli %add3A, %mul3A_1 : i32
    "tpu.region"() ({
      %run_scoped3A = tpu.sem_alloc : memref<!tpu.dma_semaphore, #tpu.memory_space<semaphore_mem>>
      %dma_start3A_556 = arith.constant 0 : i32
      %dma_start3A_557 = arith.constant 0 : i32
      %dma_start3A_558 = tpu.memref_slice %arg3[%add3A, %dma_start3A_556, %dma_start3A_557] : memref<32x13x128xi32, #tpu.memory_space<hbm>> -> memref<1x13x128xi32, #tpu.memory_space<hbm>>
      %dma_start3A_559 = tpu.memref_squeeze %dma_start3A_558 : memref<1x13x128xi32, #tpu.memory_space<hbm>> -> memref<13x128xi32, #tpu.memory_space<hbm>>
      %dma_start3A_560 = arith.constant 0 : i32
      %dma_start3A_561 = arith.constant 0 : i32
      %dma_start3A_562 = tpu.memref_slice %arg3[%add3A, %dma_start3A_560, %dma_start3A_561] : memref<32x13x128xi32, #tpu.memory_space<hbm>> -> memref<1x13x128xi32, #tpu.memory_space<hbm>>
      %dma_start3A_563 = tpu.memref_squeeze %dma_start3A_562 : memref<1x13x128xi32, #tpu.memory_space<hbm>> -> memref<13x128xi32, #tpu.memory_space<hbm>>
      tpu.enqueue_dma source(%dma_start3A_563 : memref<13x128xi32, #tpu.memory_space<hbm>>) target(%arg6 : memref<13x128xi32, #tpu.memory_space<vmem>>) target_semaphore(%run_scoped3A : memref<!tpu.dma_semaphore, #tpu.memory_space<semaphore_mem>>)
      %dma_wait3A_564 = arith.constant 0 : i32
      %dma_wait3A_565 = arith.constant 0 : i32
      %dma_wait3A_566 = tpu.memref_slice %arg3[%add3A, %dma_wait3A_564, %dma_wait3A_565] : memref<32x13x128xi32, #tpu.memory_space<hbm>> -> memref<1x13x128xi32, #tpu.memory_space<hbm>>
      %dma_wait3A_567 = tpu.memref_squeeze %dma_wait3A_566 : memref<1x13x128xi32, #tpu.memory_space<hbm>> -> memref<13x128xi32, #tpu.memory_space<hbm>>
      %dma_wait3A_568 = arith.constant 0 : i32
      %dma_wait3A_569 = arith.constant 0 : i32
      %dma_wait3A_570 = tpu.memref_slice %arg3[%add3A, %dma_wait3A_568, %dma_wait3A_569] : memref<32x13x128xi32, #tpu.memory_space<hbm>> -> memref<1x13x128xi32, #tpu.memory_space<hbm>>
      %dma_wait3A_571 = tpu.memref_squeeze %dma_wait3A_570 : memref<1x13x128xi32, #tpu.memory_space<hbm>> -> memref<13x128xi32, #tpu.memory_space<hbm>>
      tpu.wait_dma2 semaphore(%run_scoped3A : memref<!tpu.dma_semaphore, #tpu.memory_space<semaphore_mem>>) src(%dma_wait3A_571 : memref<13x128xi32, #tpu.memory_space<hbm>>) dst(%arg6 : memref<13x128xi32, #tpu.memory_space<vmem>>)
      tpu.yield
    }) : () -> ()
    %mul3A_3 = arith.constant 72 : i32
    %mul3A_4 = arith.muli %arg1, %mul3A_3 : i32
    %mul3A_5 = arith.constant 72 : i32
    %mul3A_6 = arith.muli %arg1, %mul3A_5 : i32
    "tpu.region"() ({
      %run_scoped3A = tpu.sem_alloc : memref<!tpu.dma_semaphore, #tpu.memory_space<semaphore_mem>>
      %dma_start3A_556 = arith.constant 0 : i32
      %dma_start3A_557 = tpu.memref_slice %arg8[%mul3A_6, %dma_start3A_556] : memref<1152x128xf32, #tpu.memory_space<vmem_shared>> -> memref<72x128xf32, #tpu.memory_space<vmem_shared>>
      %dma_start3A_558 = arith.constant 0 : i32
      %dma_start3A_559 = tpu.memref_slice %arg4[%mul3A_4, %dma_start3A_558] : memref<1152x128xf32, #tpu.memory_space<hbm>> -> memref<72x128xf32, #tpu.memory_space<hbm>>
      tpu.enqueue_dma source(%dma_start3A_559 : memref<72x128xf32, #tpu.memory_space<hbm>>) target(%dma_start3A_557 : memref<72x128xf32, #tpu.memory_space<vmem_shared>>) target_semaphore(%run_scoped3A : memref<!tpu.dma_semaphore, #tpu.memory_space<semaphore_mem>>)
      %dma_wait3A_560 = arith.constant 0 : i32
      %dma_wait3A_561 = tpu.memref_slice %arg8[%mul3A_6, %dma_wait3A_560] : memref<1152x128xf32, #tpu.memory_space<vmem_shared>> -> memref<72x128xf32, #tpu.memory_space<vmem_shared>>
      %dma_wait3A_562 = arith.constant 0 : i32
      %dma_wait3A_563 = tpu.memref_slice %arg4[%mul3A_4, %dma_wait3A_562] : memref<1152x128xf32, #tpu.memory_space<hbm>> -> memref<72x128xf32, #tpu.memory_space<hbm>>
      tpu.wait_dma2 semaphore(%run_scoped3A : memref<!tpu.dma_semaphore, #tpu.memory_space<semaphore_mem>>) src(%dma_wait3A_563 : memref<72x128xf32, #tpu.memory_space<hbm>>) dst(%dma_wait3A_561 : memref<72x128xf32, #tpu.memory_space<vmem_shared>>)
      tpu.yield
    }) : () -> ()
    %barrier3A = arith.constant 0 : index
    tpu.barrier barrier_id(%barrier3A)
    %add3A_7 = arith.constant 0 : i32
    %add3A_8 = arith.addi %mul3A_2, %add3A_7 : i32
    %dma_start3A = arith.constant 0 : i32
    %dma_start3A_9 = arith.constant 0 : i32
    %dma_start3A_10 = tpu.memref_slice %arg7[%dma_start3A, %dma_start3A_9] : memref<512x128xf32, #tpu.memory_space<vmem>> -> memref<128x128xf32, #tpu.memory_space<vmem>>
    %dma_start3A_11 = arith.constant 0 : i32
    %dma_start3A_12 = tpu.memref_slice %arg2[%add3A_8, %dma_start3A_11] : memref<53248x128xf32, #tpu.memory_space<hbm>> -> memref<128x128xf32, #tpu.memory_space<hbm>>
    %dma_start3A_13 = arith.constant 0 : i32
    %dma_start3A_14 = arith.constant 0 : i32
    %dma_start3A_15 = tpu.memref_slice %arg7[%dma_start3A_13, %dma_start3A_14] : memref<512x128xf32, #tpu.memory_space<vmem>> -> memref<128x128xf32, #tpu.memory_space<vmem>>
    %dma_start3A_16 = arith.constant 0 : i32
    %dma_start3A_17 = tpu.memref_slice %arg2[%add3A_8, %dma_start3A_16] : memref<53248x128xf32, #tpu.memory_space<hbm>> -> memref<128x128xf32, #tpu.memory_space<hbm>>
    tpu.enqueue_dma source(%dma_start3A_17 : memref<128x128xf32, #tpu.memory_space<hbm>>) target(%dma_start3A_15 : memref<128x128xf32, #tpu.memory_space<vmem>>) target_semaphore(%arg9 : memref<!tpu.dma_semaphore, #tpu.memory_space<semaphore_mem>>)
    %add3A_18 = arith.constant 128 : i32
    %add3A_19 = arith.addi %mul3A_2, %add3A_18 : i32
    %dma_start3A_20 = arith.constant 128 : i32
    %dma_start3A_21 = arith.constant 0 : i32
    %dma_start3A_22 = tpu.memref_slice %arg7[%dma_start3A_20, %dma_start3A_21] : memref<512x128xf32, #tpu.memory_space<vmem>> -> memref<128x128xf32, #tpu.memory_space<vmem>>
    %dma_start3A_23 = arith.constant 0 : i32
    %dma_start3A_24 = tpu.memref_slice %arg2[%add3A_19, %dma_start3A_23] : memref<53248x128xf32, #tpu.memory_space<hbm>> -> memref<128x128xf32, #tpu.memory_space<hbm>>
    %dma_start3A_25 = arith.constant 128 : i32
    %dma_start3A_26 = arith.constant 0 : i32
    %dma_start3A_27 = tpu.memref_slice %arg7[%dma_start3A_25, %dma_start3A_26] : memref<512x128xf32, #tpu.memory_space<vmem>> -> memref<128x128xf32, #tpu.memory_space<vmem>>
    %dma_start3A_28 = arith.constant 0 : i32
    %dma_start3A_29 = tpu.memref_slice %arg2[%add3A_19, %dma_start3A_28] : memref<53248x128xf32, #tpu.memory_space<hbm>> -> memref<128x128xf32, #tpu.memory_space<hbm>>
    tpu.enqueue_dma source(%dma_start3A_29 : memref<128x128xf32, #tpu.memory_space<hbm>>) target(%dma_start3A_27 : memref<128x128xf32, #tpu.memory_space<vmem>>) target_semaphore(%arg10 : memref<!tpu.dma_semaphore, #tpu.memory_space<semaphore_mem>>)
    %add3A_30 = arith.constant 256 : i32
    %add3A_31 = arith.addi %mul3A_2, %add3A_30 : i32
    %dma_start3A_32 = arith.constant 256 : i32
    %dma_start3A_33 = arith.constant 0 : i32
    %dma_start3A_34 = tpu.memref_slice %arg7[%dma_start3A_32, %dma_start3A_33] : memref<512x128xf32, #tpu.memory_space<vmem>> -> memref<128x128xf32, #tpu.memory_space<vmem>>
    %dma_start3A_35 = arith.constant 0 : i32
    %dma_start3A_36 = tpu.memref_slice %arg2[%add3A_31, %dma_start3A_35] : memref<53248x128xf32, #tpu.memory_space<hbm>> -> memref<128x128xf32, #tpu.memory_space<hbm>>
    %dma_start3A_37 = arith.constant 256 : i32
    %dma_start3A_38 = arith.constant 0 : i32
    %dma_start3A_39 = tpu.memref_slice %arg7[%dma_start3A_37, %dma_start3A_38] : memref<512x128xf32, #tpu.memory_space<vmem>> -> memref<128x128xf32, #tpu.memory_space<vmem>>
    %dma_start3A_40 = arith.constant 0 : i32
    %dma_start3A_41 = tpu.memref_slice %arg2[%add3A_31, %dma_start3A_40] : memref<53248x128xf32, #tpu.memory_space<hbm>> -> memref<128x128xf32, #tpu.memory_space<hbm>>
    tpu.enqueue_dma source(%dma_start3A_41 : memref<128x128xf32, #tpu.memory_space<hbm>>) target(%dma_start3A_39 : memref<128x128xf32, #tpu.memory_space<vmem>>) target_semaphore(%arg11 : memref<!tpu.dma_semaphore, #tpu.memory_space<semaphore_mem>>)
    %dma_wait3A = arith.constant 0 : i32
    %dma_wait3A_42 = arith.constant 0 : i32
    %dma_wait3A_43 = tpu.memref_slice %arg7[%dma_wait3A, %dma_wait3A_42] : memref<512x128xf32, #tpu.memory_space<vmem>> -> memref<128x128xf32, #tpu.memory_space<vmem>>
    %dma_wait3A_44 = arith.constant 0 : i32
    %dma_wait3A_45 = tpu.memref_slice %arg2[%add3A_8, %dma_wait3A_44] : memref<53248x128xf32, #tpu.memory_space<hbm>> -> memref<128x128xf32, #tpu.memory_space<hbm>>
    %dma_wait3A_46 = arith.constant 0 : i32
    %dma_wait3A_47 = arith.constant 0 : i32
    %dma_wait3A_48 = tpu.memref_slice %arg7[%dma_wait3A_46, %dma_wait3A_47] : memref<512x128xf32, #tpu.memory_space<vmem>> -> memref<128x128xf32, #tpu.memory_space<vmem>>
    %dma_wait3A_49 = arith.constant 0 : i32
    %dma_wait3A_50 = tpu.memref_slice %arg2[%add3A_8, %dma_wait3A_49] : memref<53248x128xf32, #tpu.memory_space<hbm>> -> memref<128x128xf32, #tpu.memory_space<hbm>>
    tpu.wait_dma2 semaphore(%arg9 : memref<!tpu.dma_semaphore, #tpu.memory_space<semaphore_mem>>) src(%dma_wait3A_50 : memref<128x128xf32, #tpu.memory_space<hbm>>) dst(%dma_wait3A_48 : memref<128x128xf32, #tpu.memory_space<vmem>>)
    %dma_start3A_51 = arith.constant 0 : i32
    %dma_start3A_52 = arith.constant 0 : i32
    %dma_start3A_53 = arith.constant 0 : i32
    %dma_start3A_54 = tpu.memref_slice %arg7[%dma_start3A_52, %dma_start3A_53] : memref<512x128xf32, #tpu.memory_space<vmem>> -> memref<128x128xf32, #tpu.memory_space<vmem>>
    %dma_start3A_55 = arith.constant 0 : i32
    %dma_start3A_56 = tpu.memref_slice %arg6[%dma_start3A_51, %dma_start3A_55] : memref<13x128xi32, #tpu.memory_space<vmem>> -> memref<1x128xi32, #tpu.memory_space<vmem>>
    %dma_start3A_57 = tpu.memref_squeeze %dma_start3A_56 : memref<1x128xi32, #tpu.memory_space<vmem>> -> memref<128xi32, #tpu.memory_space<vmem>>
    %dma_start3A_58 = arith.constant 0 : i32
    %dma_start3A_59 = arith.constant 0 : i32
    %dma_start3A_60 = tpu.memref_slice %arg8[%dma_start3A_58, %dma_start3A_59] : memref<1152x128xf32, #tpu.memory_space<vmem_shared>> -> memref<1152x128xf32, #tpu.memory_space<vmem_shared>>
    tpu.enqueue_indirect_dma source(%dma_start3A_54 : memref<128x128xf32, #tpu.memory_space<vmem>>) target(%dma_start3A_60 : memref<1152x128xf32, #tpu.memory_space<vmem_shared>>) offsets(%dma_start3A_57 : memref<128xi32, #tpu.memory_space<vmem>>) semaphore(%arg13 : memref<!tpu.dma_semaphore, #tpu.memory_space<semaphore_mem>>) {add = true}
    %add3A_61 = arith.constant 384 : i32
    %add3A_62 = arith.addi %mul3A_2, %add3A_61 : i32
    %dma_start3A_63 = arith.constant 384 : i32
    %dma_start3A_64 = arith.constant 0 : i32
    %dma_start3A_65 = tpu.memref_slice %arg7[%dma_start3A_63, %dma_start3A_64] : memref<512x128xf32, #tpu.memory_space<vmem>> -> memref<128x128xf32, #tpu.memory_space<vmem>>
    %dma_start3A_66 = arith.constant 0 : i32
    %dma_start3A_67 = tpu.memref_slice %arg2[%add3A_62, %dma_start3A_66] : memref<53248x128xf32, #tpu.memory_space<hbm>> -> memref<128x128xf32, #tpu.memory_space<hbm>>
    %dma_start3A_68 = arith.constant 384 : i32
    %dma_start3A_69 = arith.constant 0 : i32
    %dma_start3A_70 = tpu.memref_slice %arg7[%dma_start3A_68, %dma_start3A_69] : memref<512x128xf32, #tpu.memory_space<vmem>> -> memref<128x128xf32, #tpu.memory_space<vmem>>
    %dma_start3A_71 = arith.constant 0 : i32
    %dma_start3A_72 = tpu.memref_slice %arg2[%add3A_62, %dma_start3A_71] : memref<53248x128xf32, #tpu.memory_space<hbm>> -> memref<128x128xf32, #tpu.memory_space<hbm>>
    tpu.enqueue_dma source(%dma_start3A_72 : memref<128x128xf32, #tpu.memory_space<hbm>>) target(%dma_start3A_70 : memref<128x128xf32, #tpu.memory_space<vmem>>) target_semaphore(%arg12 : memref<!tpu.dma_semaphore, #tpu.memory_space<semaphore_mem>>)
    %dma_wait3A_73 = arith.constant 128 : i32
    %dma_wait3A_74 = arith.constant 0 : i32
    %dma_wait3A_75 = tpu.memref_slice %arg7[%dma_wait3A_73, %dma_wait3A_74] : memref<512x128xf32, #tpu.memory_space<vmem>> -> memref<128x128xf32, #tpu.memory_space<vmem>>
    %dma_wait3A_76 = arith.constant 0 : i32
    %dma_wait3A_77 = tpu.memref_slice %arg2[%add3A_19, %dma_wait3A_76] : memref<53248x128xf32, #tpu.memory_space<hbm>> -> memref<128x128xf32, #tpu.memory_space<hbm>>
    %dma_wait3A_78 = arith.constant 128 : i32
    %dma_wait3A_79 = arith.constant 0 : i32
    %dma_wait3A_80 = tpu.memref_slice %arg7[%dma_wait3A_78, %dma_wait3A_79] : memref<512x128xf32, #tpu.memory_space<vmem>> -> memref<128x128xf32, #tpu.memory_space<vmem>>
    %dma_wait3A_81 = arith.constant 0 : i32
    %dma_wait3A_82 = tpu.memref_slice %arg2[%add3A_19, %dma_wait3A_81] : memref<53248x128xf32, #tpu.memory_space<hbm>> -> memref<128x128xf32, #tpu.memory_space<hbm>>
    tpu.wait_dma2 semaphore(%arg10 : memref<!tpu.dma_semaphore, #tpu.memory_space<semaphore_mem>>) src(%dma_wait3A_82 : memref<128x128xf32, #tpu.memory_space<hbm>>) dst(%dma_wait3A_80 : memref<128x128xf32, #tpu.memory_space<vmem>>)
    %dma_start3A_83 = arith.constant 1 : i32
    %dma_start3A_84 = arith.constant 128 : i32
    %dma_start3A_85 = arith.constant 0 : i32
    %dma_start3A_86 = tpu.memref_slice %arg7[%dma_start3A_84, %dma_start3A_85] : memref<512x128xf32, #tpu.memory_space<vmem>> -> memref<128x128xf32, #tpu.memory_space<vmem>>
    %dma_start3A_87 = arith.constant 0 : i32
    %dma_start3A_88 = tpu.memref_slice %arg6[%dma_start3A_83, %dma_start3A_87] : memref<13x128xi32, #tpu.memory_space<vmem>> -> memref<1x128xi32, #tpu.memory_space<vmem>>
    %dma_start3A_89 = tpu.memref_squeeze %dma_start3A_88 : memref<1x128xi32, #tpu.memory_space<vmem>> -> memref<128xi32, #tpu.memory_space<vmem>>
    %dma_start3A_90 = arith.constant 0 : i32
    %dma_start3A_91 = arith.constant 0 : i32
    %dma_start3A_92 = tpu.memref_slice %arg8[%dma_start3A_90, %dma_start3A_91] : memref<1152x128xf32, #tpu.memory_space<vmem_shared>> -> memref<1152x128xf32, #tpu.memory_space<vmem_shared>>
    tpu.enqueue_indirect_dma source(%dma_start3A_86 : memref<128x128xf32, #tpu.memory_space<vmem>>) target(%dma_start3A_92 : memref<1152x128xf32, #tpu.memory_space<vmem_shared>>) offsets(%dma_start3A_89 : memref<128xi32, #tpu.memory_space<vmem>>) semaphore(%arg14 : memref<!tpu.dma_semaphore, #tpu.memory_space<semaphore_mem>>) {add = true}
    %dma_wait3A_93 = arith.constant 0 : i32
    %dma_wait3A_94 = arith.constant 0 : i32
    %dma_wait3A_95 = arith.constant 0 : i32
    %dma_wait3A_96 = tpu.memref_slice %arg7[%dma_wait3A_94, %dma_wait3A_95] : memref<512x128xf32, #tpu.memory_space<vmem>> -> memref<128x128xf32, #tpu.memory_space<vmem>>
    %dma_wait3A_97 = arith.constant 0 : i32
    %dma_wait3A_98 = tpu.memref_slice %arg6[%dma_wait3A_93, %dma_wait3A_97] : memref<13x128xi32, #tpu.memory_space<vmem>> -> memref<1x128xi32, #tpu.memory_space<vmem>>
    %dma_wait3A_99 = tpu.memref_squeeze %dma_wait3A_98 : memref<1x128xi32, #tpu.memory_space<vmem>> -> memref<128xi32, #tpu.memory_space<vmem>>
    %dma_wait3A_100 = arith.constant 0 : i32
    %dma_wait3A_101 = arith.constant 0 : i32
    %dma_wait3A_102 = tpu.memref_slice %arg8[%dma_wait3A_100, %dma_wait3A_101] : memref<1152x128xf32, #tpu.memory_space<vmem_shared>> -> memref<1152x128xf32, #tpu.memory_space<vmem_shared>>
    tpu.wait_indirect_dma semaphore(%arg13 : memref<!tpu.dma_semaphore, #tpu.memory_space<semaphore_mem>>) src(%dma_wait3A_96 : memref<128x128xf32, #tpu.memory_space<vmem>>) dst(%dma_wait3A_102 : memref<1152x128xf32, #tpu.memory_space<vmem_shared>>)
    %add3A_103 = arith.constant 512 : i32
    %add3A_104 = arith.addi %mul3A_2, %add3A_103 : i32
    %dma_start3A_105 = arith.constant 0 : i32
    %dma_start3A_106 = arith.constant 0 : i32
    %dma_start3A_107 = tpu.memref_slice %arg7[%dma_start3A_105, %dma_start3A_106] : memref<512x128xf32, #tpu.memory_space<vmem>> -> memref<128x128xf32, #tpu.memory_space<vmem>>
    %dma_start3A_108 = arith.constant 0 : i32
    %dma_start3A_109 = tpu.memref_slice %arg2[%add3A_104, %dma_start3A_108] : memref<53248x128xf32, #tpu.memory_space<hbm>> -> memref<128x128xf32, #tpu.memory_space<hbm>>
    %dma_start3A_110 = arith.constant 0 : i32
    %dma_start3A_111 = arith.constant 0 : i32
    %dma_start3A_112 = tpu.memref_slice %arg7[%dma_start3A_110, %dma_start3A_111] : memref<512x128xf32, #tpu.memory_space<vmem>> -> memref<128x128xf32, #tpu.memory_space<vmem>>
    %dma_start3A_113 = arith.constant 0 : i32
    %dma_start3A_114 = tpu.memref_slice %arg2[%add3A_104, %dma_start3A_113] : memref<53248x128xf32, #tpu.memory_space<hbm>> -> memref<128x128xf32, #tpu.memory_space<hbm>>
    tpu.enqueue_dma source(%dma_start3A_114 : memref<128x128xf32, #tpu.memory_space<hbm>>) target(%dma_start3A_112 : memref<128x128xf32, #tpu.memory_space<vmem>>) target_semaphore(%arg9 : memref<!tpu.dma_semaphore, #tpu.memory_space<semaphore_mem>>)
    %dma_wait3A_115 = arith.constant 256 : i32
    %dma_wait3A_116 = arith.constant 0 : i32
    %dma_wait3A_117 = tpu.memref_slice %arg7[%dma_wait3A_115, %dma_wait3A_116] : memref<512x128xf32, #tpu.memory_space<vmem>> -> memref<128x128xf32, #tpu.memory_space<vmem>>
    %dma_wait3A_118 = arith.constant 0 : i32
    %dma_wait3A_119 = tpu.memref_slice %arg2[%add3A_31, %dma_wait3A_118] : memref<53248x128xf32, #tpu.memory_space<hbm>> -> memref<128x128xf32, #tpu.memory_space<hbm>>
    %dma_wait3A_120 = arith.constant 256 : i32
    %dma_wait3A_121 = arith.constant 0 : i32
    %dma_wait3A_122 = tpu.memref_slice %arg7[%dma_wait3A_120, %dma_wait3A_121] : memref<512x128xf32, #tpu.memory_space<vmem>> -> memref<128x128xf32, #tpu.memory_space<vmem>>
    %dma_wait3A_123 = arith.constant 0 : i32
    %dma_wait3A_124 = tpu.memref_slice %arg2[%add3A_31, %dma_wait3A_123] : memref<53248x128xf32, #tpu.memory_space<hbm>> -> memref<128x128xf32, #tpu.memory_space<hbm>>
    tpu.wait_dma2 semaphore(%arg11 : memref<!tpu.dma_semaphore, #tpu.memory_space<semaphore_mem>>) src(%dma_wait3A_124 : memref<128x128xf32, #tpu.memory_space<hbm>>) dst(%dma_wait3A_122 : memref<128x128xf32, #tpu.memory_space<vmem>>)
    %dma_start3A_125 = arith.constant 2 : i32
    %dma_start3A_126 = arith.constant 256 : i32
    %dma_start3A_127 = arith.constant 0 : i32
    %dma_start3A_128 = tpu.memref_slice %arg7[%dma_start3A_126, %dma_start3A_127] : memref<512x128xf32, #tpu.memory_space<vmem>> -> memref<128x128xf32, #tpu.memory_space<vmem>>
    %dma_start3A_129 = arith.constant 0 : i32
    %dma_start3A_130 = tpu.memref_slice %arg6[%dma_start3A_125, %dma_start3A_129] : memref<13x128xi32, #tpu.memory_space<vmem>> -> memref<1x128xi32, #tpu.memory_space<vmem>>
    %dma_start3A_131 = tpu.memref_squeeze %dma_start3A_130 : memref<1x128xi32, #tpu.memory_space<vmem>> -> memref<128xi32, #tpu.memory_space<vmem>>
    %dma_start3A_132 = arith.constant 0 : i32
    %dma_start3A_133 = arith.constant 0 : i32
    %dma_start3A_134 = tpu.memref_slice %arg8[%dma_start3A_132, %dma_start3A_133] : memref<1152x128xf32, #tpu.memory_space<vmem_shared>> -> memref<1152x128xf32, #tpu.memory_space<vmem_shared>>
    tpu.enqueue_indirect_dma source(%dma_start3A_128 : memref<128x128xf32, #tpu.memory_space<vmem>>) target(%dma_start3A_134 : memref<1152x128xf32, #tpu.memory_space<vmem_shared>>) offsets(%dma_start3A_131 : memref<128xi32, #tpu.memory_space<vmem>>) semaphore(%arg15 : memref<!tpu.dma_semaphore, #tpu.memory_space<semaphore_mem>>) {add = true}
    %dma_wait3A_135 = arith.constant 1 : i32
    %dma_wait3A_136 = arith.constant 128 : i32
    %dma_wait3A_137 = arith.constant 0 : i32
    %dma_wait3A_138 = tpu.memref_slice %arg7[%dma_wait3A_136, %dma_wait3A_137] : memref<512x128xf32, #tpu.memory_space<vmem>> -> memref<128x128xf32, #tpu.memory_space<vmem>>
    %dma_wait3A_139 = arith.constant 0 : i32
    %dma_wait3A_140 = tpu.memref_slice %arg6[%dma_wait3A_135, %dma_wait3A_139] : memref<13x128xi32, #tpu.memory_space<vmem>> -> memref<1x128xi32, #tpu.memory_space<vmem>>
    %dma_wait3A_141 = tpu.memref_squeeze %dma_wait3A_140 : memref<1x128xi32, #tpu.memory_space<vmem>> -> memref<128xi32, #tpu.memory_space<vmem>>
    %dma_wait3A_142 = arith.constant 0 : i32
    %dma_wait3A_143 = arith.constant 0 : i32
    %dma_wait3A_144 = tpu.memref_slice %arg8[%dma_wait3A_142, %dma_wait3A_143] : memref<1152x128xf32, #tpu.memory_space<vmem_shared>> -> memref<1152x128xf32, #tpu.memory_space<vmem_shared>>
    tpu.wait_indirect_dma semaphore(%arg14 : memref<!tpu.dma_semaphore, #tpu.memory_space<semaphore_mem>>) src(%dma_wait3A_138 : memref<128x128xf32, #tpu.memory_space<vmem>>) dst(%dma_wait3A_144 : memref<1152x128xf32, #tpu.memory_space<vmem_shared>>)
    %add3A_145 = arith.constant 640 : i32
    %add3A_146 = arith.addi %mul3A_2, %add3A_145 : i32
    %dma_start3A_147 = arith.constant 128 : i32
    %dma_start3A_148 = arith.constant 0 : i32
    %dma_start3A_149 = tpu.memref_slice %arg7[%dma_start3A_147, %dma_start3A_148] : memref<512x128xf32, #tpu.memory_space<vmem>> -> memref<128x128xf32, #tpu.memory_space<vmem>>
    %dma_start3A_150 = arith.constant 0 : i32
    %dma_start3A_151 = tpu.memref_slice %arg2[%add3A_146, %dma_start3A_150] : memref<53248x128xf32, #tpu.memory_space<hbm>> -> memref<128x128xf32, #tpu.memory_space<hbm>>
    %dma_start3A_152 = arith.constant 128 : i32
    %dma_start3A_153 = arith.constant 0 : i32
    %dma_start3A_154 = tpu.memref_slice %arg7[%dma_start3A_152, %dma_start3A_153] : memref<512x128xf32, #tpu.memory_space<vmem>> -> memref<128x128xf32, #tpu.memory_space<vmem>>
    %dma_start3A_155 = arith.constant 0 : i32
    %dma_start3A_156 = tpu.memref_slice %arg2[%add3A_146, %dma_start3A_155] : memref<53248x128xf32, #tpu.memory_space<hbm>> -> memref<128x128xf32, #tpu.memory_space<hbm>>
    tpu.enqueue_dma source(%dma_start3A_156 : memref<128x128xf32, #tpu.memory_space<hbm>>) target(%dma_start3A_154 : memref<128x128xf32, #tpu.memory_space<vmem>>) target_semaphore(%arg10 : memref<!tpu.dma_semaphore, #tpu.memory_space<semaphore_mem>>)
    %dma_wait3A_157 = arith.constant 384 : i32
    %dma_wait3A_158 = arith.constant 0 : i32
    %dma_wait3A_159 = tpu.memref_slice %arg7[%dma_wait3A_157, %dma_wait3A_158] : memref<512x128xf32, #tpu.memory_space<vmem>> -> memref<128x128xf32, #tpu.memory_space<vmem>>
    %dma_wait3A_160 = arith.constant 0 : i32
    %dma_wait3A_161 = tpu.memref_slice %arg2[%add3A_62, %dma_wait3A_160] : memref<53248x128xf32, #tpu.memory_space<hbm>> -> memref<128x128xf32, #tpu.memory_space<hbm>>
    %dma_wait3A_162 = arith.constant 384 : i32
    %dma_wait3A_163 = arith.constant 0 : i32
    %dma_wait3A_164 = tpu.memref_slice %arg7[%dma_wait3A_162, %dma_wait3A_163] : memref<512x128xf32, #tpu.memory_space<vmem>> -> memref<128x128xf32, #tpu.memory_space<vmem>>
    %dma_wait3A_165 = arith.constant 0 : i32
    %dma_wait3A_166 = tpu.memref_slice %arg2[%add3A_62, %dma_wait3A_165] : memref<53248x128xf32, #tpu.memory_space<hbm>> -> memref<128x128xf32, #tpu.memory_space<hbm>>
    tpu.wait_dma2 semaphore(%arg12 : memref<!tpu.dma_semaphore, #tpu.memory_space<semaphore_mem>>) src(%dma_wait3A_166 : memref<128x128xf32, #tpu.memory_space<hbm>>) dst(%dma_wait3A_164 : memref<128x128xf32, #tpu.memory_space<vmem>>)
    %dma_start3A_167 = arith.constant 3 : i32
    %dma_start3A_168 = arith.constant 384 : i32
    %dma_start3A_169 = arith.constant 0 : i32
    %dma_start3A_170 = tpu.memref_slice %arg7[%dma_start3A_168, %dma_start3A_169] : memref<512x128xf32, #tpu.memory_space<vmem>> -> memref<128x128xf32, #tpu.memory_space<vmem>>
    %dma_start3A_171 = arith.constant 0 : i32
    %dma_start3A_172 = tpu.memref_slice %arg6[%dma_start3A_167, %dma_start3A_171] : memref<13x128xi32, #tpu.memory_space<vmem>> -> memref<1x128xi32, #tpu.memory_space<vmem>>
    %dma_start3A_173 = tpu.memref_squeeze %dma_start3A_172 : memref<1x128xi32, #tpu.memory_space<vmem>> -> memref<128xi32, #tpu.memory_space<vmem>>
    %dma_start3A_174 = arith.constant 0 : i32
    %dma_start3A_175 = arith.constant 0 : i32
    %dma_start3A_176 = tpu.memref_slice %arg8[%dma_start3A_174, %dma_start3A_175] : memref<1152x128xf32, #tpu.memory_space<vmem_shared>> -> memref<1152x128xf32, #tpu.memory_space<vmem_shared>>
    tpu.enqueue_indirect_dma source(%dma_start3A_170 : memref<128x128xf32, #tpu.memory_space<vmem>>) target(%dma_start3A_176 : memref<1152x128xf32, #tpu.memory_space<vmem_shared>>) offsets(%dma_start3A_173 : memref<128xi32, #tpu.memory_space<vmem>>) semaphore(%arg16 : memref<!tpu.dma_semaphore, #tpu.memory_space<semaphore_mem>>) {add = true}
    %dma_wait3A_177 = arith.constant 2 : i32
    %dma_wait3A_178 = arith.constant 256 : i32
    %dma_wait3A_179 = arith.constant 0 : i32
    %dma_wait3A_180 = tpu.memref_slice %arg7[%dma_wait3A_178, %dma_wait3A_179] : memref<512x128xf32, #tpu.memory_space<vmem>> -> memref<128x128xf32, #tpu.memory_space<vmem>>
    %dma_wait3A_181 = arith.constant 0 : i32
    %dma_wait3A_182 = tpu.memref_slice %arg6[%dma_wait3A_177, %dma_wait3A_181] : memref<13x128xi32, #tpu.memory_space<vmem>> -> memref<1x128xi32, #tpu.memory_space<vmem>>
    %dma_wait3A_183 = tpu.memref_squeeze %dma_wait3A_182 : memref<1x128xi32, #tpu.memory_space<vmem>> -> memref<128xi32, #tpu.memory_space<vmem>>
    %dma_wait3A_184 = arith.constant 0 : i32
    %dma_wait3A_185 = arith.constant 0 : i32
    %dma_wait3A_186 = tpu.memref_slice %arg8[%dma_wait3A_184, %dma_wait3A_185] : memref<1152x128xf32, #tpu.memory_space<vmem_shared>> -> memref<1152x128xf32, #tpu.memory_space<vmem_shared>>
    tpu.wait_indirect_dma semaphore(%arg15 : memref<!tpu.dma_semaphore, #tpu.memory_space<semaphore_mem>>) src(%dma_wait3A_180 : memref<128x128xf32, #tpu.memory_space<vmem>>) dst(%dma_wait3A_186 : memref<1152x128xf32, #tpu.memory_space<vmem_shared>>)
    %add3A_187 = arith.constant 768 : i32
    %add3A_188 = arith.addi %mul3A_2, %add3A_187 : i32
    %dma_start3A_189 = arith.constant 256 : i32
    %dma_start3A_190 = arith.constant 0 : i32
    %dma_start3A_191 = tpu.memref_slice %arg7[%dma_start3A_189, %dma_start3A_190] : memref<512x128xf32, #tpu.memory_space<vmem>> -> memref<128x128xf32, #tpu.memory_space<vmem>>
    %dma_start3A_192 = arith.constant 0 : i32
    %dma_start3A_193 = tpu.memref_slice %arg2[%add3A_188, %dma_start3A_192] : memref<53248x128xf32, #tpu.memory_space<hbm>> -> memref<128x128xf32, #tpu.memory_space<hbm>>
    %dma_start3A_194 = arith.constant 256 : i32
    %dma_start3A_195 = arith.constant 0 : i32
    %dma_start3A_196 = tpu.memref_slice %arg7[%dma_start3A_194, %dma_start3A_195] : memref<512x128xf32, #tpu.memory_space<vmem>> -> memref<128x128xf32, #tpu.memory_space<vmem>>
    %dma_start3A_197 = arith.constant 0 : i32
    %dma_start3A_198 = tpu.memref_slice %arg2[%add3A_188, %dma_start3A_197] : memref<53248x128xf32, #tpu.memory_space<hbm>> -> memref<128x128xf32, #tpu.memory_space<hbm>>
    tpu.enqueue_dma source(%dma_start3A_198 : memref<128x128xf32, #tpu.memory_space<hbm>>) target(%dma_start3A_196 : memref<128x128xf32, #tpu.memory_space<vmem>>) target_semaphore(%arg11 : memref<!tpu.dma_semaphore, #tpu.memory_space<semaphore_mem>>)
    %dma_wait3A_199 = arith.constant 0 : i32
    %dma_wait3A_200 = arith.constant 0 : i32
    %dma_wait3A_201 = tpu.memref_slice %arg7[%dma_wait3A_199, %dma_wait3A_200] : memref<512x128xf32, #tpu.memory_space<vmem>> -> memref<128x128xf32, #tpu.memory_space<vmem>>
    %dma_wait3A_202 = arith.constant 0 : i32
    %dma_wait3A_203 = tpu.memref_slice %arg2[%add3A_104, %dma_wait3A_202] : memref<53248x128xf32, #tpu.memory_space<hbm>> -> memref<128x128xf32, #tpu.memory_space<hbm>>
    %dma_wait3A_204 = arith.constant 0 : i32
    %dma_wait3A_205 = arith.constant 0 : i32
    %dma_wait3A_206 = tpu.memref_slice %arg7[%dma_wait3A_204, %dma_wait3A_205] : memref<512x128xf32, #tpu.memory_space<vmem>> -> memref<128x128xf32, #tpu.memory_space<vmem>>
    %dma_wait3A_207 = arith.constant 0 : i32
    %dma_wait3A_208 = tpu.memref_slice %arg2[%add3A_104, %dma_wait3A_207] : memref<53248x128xf32, #tpu.memory_space<hbm>> -> memref<128x128xf32, #tpu.memory_space<hbm>>
    tpu.wait_dma2 semaphore(%arg9 : memref<!tpu.dma_semaphore, #tpu.memory_space<semaphore_mem>>) src(%dma_wait3A_208 : memref<128x128xf32, #tpu.memory_space<hbm>>) dst(%dma_wait3A_206 : memref<128x128xf32, #tpu.memory_space<vmem>>)
    %dma_start3A_209 = arith.constant 4 : i32
    %dma_start3A_210 = arith.constant 0 : i32
    %dma_start3A_211 = arith.constant 0 : i32
    %dma_start3A_212 = tpu.memref_slice %arg7[%dma_start3A_210, %dma_start3A_211] : memref<512x128xf32, #tpu.memory_space<vmem>> -> memref<128x128xf32, #tpu.memory_space<vmem>>
    %dma_start3A_213 = arith.constant 0 : i32
    %dma_start3A_214 = tpu.memref_slice %arg6[%dma_start3A_209, %dma_start3A_213] : memref<13x128xi32, #tpu.memory_space<vmem>> -> memref<1x128xi32, #tpu.memory_space<vmem>>
    %dma_start3A_215 = tpu.memref_squeeze %dma_start3A_214 : memref<1x128xi32, #tpu.memory_space<vmem>> -> memref<128xi32, #tpu.memory_space<vmem>>
    %dma_start3A_216 = arith.constant 0 : i32
    %dma_start3A_217 = arith.constant 0 : i32
    %dma_start3A_218 = tpu.memref_slice %arg8[%dma_start3A_216, %dma_start3A_217] : memref<1152x128xf32, #tpu.memory_space<vmem_shared>> -> memref<1152x128xf32, #tpu.memory_space<vmem_shared>>
    tpu.enqueue_indirect_dma source(%dma_start3A_212 : memref<128x128xf32, #tpu.memory_space<vmem>>) target(%dma_start3A_218 : memref<1152x128xf32, #tpu.memory_space<vmem_shared>>) offsets(%dma_start3A_215 : memref<128xi32, #tpu.memory_space<vmem>>) semaphore(%arg13 : memref<!tpu.dma_semaphore, #tpu.memory_space<semaphore_mem>>) {add = true}
    %dma_wait3A_219 = arith.constant 3 : i32
    %dma_wait3A_220 = arith.constant 384 : i32
    %dma_wait3A_221 = arith.constant 0 : i32
    %dma_wait3A_222 = tpu.memref_slice %arg7[%dma_wait3A_220, %dma_wait3A_221] : memref<512x128xf32, #tpu.memory_space<vmem>> -> memref<128x128xf32, #tpu.memory_space<vmem>>
    %dma_wait3A_223 = arith.constant 0 : i32
    %dma_wait3A_224 = tpu.memref_slice %arg6[%dma_wait3A_219, %dma_wait3A_223] : memref<13x128xi32, #tpu.memory_space<vmem>> -> memref<1x128xi32, #tpu.memory_space<vmem>>
    %dma_wait3A_225 = tpu.memref_squeeze %dma_wait3A_224 : memref<1x128xi32, #tpu.memory_space<vmem>> -> memref<128xi32, #tpu.memory_space<vmem>>
    %dma_wait3A_226 = arith.constant 0 : i32
    %dma_wait3A_227 = arith.constant 0 : i32
    %dma_wait3A_228 = tpu.memref_slice %arg8[%dma_wait3A_226, %dma_wait3A_227] : memref<1152x128xf32, #tpu.memory_space<vmem_shared>> -> memref<1152x128xf32, #tpu.memory_space<vmem_shared>>
    tpu.wait_indirect_dma semaphore(%arg16 : memref<!tpu.dma_semaphore, #tpu.memory_space<semaphore_mem>>) src(%dma_wait3A_222 : memref<128x128xf32, #tpu.memory_space<vmem>>) dst(%dma_wait3A_228 : memref<1152x128xf32, #tpu.memory_space<vmem_shared>>)
    %add3A_229 = arith.constant 896 : i32
    %add3A_230 = arith.addi %mul3A_2, %add3A_229 : i32
    %dma_start3A_231 = arith.constant 384 : i32
    %dma_start3A_232 = arith.constant 0 : i32
    %dma_start3A_233 = tpu.memref_slice %arg7[%dma_start3A_231, %dma_start3A_232] : memref<512x128xf32, #tpu.memory_space<vmem>> -> memref<128x128xf32, #tpu.memory_space<vmem>>
    %dma_start3A_234 = arith.constant 0 : i32
    %dma_start3A_235 = tpu.memref_slice %arg2[%add3A_230, %dma_start3A_234] : memref<53248x128xf32, #tpu.memory_space<hbm>> -> memref<128x128xf32, #tpu.memory_space<hbm>>
    %dma_start3A_236 = arith.constant 384 : i32
    %dma_start3A_237 = arith.constant 0 : i32
    %dma_start3A_238 = tpu.memref_slice %arg7[%dma_start3A_236, %dma_start3A_237] : memref<512x128xf32, #tpu.memory_space<vmem>> -> memref<128x128xf32, #tpu.memory_space<vmem>>
    %dma_start3A_239 = arith.constant 0 : i32
    %dma_start3A_240 = tpu.memref_slice %arg2[%add3A_230, %dma_start3A_239] : memref<53248x128xf32, #tpu.memory_space<hbm>> -> memref<128x128xf32, #tpu.memory_space<hbm>>
    tpu.enqueue_dma source(%dma_start3A_240 : memref<128x128xf32, #tpu.memory_space<hbm>>) target(%dma_start3A_238 : memref<128x128xf32, #tpu.memory_space<vmem>>) target_semaphore(%arg12 : memref<!tpu.dma_semaphore, #tpu.memory_space<semaphore_mem>>)
    %dma_wait3A_241 = arith.constant 128 : i32
    %dma_wait3A_242 = arith.constant 0 : i32
    %dma_wait3A_243 = tpu.memref_slice %arg7[%dma_wait3A_241, %dma_wait3A_242] : memref<512x128xf32, #tpu.memory_space<vmem>> -> memref<128x128xf32, #tpu.memory_space<vmem>>
    %dma_wait3A_244 = arith.constant 0 : i32
    %dma_wait3A_245 = tpu.memref_slice %arg2[%add3A_146, %dma_wait3A_244] : memref<53248x128xf32, #tpu.memory_space<hbm>> -> memref<128x128xf32, #tpu.memory_space<hbm>>
    %dma_wait3A_246 = arith.constant 128 : i32
    %dma_wait3A_247 = arith.constant 0 : i32
    %dma_wait3A_248 = tpu.memref_slice %arg7[%dma_wait3A_246, %dma_wait3A_247] : memref<512x128xf32, #tpu.memory_space<vmem>> -> memref<128x128xf32, #tpu.memory_space<vmem>>
    %dma_wait3A_249 = arith.constant 0 : i32
    %dma_wait3A_250 = tpu.memref_slice %arg2[%add3A_146, %dma_wait3A_249] : memref<53248x128xf32, #tpu.memory_space<hbm>> -> memref<128x128xf32, #tpu.memory_space<hbm>>
    tpu.wait_dma2 semaphore(%arg10 : memref<!tpu.dma_semaphore, #tpu.memory_space<semaphore_mem>>) src(%dma_wait3A_250 : memref<128x128xf32, #tpu.memory_space<hbm>>) dst(%dma_wait3A_248 : memref<128x128xf32, #tpu.memory_space<vmem>>)
    %dma_start3A_251 = arith.constant 5 : i32
    %dma_start3A_252 = arith.constant 128 : i32
    %dma_start3A_253 = arith.constant 0 : i32
    %dma_start3A_254 = tpu.memref_slice %arg7[%dma_start3A_252, %dma_start3A_253] : memref<512x128xf32, #tpu.memory_space<vmem>> -> memref<128x128xf32, #tpu.memory_space<vmem>>
    %dma_start3A_255 = arith.constant 0 : i32
    %dma_start3A_256 = tpu.memref_slice %arg6[%dma_start3A_251, %dma_start3A_255] : memref<13x128xi32, #tpu.memory_space<vmem>> -> memref<1x128xi32, #tpu.memory_space<vmem>>
    %dma_start3A_257 = tpu.memref_squeeze %dma_start3A_256 : memref<1x128xi32, #tpu.memory_space<vmem>> -> memref<128xi32, #tpu.memory_space<vmem>>
    %dma_start3A_258 = arith.constant 0 : i32
    %dma_start3A_259 = arith.constant 0 : i32
    %dma_start3A_260 = tpu.memref_slice %arg8[%dma_start3A_258, %dma_start3A_259] : memref<1152x128xf32, #tpu.memory_space<vmem_shared>> -> memref<1152x128xf32, #tpu.memory_space<vmem_shared>>
    tpu.enqueue_indirect_dma source(%dma_start3A_254 : memref<128x128xf32, #tpu.memory_space<vmem>>) target(%dma_start3A_260 : memref<1152x128xf32, #tpu.memory_space<vmem_shared>>) offsets(%dma_start3A_257 : memref<128xi32, #tpu.memory_space<vmem>>) semaphore(%arg14 : memref<!tpu.dma_semaphore, #tpu.memory_space<semaphore_mem>>) {add = true}
    %dma_wait3A_261 = arith.constant 4 : i32
    %dma_wait3A_262 = arith.constant 0 : i32
    %dma_wait3A_263 = arith.constant 0 : i32
    %dma_wait3A_264 = tpu.memref_slice %arg7[%dma_wait3A_262, %dma_wait3A_263] : memref<512x128xf32, #tpu.memory_space<vmem>> -> memref<128x128xf32, #tpu.memory_space<vmem>>
    %dma_wait3A_265 = arith.constant 0 : i32
    %dma_wait3A_266 = tpu.memref_slice %arg6[%dma_wait3A_261, %dma_wait3A_265] : memref<13x128xi32, #tpu.memory_space<vmem>> -> memref<1x128xi32, #tpu.memory_space<vmem>>
    %dma_wait3A_267 = tpu.memref_squeeze %dma_wait3A_266 : memref<1x128xi32, #tpu.memory_space<vmem>> -> memref<128xi32, #tpu.memory_space<vmem>>
    %dma_wait3A_268 = arith.constant 0 : i32
    %dma_wait3A_269 = arith.constant 0 : i32
    %dma_wait3A_270 = tpu.memref_slice %arg8[%dma_wait3A_268, %dma_wait3A_269] : memref<1152x128xf32, #tpu.memory_space<vmem_shared>> -> memref<1152x128xf32, #tpu.memory_space<vmem_shared>>
    tpu.wait_indirect_dma semaphore(%arg13 : memref<!tpu.dma_semaphore, #tpu.memory_space<semaphore_mem>>) src(%dma_wait3A_264 : memref<128x128xf32, #tpu.memory_space<vmem>>) dst(%dma_wait3A_270 : memref<1152x128xf32, #tpu.memory_space<vmem_shared>>)
    %add3A_271 = arith.constant 1024 : i32
    %add3A_272 = arith.addi %mul3A_2, %add3A_271 : i32
    %dma_start3A_273 = arith.constant 0 : i32
    %dma_start3A_274 = arith.constant 0 : i32
    %dma_start3A_275 = tpu.memref_slice %arg7[%dma_start3A_273, %dma_start3A_274] : memref<512x128xf32, #tpu.memory_space<vmem>> -> memref<128x128xf32, #tpu.memory_space<vmem>>
    %dma_start3A_276 = arith.constant 0 : i32
    %dma_start3A_277 = tpu.memref_slice %arg2[%add3A_272, %dma_start3A_276] : memref<53248x128xf32, #tpu.memory_space<hbm>> -> memref<128x128xf32, #tpu.memory_space<hbm>>
    %dma_start3A_278 = arith.constant 0 : i32
    %dma_start3A_279 = arith.constant 0 : i32
    %dma_start3A_280 = tpu.memref_slice %arg7[%dma_start3A_278, %dma_start3A_279] : memref<512x128xf32, #tpu.memory_space<vmem>> -> memref<128x128xf32, #tpu.memory_space<vmem>>
    %dma_start3A_281 = arith.constant 0 : i32
    %dma_start3A_282 = tpu.memref_slice %arg2[%add3A_272, %dma_start3A_281] : memref<53248x128xf32, #tpu.memory_space<hbm>> -> memref<128x128xf32, #tpu.memory_space<hbm>>
    tpu.enqueue_dma source(%dma_start3A_282 : memref<128x128xf32, #tpu.memory_space<hbm>>) target(%dma_start3A_280 : memref<128x128xf32, #tpu.memory_space<vmem>>) target_semaphore(%arg9 : memref<!tpu.dma_semaphore, #tpu.memory_space<semaphore_mem>>)
    %dma_wait3A_283 = arith.constant 256 : i32
    %dma_wait3A_284 = arith.constant 0 : i32
    %dma_wait3A_285 = tpu.memref_slice %arg7[%dma_wait3A_283, %dma_wait3A_284] : memref<512x128xf32, #tpu.memory_space<vmem>> -> memref<128x128xf32, #tpu.memory_space<vmem>>
    %dma_wait3A_286 = arith.constant 0 : i32
    %dma_wait3A_287 = tpu.memref_slice %arg2[%add3A_188, %dma_wait3A_286] : memref<53248x128xf32, #tpu.memory_space<hbm>> -> memref<128x128xf32, #tpu.memory_space<hbm>>
    %dma_wait3A_288 = arith.constant 256 : i32
    %dma_wait3A_289 = arith.constant 0 : i32
    %dma_wait3A_290 = tpu.memref_slice %arg7[%dma_wait3A_288, %dma_wait3A_289] : memref<512x128xf32, #tpu.memory_space<vmem>> -> memref<128x128xf32, #tpu.memory_space<vmem>>
    %dma_wait3A_291 = arith.constant 0 : i32
    %dma_wait3A_292 = tpu.memref_slice %arg2[%add3A_188, %dma_wait3A_291] : memref<53248x128xf32, #tpu.memory_space<hbm>> -> memref<128x128xf32, #tpu.memory_space<hbm>>
    tpu.wait_dma2 semaphore(%arg11 : memref<!tpu.dma_semaphore, #tpu.memory_space<semaphore_mem>>) src(%dma_wait3A_292 : memref<128x128xf32, #tpu.memory_space<hbm>>) dst(%dma_wait3A_290 : memref<128x128xf32, #tpu.memory_space<vmem>>)
    %dma_start3A_293 = arith.constant 6 : i32
    %dma_start3A_294 = arith.constant 256 : i32
    %dma_start3A_295 = arith.constant 0 : i32
    %dma_start3A_296 = tpu.memref_slice %arg7[%dma_start3A_294, %dma_start3A_295] : memref<512x128xf32, #tpu.memory_space<vmem>> -> memref<128x128xf32, #tpu.memory_space<vmem>>
    %dma_start3A_297 = arith.constant 0 : i32
    %dma_start3A_298 = tpu.memref_slice %arg6[%dma_start3A_293, %dma_start3A_297] : memref<13x128xi32, #tpu.memory_space<vmem>> -> memref<1x128xi32, #tpu.memory_space<vmem>>
    %dma_start3A_299 = tpu.memref_squeeze %dma_start3A_298 : memref<1x128xi32, #tpu.memory_space<vmem>> -> memref<128xi32, #tpu.memory_space<vmem>>
    %dma_start3A_300 = arith.constant 0 : i32
    %dma_start3A_301 = arith.constant 0 : i32
    %dma_start3A_302 = tpu.memref_slice %arg8[%dma_start3A_300, %dma_start3A_301] : memref<1152x128xf32, #tpu.memory_space<vmem_shared>> -> memref<1152x128xf32, #tpu.memory_space<vmem_shared>>
    tpu.enqueue_indirect_dma source(%dma_start3A_296 : memref<128x128xf32, #tpu.memory_space<vmem>>) target(%dma_start3A_302 : memref<1152x128xf32, #tpu.memory_space<vmem_shared>>) offsets(%dma_start3A_299 : memref<128xi32, #tpu.memory_space<vmem>>) semaphore(%arg15 : memref<!tpu.dma_semaphore, #tpu.memory_space<semaphore_mem>>) {add = true}
    %dma_wait3A_303 = arith.constant 5 : i32
    %dma_wait3A_304 = arith.constant 128 : i32
    %dma_wait3A_305 = arith.constant 0 : i32
    %dma_wait3A_306 = tpu.memref_slice %arg7[%dma_wait3A_304, %dma_wait3A_305] : memref<512x128xf32, #tpu.memory_space<vmem>> -> memref<128x128xf32, #tpu.memory_space<vmem>>
    %dma_wait3A_307 = arith.constant 0 : i32
    %dma_wait3A_308 = tpu.memref_slice %arg6[%dma_wait3A_303, %dma_wait3A_307] : memref<13x128xi32, #tpu.memory_space<vmem>> -> memref<1x128xi32, #tpu.memory_space<vmem>>
    %dma_wait3A_309 = tpu.memref_squeeze %dma_wait3A_308 : memref<1x128xi32, #tpu.memory_space<vmem>> -> memref<128xi32, #tpu.memory_space<vmem>>
    %dma_wait3A_310 = arith.constant 0 : i32
    %dma_wait3A_311 = arith.constant 0 : i32
    %dma_wait3A_312 = tpu.memref_slice %arg8[%dma_wait3A_310, %dma_wait3A_311] : memref<1152x128xf32, #tpu.memory_space<vmem_shared>> -> memref<1152x128xf32, #tpu.memory_space<vmem_shared>>
    tpu.wait_indirect_dma semaphore(%arg14 : memref<!tpu.dma_semaphore, #tpu.memory_space<semaphore_mem>>) src(%dma_wait3A_306 : memref<128x128xf32, #tpu.memory_space<vmem>>) dst(%dma_wait3A_312 : memref<1152x128xf32, #tpu.memory_space<vmem_shared>>)
    %add3A_313 = arith.constant 1152 : i32
    %add3A_314 = arith.addi %mul3A_2, %add3A_313 : i32
    %dma_start3A_315 = arith.constant 128 : i32
    %dma_start3A_316 = arith.constant 0 : i32
    %dma_start3A_317 = tpu.memref_slice %arg7[%dma_start3A_315, %dma_start3A_316] : memref<512x128xf32, #tpu.memory_space<vmem>> -> memref<128x128xf32, #tpu.memory_space<vmem>>
    %dma_start3A_318 = arith.constant 0 : i32
    %dma_start3A_319 = tpu.memref_slice %arg2[%add3A_314, %dma_start3A_318] : memref<53248x128xf32, #tpu.memory_space<hbm>> -> memref<128x128xf32, #tpu.memory_space<hbm>>
    %dma_start3A_320 = arith.constant 128 : i32
    %dma_start3A_321 = arith.constant 0 : i32
    %dma_start3A_322 = tpu.memref_slice %arg7[%dma_start3A_320, %dma_start3A_321] : memref<512x128xf32, #tpu.memory_space<vmem>> -> memref<128x128xf32, #tpu.memory_space<vmem>>
    %dma_start3A_323 = arith.constant 0 : i32
    %dma_start3A_324 = tpu.memref_slice %arg2[%add3A_314, %dma_start3A_323] : memref<53248x128xf32, #tpu.memory_space<hbm>> -> memref<128x128xf32, #tpu.memory_space<hbm>>
    tpu.enqueue_dma source(%dma_start3A_324 : memref<128x128xf32, #tpu.memory_space<hbm>>) target(%dma_start3A_322 : memref<128x128xf32, #tpu.memory_space<vmem>>) target_semaphore(%arg10 : memref<!tpu.dma_semaphore, #tpu.memory_space<semaphore_mem>>)
    %dma_wait3A_325 = arith.constant 384 : i32
    %dma_wait3A_326 = arith.constant 0 : i32
    %dma_wait3A_327 = tpu.memref_slice %arg7[%dma_wait3A_325, %dma_wait3A_326] : memref<512x128xf32, #tpu.memory_space<vmem>> -> memref<128x128xf32, #tpu.memory_space<vmem>>
    %dma_wait3A_328 = arith.constant 0 : i32
    %dma_wait3A_329 = tpu.memref_slice %arg2[%add3A_230, %dma_wait3A_328] : memref<53248x128xf32, #tpu.memory_space<hbm>> -> memref<128x128xf32, #tpu.memory_space<hbm>>
    %dma_wait3A_330 = arith.constant 384 : i32
    %dma_wait3A_331 = arith.constant 0 : i32
    %dma_wait3A_332 = tpu.memref_slice %arg7[%dma_wait3A_330, %dma_wait3A_331] : memref<512x128xf32, #tpu.memory_space<vmem>> -> memref<128x128xf32, #tpu.memory_space<vmem>>
    %dma_wait3A_333 = arith.constant 0 : i32
    %dma_wait3A_334 = tpu.memref_slice %arg2[%add3A_230, %dma_wait3A_333] : memref<53248x128xf32, #tpu.memory_space<hbm>> -> memref<128x128xf32, #tpu.memory_space<hbm>>
    tpu.wait_dma2 semaphore(%arg12 : memref<!tpu.dma_semaphore, #tpu.memory_space<semaphore_mem>>) src(%dma_wait3A_334 : memref<128x128xf32, #tpu.memory_space<hbm>>) dst(%dma_wait3A_332 : memref<128x128xf32, #tpu.memory_space<vmem>>)
    %dma_start3A_335 = arith.constant 7 : i32
    %dma_start3A_336 = arith.constant 384 : i32
    %dma_start3A_337 = arith.constant 0 : i32
    %dma_start3A_338 = tpu.memref_slice %arg7[%dma_start3A_336, %dma_start3A_337] : memref<512x128xf32, #tpu.memory_space<vmem>> -> memref<128x128xf32, #tpu.memory_space<vmem>>
    %dma_start3A_339 = arith.constant 0 : i32
    %dma_start3A_340 = tpu.memref_slice %arg6[%dma_start3A_335, %dma_start3A_339] : memref<13x128xi32, #tpu.memory_space<vmem>> -> memref<1x128xi32, #tpu.memory_space<vmem>>
    %dma_start3A_341 = tpu.memref_squeeze %dma_start3A_340 : memref<1x128xi32, #tpu.memory_space<vmem>> -> memref<128xi32, #tpu.memory_space<vmem>>
    %dma_start3A_342 = arith.constant 0 : i32
    %dma_start3A_343 = arith.constant 0 : i32
    %dma_start3A_344 = tpu.memref_slice %arg8[%dma_start3A_342, %dma_start3A_343] : memref<1152x128xf32, #tpu.memory_space<vmem_shared>> -> memref<1152x128xf32, #tpu.memory_space<vmem_shared>>
    tpu.enqueue_indirect_dma source(%dma_start3A_338 : memref<128x128xf32, #tpu.memory_space<vmem>>) target(%dma_start3A_344 : memref<1152x128xf32, #tpu.memory_space<vmem_shared>>) offsets(%dma_start3A_341 : memref<128xi32, #tpu.memory_space<vmem>>) semaphore(%arg16 : memref<!tpu.dma_semaphore, #tpu.memory_space<semaphore_mem>>) {add = true}
    %dma_wait3A_345 = arith.constant 6 : i32
    %dma_wait3A_346 = arith.constant 256 : i32
    %dma_wait3A_347 = arith.constant 0 : i32
    %dma_wait3A_348 = tpu.memref_slice %arg7[%dma_wait3A_346, %dma_wait3A_347] : memref<512x128xf32, #tpu.memory_space<vmem>> -> memref<128x128xf32, #tpu.memory_space<vmem>>
    %dma_wait3A_349 = arith.constant 0 : i32
    %dma_wait3A_350 = tpu.memref_slice %arg6[%dma_wait3A_345, %dma_wait3A_349] : memref<13x128xi32, #tpu.memory_space<vmem>> -> memref<1x128xi32, #tpu.memory_space<vmem>>
    %dma_wait3A_351 = tpu.memref_squeeze %dma_wait3A_350 : memref<1x128xi32, #tpu.memory_space<vmem>> -> memref<128xi32, #tpu.memory_space<vmem>>
    %dma_wait3A_352 = arith.constant 0 : i32
    %dma_wait3A_353 = arith.constant 0 : i32
    %dma_wait3A_354 = tpu.memref_slice %arg8[%dma_wait3A_352, %dma_wait3A_353] : memref<1152x128xf32, #tpu.memory_space<vmem_shared>> -> memref<1152x128xf32, #tpu.memory_space<vmem_shared>>
    tpu.wait_indirect_dma semaphore(%arg15 : memref<!tpu.dma_semaphore, #tpu.memory_space<semaphore_mem>>) src(%dma_wait3A_348 : memref<128x128xf32, #tpu.memory_space<vmem>>) dst(%dma_wait3A_354 : memref<1152x128xf32, #tpu.memory_space<vmem_shared>>)
    %add3A_355 = arith.constant 1280 : i32
    %add3A_356 = arith.addi %mul3A_2, %add3A_355 : i32
    %dma_start3A_357 = arith.constant 256 : i32
    %dma_start3A_358 = arith.constant 0 : i32
    %dma_start3A_359 = tpu.memref_slice %arg7[%dma_start3A_357, %dma_start3A_358] : memref<512x128xf32, #tpu.memory_space<vmem>> -> memref<128x128xf32, #tpu.memory_space<vmem>>
    %dma_start3A_360 = arith.constant 0 : i32
    %dma_start3A_361 = tpu.memref_slice %arg2[%add3A_356, %dma_start3A_360] : memref<53248x128xf32, #tpu.memory_space<hbm>> -> memref<128x128xf32, #tpu.memory_space<hbm>>
    %dma_start3A_362 = arith.constant 256 : i32
    %dma_start3A_363 = arith.constant 0 : i32
    %dma_start3A_364 = tpu.memref_slice %arg7[%dma_start3A_362, %dma_start3A_363] : memref<512x128xf32, #tpu.memory_space<vmem>> -> memref<128x128xf32, #tpu.memory_space<vmem>>
    %dma_start3A_365 = arith.constant 0 : i32
    %dma_start3A_366 = tpu.memref_slice %arg2[%add3A_356, %dma_start3A_365] : memref<53248x128xf32, #tpu.memory_space<hbm>> -> memref<128x128xf32, #tpu.memory_space<hbm>>
    tpu.enqueue_dma source(%dma_start3A_366 : memref<128x128xf32, #tpu.memory_space<hbm>>) target(%dma_start3A_364 : memref<128x128xf32, #tpu.memory_space<vmem>>) target_semaphore(%arg11 : memref<!tpu.dma_semaphore, #tpu.memory_space<semaphore_mem>>)
    %dma_wait3A_367 = arith.constant 0 : i32
    %dma_wait3A_368 = arith.constant 0 : i32
    %dma_wait3A_369 = tpu.memref_slice %arg7[%dma_wait3A_367, %dma_wait3A_368] : memref<512x128xf32, #tpu.memory_space<vmem>> -> memref<128x128xf32, #tpu.memory_space<vmem>>
    %dma_wait3A_370 = arith.constant 0 : i32
    %dma_wait3A_371 = tpu.memref_slice %arg2[%add3A_272, %dma_wait3A_370] : memref<53248x128xf32, #tpu.memory_space<hbm>> -> memref<128x128xf32, #tpu.memory_space<hbm>>
    %dma_wait3A_372 = arith.constant 0 : i32
    %dma_wait3A_373 = arith.constant 0 : i32
    %dma_wait3A_374 = tpu.memref_slice %arg7[%dma_wait3A_372, %dma_wait3A_373] : memref<512x128xf32, #tpu.memory_space<vmem>> -> memref<128x128xf32, #tpu.memory_space<vmem>>
    %dma_wait3A_375 = arith.constant 0 : i32
    %dma_wait3A_376 = tpu.memref_slice %arg2[%add3A_272, %dma_wait3A_375] : memref<53248x128xf32, #tpu.memory_space<hbm>> -> memref<128x128xf32, #tpu.memory_space<hbm>>
    tpu.wait_dma2 semaphore(%arg9 : memref<!tpu.dma_semaphore, #tpu.memory_space<semaphore_mem>>) src(%dma_wait3A_376 : memref<128x128xf32, #tpu.memory_space<hbm>>) dst(%dma_wait3A_374 : memref<128x128xf32, #tpu.memory_space<vmem>>)
    %dma_start3A_377 = arith.constant 8 : i32
    %dma_start3A_378 = arith.constant 0 : i32
    %dma_start3A_379 = arith.constant 0 : i32
    %dma_start3A_380 = tpu.memref_slice %arg7[%dma_start3A_378, %dma_start3A_379] : memref<512x128xf32, #tpu.memory_space<vmem>> -> memref<128x128xf32, #tpu.memory_space<vmem>>
    %dma_start3A_381 = arith.constant 0 : i32
    %dma_start3A_382 = tpu.memref_slice %arg6[%dma_start3A_377, %dma_start3A_381] : memref<13x128xi32, #tpu.memory_space<vmem>> -> memref<1x128xi32, #tpu.memory_space<vmem>>
    %dma_start3A_383 = tpu.memref_squeeze %dma_start3A_382 : memref<1x128xi32, #tpu.memory_space<vmem>> -> memref<128xi32, #tpu.memory_space<vmem>>
    %dma_start3A_384 = arith.constant 0 : i32
    %dma_start3A_385 = arith.constant 0 : i32
    %dma_start3A_386 = tpu.memref_slice %arg8[%dma_start3A_384, %dma_start3A_385] : memref<1152x128xf32, #tpu.memory_space<vmem_shared>> -> memref<1152x128xf32, #tpu.memory_space<vmem_shared>>
    tpu.enqueue_indirect_dma source(%dma_start3A_380 : memref<128x128xf32, #tpu.memory_space<vmem>>) target(%dma_start3A_386 : memref<1152x128xf32, #tpu.memory_space<vmem_shared>>) offsets(%dma_start3A_383 : memref<128xi32, #tpu.memory_space<vmem>>) semaphore(%arg13 : memref<!tpu.dma_semaphore, #tpu.memory_space<semaphore_mem>>) {add = true}
    %dma_wait3A_387 = arith.constant 7 : i32
    %dma_wait3A_388 = arith.constant 384 : i32
    %dma_wait3A_389 = arith.constant 0 : i32
    %dma_wait3A_390 = tpu.memref_slice %arg7[%dma_wait3A_388, %dma_wait3A_389] : memref<512x128xf32, #tpu.memory_space<vmem>> -> memref<128x128xf32, #tpu.memory_space<vmem>>
    %dma_wait3A_391 = arith.constant 0 : i32
    %dma_wait3A_392 = tpu.memref_slice %arg6[%dma_wait3A_387, %dma_wait3A_391] : memref<13x128xi32, #tpu.memory_space<vmem>> -> memref<1x128xi32, #tpu.memory_space<vmem>>
    %dma_wait3A_393 = tpu.memref_squeeze %dma_wait3A_392 : memref<1x128xi32, #tpu.memory_space<vmem>> -> memref<128xi32, #tpu.memory_space<vmem>>
    %dma_wait3A_394 = arith.constant 0 : i32
    %dma_wait3A_395 = arith.constant 0 : i32
    %dma_wait3A_396 = tpu.memref_slice %arg8[%dma_wait3A_394, %dma_wait3A_395] : memref<1152x128xf32, #tpu.memory_space<vmem_shared>> -> memref<1152x128xf32, #tpu.memory_space<vmem_shared>>
    tpu.wait_indirect_dma semaphore(%arg16 : memref<!tpu.dma_semaphore, #tpu.memory_space<semaphore_mem>>) src(%dma_wait3A_390 : memref<128x128xf32, #tpu.memory_space<vmem>>) dst(%dma_wait3A_396 : memref<1152x128xf32, #tpu.memory_space<vmem_shared>>)
    %add3A_397 = arith.constant 1408 : i32
    %add3A_398 = arith.addi %mul3A_2, %add3A_397 : i32
    %dma_start3A_399 = arith.constant 384 : i32
    %dma_start3A_400 = arith.constant 0 : i32
    %dma_start3A_401 = tpu.memref_slice %arg7[%dma_start3A_399, %dma_start3A_400] : memref<512x128xf32, #tpu.memory_space<vmem>> -> memref<128x128xf32, #tpu.memory_space<vmem>>
    %dma_start3A_402 = arith.constant 0 : i32
    %dma_start3A_403 = tpu.memref_slice %arg2[%add3A_398, %dma_start3A_402] : memref<53248x128xf32, #tpu.memory_space<hbm>> -> memref<128x128xf32, #tpu.memory_space<hbm>>
    %dma_start3A_404 = arith.constant 384 : i32
    %dma_start3A_405 = arith.constant 0 : i32
    %dma_start3A_406 = tpu.memref_slice %arg7[%dma_start3A_404, %dma_start3A_405] : memref<512x128xf32, #tpu.memory_space<vmem>> -> memref<128x128xf32, #tpu.memory_space<vmem>>
    %dma_start3A_407 = arith.constant 0 : i32
    %dma_start3A_408 = tpu.memref_slice %arg2[%add3A_398, %dma_start3A_407] : memref<53248x128xf32, #tpu.memory_space<hbm>> -> memref<128x128xf32, #tpu.memory_space<hbm>>
    tpu.enqueue_dma source(%dma_start3A_408 : memref<128x128xf32, #tpu.memory_space<hbm>>) target(%dma_start3A_406 : memref<128x128xf32, #tpu.memory_space<vmem>>) target_semaphore(%arg12 : memref<!tpu.dma_semaphore, #tpu.memory_space<semaphore_mem>>)
    %dma_wait3A_409 = arith.constant 128 : i32
    %dma_wait3A_410 = arith.constant 0 : i32
    %dma_wait3A_411 = tpu.memref_slice %arg7[%dma_wait3A_409, %dma_wait3A_410] : memref<512x128xf32, #tpu.memory_space<vmem>> -> memref<128x128xf32, #tpu.memory_space<vmem>>
    %dma_wait3A_412 = arith.constant 0 : i32
    %dma_wait3A_413 = tpu.memref_slice %arg2[%add3A_314, %dma_wait3A_412] : memref<53248x128xf32, #tpu.memory_space<hbm>> -> memref<128x128xf32, #tpu.memory_space<hbm>>
    %dma_wait3A_414 = arith.constant 128 : i32
    %dma_wait3A_415 = arith.constant 0 : i32
    %dma_wait3A_416 = tpu.memref_slice %arg7[%dma_wait3A_414, %dma_wait3A_415] : memref<512x128xf32, #tpu.memory_space<vmem>> -> memref<128x128xf32, #tpu.memory_space<vmem>>
    %dma_wait3A_417 = arith.constant 0 : i32
    %dma_wait3A_418 = tpu.memref_slice %arg2[%add3A_314, %dma_wait3A_417] : memref<53248x128xf32, #tpu.memory_space<hbm>> -> memref<128x128xf32, #tpu.memory_space<hbm>>
    tpu.wait_dma2 semaphore(%arg10 : memref<!tpu.dma_semaphore, #tpu.memory_space<semaphore_mem>>) src(%dma_wait3A_418 : memref<128x128xf32, #tpu.memory_space<hbm>>) dst(%dma_wait3A_416 : memref<128x128xf32, #tpu.memory_space<vmem>>)
    %dma_start3A_419 = arith.constant 9 : i32
    %dma_start3A_420 = arith.constant 128 : i32
    %dma_start3A_421 = arith.constant 0 : i32
    %dma_start3A_422 = tpu.memref_slice %arg7[%dma_start3A_420, %dma_start3A_421] : memref<512x128xf32, #tpu.memory_space<vmem>> -> memref<128x128xf32, #tpu.memory_space<vmem>>
    %dma_start3A_423 = arith.constant 0 : i32
    %dma_start3A_424 = tpu.memref_slice %arg6[%dma_start3A_419, %dma_start3A_423] : memref<13x128xi32, #tpu.memory_space<vmem>> -> memref<1x128xi32, #tpu.memory_space<vmem>>
    %dma_start3A_425 = tpu.memref_squeeze %dma_start3A_424 : memref<1x128xi32, #tpu.memory_space<vmem>> -> memref<128xi32, #tpu.memory_space<vmem>>
    %dma_start3A_426 = arith.constant 0 : i32
    %dma_start3A_427 = arith.constant 0 : i32
    %dma_start3A_428 = tpu.memref_slice %arg8[%dma_start3A_426, %dma_start3A_427] : memref<1152x128xf32, #tpu.memory_space<vmem_shared>> -> memref<1152x128xf32, #tpu.memory_space<vmem_shared>>
    tpu.enqueue_indirect_dma source(%dma_start3A_422 : memref<128x128xf32, #tpu.memory_space<vmem>>) target(%dma_start3A_428 : memref<1152x128xf32, #tpu.memory_space<vmem_shared>>) offsets(%dma_start3A_425 : memref<128xi32, #tpu.memory_space<vmem>>) semaphore(%arg14 : memref<!tpu.dma_semaphore, #tpu.memory_space<semaphore_mem>>) {add = true}
    %dma_wait3A_429 = arith.constant 8 : i32
    %dma_wait3A_430 = arith.constant 0 : i32
    %dma_wait3A_431 = arith.constant 0 : i32
    %dma_wait3A_432 = tpu.memref_slice %arg7[%dma_wait3A_430, %dma_wait3A_431] : memref<512x128xf32, #tpu.memory_space<vmem>> -> memref<128x128xf32, #tpu.memory_space<vmem>>
    %dma_wait3A_433 = arith.constant 0 : i32
    %dma_wait3A_434 = tpu.memref_slice %arg6[%dma_wait3A_429, %dma_wait3A_433] : memref<13x128xi32, #tpu.memory_space<vmem>> -> memref<1x128xi32, #tpu.memory_space<vmem>>
    %dma_wait3A_435 = tpu.memref_squeeze %dma_wait3A_434 : memref<1x128xi32, #tpu.memory_space<vmem>> -> memref<128xi32, #tpu.memory_space<vmem>>
    %dma_wait3A_436 = arith.constant 0 : i32
    %dma_wait3A_437 = arith.constant 0 : i32
    %dma_wait3A_438 = tpu.memref_slice %arg8[%dma_wait3A_436, %dma_wait3A_437] : memref<1152x128xf32, #tpu.memory_space<vmem_shared>> -> memref<1152x128xf32, #tpu.memory_space<vmem_shared>>
    tpu.wait_indirect_dma semaphore(%arg13 : memref<!tpu.dma_semaphore, #tpu.memory_space<semaphore_mem>>) src(%dma_wait3A_432 : memref<128x128xf32, #tpu.memory_space<vmem>>) dst(%dma_wait3A_438 : memref<1152x128xf32, #tpu.memory_space<vmem_shared>>)
    %add3A_439 = arith.constant 1536 : i32
    %add3A_440 = arith.addi %mul3A_2, %add3A_439 : i32
    %dma_start3A_441 = arith.constant 0 : i32
    %dma_start3A_442 = arith.constant 0 : i32
    %dma_start3A_443 = tpu.memref_slice %arg7[%dma_start3A_441, %dma_start3A_442] : memref<512x128xf32, #tpu.memory_space<vmem>> -> memref<128x128xf32, #tpu.memory_space<vmem>>
    %dma_start3A_444 = arith.constant 0 : i32
    %dma_start3A_445 = tpu.memref_slice %arg2[%add3A_440, %dma_start3A_444] : memref<53248x128xf32, #tpu.memory_space<hbm>> -> memref<128x128xf32, #tpu.memory_space<hbm>>
    %dma_start3A_446 = arith.constant 0 : i32
    %dma_start3A_447 = arith.constant 0 : i32
    %dma_start3A_448 = tpu.memref_slice %arg7[%dma_start3A_446, %dma_start3A_447] : memref<512x128xf32, #tpu.memory_space<vmem>> -> memref<128x128xf32, #tpu.memory_space<vmem>>
    %dma_start3A_449 = arith.constant 0 : i32
    %dma_start3A_450 = tpu.memref_slice %arg2[%add3A_440, %dma_start3A_449] : memref<53248x128xf32, #tpu.memory_space<hbm>> -> memref<128x128xf32, #tpu.memory_space<hbm>>
    tpu.enqueue_dma source(%dma_start3A_450 : memref<128x128xf32, #tpu.memory_space<hbm>>) target(%dma_start3A_448 : memref<128x128xf32, #tpu.memory_space<vmem>>) target_semaphore(%arg9 : memref<!tpu.dma_semaphore, #tpu.memory_space<semaphore_mem>>)
    %dma_wait3A_451 = arith.constant 256 : i32
    %dma_wait3A_452 = arith.constant 0 : i32
    %dma_wait3A_453 = tpu.memref_slice %arg7[%dma_wait3A_451, %dma_wait3A_452] : memref<512x128xf32, #tpu.memory_space<vmem>> -> memref<128x128xf32, #tpu.memory_space<vmem>>
    %dma_wait3A_454 = arith.constant 0 : i32
    %dma_wait3A_455 = tpu.memref_slice %arg2[%add3A_356, %dma_wait3A_454] : memref<53248x128xf32, #tpu.memory_space<hbm>> -> memref<128x128xf32, #tpu.memory_space<hbm>>
    %dma_wait3A_456 = arith.constant 256 : i32
    %dma_wait3A_457 = arith.constant 0 : i32
    %dma_wait3A_458 = tpu.memref_slice %arg7[%dma_wait3A_456, %dma_wait3A_457] : memref<512x128xf32, #tpu.memory_space<vmem>> -> memref<128x128xf32, #tpu.memory_space<vmem>>
    %dma_wait3A_459 = arith.constant 0 : i32
    %dma_wait3A_460 = tpu.memref_slice %arg2[%add3A_356, %dma_wait3A_459] : memref<53248x128xf32, #tpu.memory_space<hbm>> -> memref<128x128xf32, #tpu.memory_space<hbm>>
    tpu.wait_dma2 semaphore(%arg11 : memref<!tpu.dma_semaphore, #tpu.memory_space<semaphore_mem>>) src(%dma_wait3A_460 : memref<128x128xf32, #tpu.memory_space<hbm>>) dst(%dma_wait3A_458 : memref<128x128xf32, #tpu.memory_space<vmem>>)
    %dma_start3A_461 = arith.constant 10 : i32
    %dma_start3A_462 = arith.constant 256 : i32
    %dma_start3A_463 = arith.constant 0 : i32
    %dma_start3A_464 = tpu.memref_slice %arg7[%dma_start3A_462, %dma_start3A_463] : memref<512x128xf32, #tpu.memory_space<vmem>> -> memref<128x128xf32, #tpu.memory_space<vmem>>
    %dma_start3A_465 = arith.constant 0 : i32
    %dma_start3A_466 = tpu.memref_slice %arg6[%dma_start3A_461, %dma_start3A_465] : memref<13x128xi32, #tpu.memory_space<vmem>> -> memref<1x128xi32, #tpu.memory_space<vmem>>
    %dma_start3A_467 = tpu.memref_squeeze %dma_start3A_466 : memref<1x128xi32, #tpu.memory_space<vmem>> -> memref<128xi32, #tpu.memory_space<vmem>>
    %dma_start3A_468 = arith.constant 0 : i32
    %dma_start3A_469 = arith.constant 0 : i32
    %dma_start3A_470 = tpu.memref_slice %arg8[%dma_start3A_468, %dma_start3A_469] : memref<1152x128xf32, #tpu.memory_space<vmem_shared>> -> memref<1152x128xf32, #tpu.memory_space<vmem_shared>>
    tpu.enqueue_indirect_dma source(%dma_start3A_464 : memref<128x128xf32, #tpu.memory_space<vmem>>) target(%dma_start3A_470 : memref<1152x128xf32, #tpu.memory_space<vmem_shared>>) offsets(%dma_start3A_467 : memref<128xi32, #tpu.memory_space<vmem>>) semaphore(%arg15 : memref<!tpu.dma_semaphore, #tpu.memory_space<semaphore_mem>>) {add = true}
    %dma_wait3A_471 = arith.constant 384 : i32
    %dma_wait3A_472 = arith.constant 0 : i32
    %dma_wait3A_473 = tpu.memref_slice %arg7[%dma_wait3A_471, %dma_wait3A_472] : memref<512x128xf32, #tpu.memory_space<vmem>> -> memref<128x128xf32, #tpu.memory_space<vmem>>
    %dma_wait3A_474 = arith.constant 0 : i32
    %dma_wait3A_475 = tpu.memref_slice %arg2[%add3A_398, %dma_wait3A_474] : memref<53248x128xf32, #tpu.memory_space<hbm>> -> memref<128x128xf32, #tpu.memory_space<hbm>>
    %dma_wait3A_476 = arith.constant 384 : i32
    %dma_wait3A_477 = arith.constant 0 : i32
    %dma_wait3A_478 = tpu.memref_slice %arg7[%dma_wait3A_476, %dma_wait3A_477] : memref<512x128xf32, #tpu.memory_space<vmem>> -> memref<128x128xf32, #tpu.memory_space<vmem>>
    %dma_wait3A_479 = arith.constant 0 : i32
    %dma_wait3A_480 = tpu.memref_slice %arg2[%add3A_398, %dma_wait3A_479] : memref<53248x128xf32, #tpu.memory_space<hbm>> -> memref<128x128xf32, #tpu.memory_space<hbm>>
    tpu.wait_dma2 semaphore(%arg12 : memref<!tpu.dma_semaphore, #tpu.memory_space<semaphore_mem>>) src(%dma_wait3A_480 : memref<128x128xf32, #tpu.memory_space<hbm>>) dst(%dma_wait3A_478 : memref<128x128xf32, #tpu.memory_space<vmem>>)
    %dma_start3A_481 = arith.constant 11 : i32
    %dma_start3A_482 = arith.constant 384 : i32
    %dma_start3A_483 = arith.constant 0 : i32
    %dma_start3A_484 = tpu.memref_slice %arg7[%dma_start3A_482, %dma_start3A_483] : memref<512x128xf32, #tpu.memory_space<vmem>> -> memref<128x128xf32, #tpu.memory_space<vmem>>
    %dma_start3A_485 = arith.constant 0 : i32
    %dma_start3A_486 = tpu.memref_slice %arg6[%dma_start3A_481, %dma_start3A_485] : memref<13x128xi32, #tpu.memory_space<vmem>> -> memref<1x128xi32, #tpu.memory_space<vmem>>
    %dma_start3A_487 = tpu.memref_squeeze %dma_start3A_486 : memref<1x128xi32, #tpu.memory_space<vmem>> -> memref<128xi32, #tpu.memory_space<vmem>>
    %dma_start3A_488 = arith.constant 0 : i32
    %dma_start3A_489 = arith.constant 0 : i32
    %dma_start3A_490 = tpu.memref_slice %arg8[%dma_start3A_488, %dma_start3A_489] : memref<1152x128xf32, #tpu.memory_space<vmem_shared>> -> memref<1152x128xf32, #tpu.memory_space<vmem_shared>>
    tpu.enqueue_indirect_dma source(%dma_start3A_484 : memref<128x128xf32, #tpu.memory_space<vmem>>) target(%dma_start3A_490 : memref<1152x128xf32, #tpu.memory_space<vmem_shared>>) offsets(%dma_start3A_487 : memref<128xi32, #tpu.memory_space<vmem>>) semaphore(%arg16 : memref<!tpu.dma_semaphore, #tpu.memory_space<semaphore_mem>>) {add = true}
    %dma_wait3A_491 = arith.constant 0 : i32
    %dma_wait3A_492 = arith.constant 0 : i32
    %dma_wait3A_493 = tpu.memref_slice %arg7[%dma_wait3A_491, %dma_wait3A_492] : memref<512x128xf32, #tpu.memory_space<vmem>> -> memref<128x128xf32, #tpu.memory_space<vmem>>
    %dma_wait3A_494 = arith.constant 0 : i32
    %dma_wait3A_495 = tpu.memref_slice %arg2[%add3A_440, %dma_wait3A_494] : memref<53248x128xf32, #tpu.memory_space<hbm>> -> memref<128x128xf32, #tpu.memory_space<hbm>>
    %dma_wait3A_496 = arith.constant 0 : i32
    %dma_wait3A_497 = arith.constant 0 : i32
    %dma_wait3A_498 = tpu.memref_slice %arg7[%dma_wait3A_496, %dma_wait3A_497] : memref<512x128xf32, #tpu.memory_space<vmem>> -> memref<128x128xf32, #tpu.memory_space<vmem>>
    %dma_wait3A_499 = arith.constant 0 : i32
    %dma_wait3A_500 = tpu.memref_slice %arg2[%add3A_440, %dma_wait3A_499] : memref<53248x128xf32, #tpu.memory_space<hbm>> -> memref<128x128xf32, #tpu.memory_space<hbm>>
    tpu.wait_dma2 semaphore(%arg9 : memref<!tpu.dma_semaphore, #tpu.memory_space<semaphore_mem>>) src(%dma_wait3A_500 : memref<128x128xf32, #tpu.memory_space<hbm>>) dst(%dma_wait3A_498 : memref<128x128xf32, #tpu.memory_space<vmem>>)
    %dma_start3A_501 = arith.constant 12 : i32
    %dma_start3A_502 = arith.constant 0 : i32
    %dma_start3A_503 = arith.constant 0 : i32
    %dma_start3A_504 = tpu.memref_slice %arg7[%dma_start3A_502, %dma_start3A_503] : memref<512x128xf32, #tpu.memory_space<vmem>> -> memref<128x128xf32, #tpu.memory_space<vmem>>
    %dma_start3A_505 = arith.constant 0 : i32
    %dma_start3A_506 = tpu.memref_slice %arg6[%dma_start3A_501, %dma_start3A_505] : memref<13x128xi32, #tpu.memory_space<vmem>> -> memref<1x128xi32, #tpu.memory_space<vmem>>
    %dma_start3A_507 = tpu.memref_squeeze %dma_start3A_506 : memref<1x128xi32, #tpu.memory_space<vmem>> -> memref<128xi32, #tpu.memory_space<vmem>>
    %dma_start3A_508 = arith.constant 0 : i32
    %dma_start3A_509 = arith.constant 0 : i32
    %dma_start3A_510 = tpu.memref_slice %arg8[%dma_start3A_508, %dma_start3A_509] : memref<1152x128xf32, #tpu.memory_space<vmem_shared>> -> memref<1152x128xf32, #tpu.memory_space<vmem_shared>>
    tpu.enqueue_indirect_dma source(%dma_start3A_504 : memref<128x128xf32, #tpu.memory_space<vmem>>) target(%dma_start3A_510 : memref<1152x128xf32, #tpu.memory_space<vmem_shared>>) offsets(%dma_start3A_507 : memref<128xi32, #tpu.memory_space<vmem>>) semaphore(%arg13 : memref<!tpu.dma_semaphore, #tpu.memory_space<semaphore_mem>>) {add = true}
    %dma_wait3A_511 = arith.constant 9 : i32
    %dma_wait3A_512 = arith.constant 128 : i32
    %dma_wait3A_513 = arith.constant 0 : i32
    %dma_wait3A_514 = tpu.memref_slice %arg7[%dma_wait3A_512, %dma_wait3A_513] : memref<512x128xf32, #tpu.memory_space<vmem>> -> memref<128x128xf32, #tpu.memory_space<vmem>>
    %dma_wait3A_515 = arith.constant 0 : i32
    %dma_wait3A_516 = tpu.memref_slice %arg6[%dma_wait3A_511, %dma_wait3A_515] : memref<13x128xi32, #tpu.memory_space<vmem>> -> memref<1x128xi32, #tpu.memory_space<vmem>>
    %dma_wait3A_517 = tpu.memref_squeeze %dma_wait3A_516 : memref<1x128xi32, #tpu.memory_space<vmem>> -> memref<128xi32, #tpu.memory_space<vmem>>
    %dma_wait3A_518 = arith.constant 0 : i32
    %dma_wait3A_519 = arith.constant 0 : i32
    %dma_wait3A_520 = tpu.memref_slice %arg8[%dma_wait3A_518, %dma_wait3A_519] : memref<1152x128xf32, #tpu.memory_space<vmem_shared>> -> memref<1152x128xf32, #tpu.memory_space<vmem_shared>>
    tpu.wait_indirect_dma semaphore(%arg14 : memref<!tpu.dma_semaphore, #tpu.memory_space<semaphore_mem>>) src(%dma_wait3A_514 : memref<128x128xf32, #tpu.memory_space<vmem>>) dst(%dma_wait3A_520 : memref<1152x128xf32, #tpu.memory_space<vmem_shared>>)
    %dma_wait3A_521 = arith.constant 10 : i32
    %dma_wait3A_522 = arith.constant 256 : i32
    %dma_wait3A_523 = arith.constant 0 : i32
    %dma_wait3A_524 = tpu.memref_slice %arg7[%dma_wait3A_522, %dma_wait3A_523] : memref<512x128xf32, #tpu.memory_space<vmem>> -> memref<128x128xf32, #tpu.memory_space<vmem>>
    %dma_wait3A_525 = arith.constant 0 : i32
    %dma_wait3A_526 = tpu.memref_slice %arg6[%dma_wait3A_521, %dma_wait3A_525] : memref<13x128xi32, #tpu.memory_space<vmem>> -> memref<1x128xi32, #tpu.memory_space<vmem>>
    %dma_wait3A_527 = tpu.memref_squeeze %dma_wait3A_526 : memref<1x128xi32, #tpu.memory_space<vmem>> -> memref<128xi32, #tpu.memory_space<vmem>>
    %dma_wait3A_528 = arith.constant 0 : i32
    %dma_wait3A_529 = arith.constant 0 : i32
    %dma_wait3A_530 = tpu.memref_slice %arg8[%dma_wait3A_528, %dma_wait3A_529] : memref<1152x128xf32, #tpu.memory_space<vmem_shared>> -> memref<1152x128xf32, #tpu.memory_space<vmem_shared>>
    tpu.wait_indirect_dma semaphore(%arg15 : memref<!tpu.dma_semaphore, #tpu.memory_space<semaphore_mem>>) src(%dma_wait3A_524 : memref<128x128xf32, #tpu.memory_space<vmem>>) dst(%dma_wait3A_530 : memref<1152x128xf32, #tpu.memory_space<vmem_shared>>)
    %dma_wait3A_531 = arith.constant 11 : i32
    %dma_wait3A_532 = arith.constant 384 : i32
    %dma_wait3A_533 = arith.constant 0 : i32
    %dma_wait3A_534 = tpu.memref_slice %arg7[%dma_wait3A_532, %dma_wait3A_533] : memref<512x128xf32, #tpu.memory_space<vmem>> -> memref<128x128xf32, #tpu.memory_space<vmem>>
    %dma_wait3A_535 = arith.constant 0 : i32
    %dma_wait3A_536 = tpu.memref_slice %arg6[%dma_wait3A_531, %dma_wait3A_535] : memref<13x128xi32, #tpu.memory_space<vmem>> -> memref<1x128xi32, #tpu.memory_space<vmem>>
    %dma_wait3A_537 = tpu.memref_squeeze %dma_wait3A_536 : memref<1x128xi32, #tpu.memory_space<vmem>> -> memref<128xi32, #tpu.memory_space<vmem>>
    %dma_wait3A_538 = arith.constant 0 : i32
    %dma_wait3A_539 = arith.constant 0 : i32
    %dma_wait3A_540 = tpu.memref_slice %arg8[%dma_wait3A_538, %dma_wait3A_539] : memref<1152x128xf32, #tpu.memory_space<vmem_shared>> -> memref<1152x128xf32, #tpu.memory_space<vmem_shared>>
    tpu.wait_indirect_dma semaphore(%arg16 : memref<!tpu.dma_semaphore, #tpu.memory_space<semaphore_mem>>) src(%dma_wait3A_534 : memref<128x128xf32, #tpu.memory_space<vmem>>) dst(%dma_wait3A_540 : memref<1152x128xf32, #tpu.memory_space<vmem_shared>>)
    %dma_wait3A_541 = arith.constant 12 : i32
    %dma_wait3A_542 = arith.constant 0 : i32
    %dma_wait3A_543 = arith.constant 0 : i32
    %dma_wait3A_544 = tpu.memref_slice %arg7[%dma_wait3A_542, %dma_wait3A_543] : memref<512x128xf32, #tpu.memory_space<vmem>> -> memref<128x128xf32, #tpu.memory_space<vmem>>
    %dma_wait3A_545 = arith.constant 0 : i32
    %dma_wait3A_546 = tpu.memref_slice %arg6[%dma_wait3A_541, %dma_wait3A_545] : memref<13x128xi32, #tpu.memory_space<vmem>> -> memref<1x128xi32, #tpu.memory_space<vmem>>
    %dma_wait3A_547 = tpu.memref_squeeze %dma_wait3A_546 : memref<1x128xi32, #tpu.memory_space<vmem>> -> memref<128xi32, #tpu.memory_space<vmem>>
    %dma_wait3A_548 = arith.constant 0 : i32
    %dma_wait3A_549 = arith.constant 0 : i32
    %dma_wait3A_550 = tpu.memref_slice %arg8[%dma_wait3A_548, %dma_wait3A_549] : memref<1152x128xf32, #tpu.memory_space<vmem_shared>> -> memref<1152x128xf32, #tpu.memory_space<vmem_shared>>
    tpu.wait_indirect_dma semaphore(%arg13 : memref<!tpu.dma_semaphore, #tpu.memory_space<semaphore_mem>>) src(%dma_wait3A_544 : memref<128x128xf32, #tpu.memory_space<vmem>>) dst(%dma_wait3A_550 : memref<1152x128xf32, #tpu.memory_space<vmem_shared>>)
    %barrier3A_551 = arith.constant 0 : index
    tpu.barrier barrier_id(%barrier3A_551)
    %mul3A_552 = arith.constant 64 : i32
    %mul3A_553 = arith.muli %arg1, %mul3A_552 : i32
    %mul3A_554 = arith.constant 64 : i32
    %mul3A_555 = arith.muli %arg1, %mul3A_554 : i32
    "tpu.region"() ({
      %run_scoped3A = tpu.sem_alloc : memref<!tpu.dma_semaphore, #tpu.memory_space<semaphore_mem>>
      %dma_start3A_556 = arith.constant 0 : i32
      %dma_start3A_557 = tpu.memref_slice %arg5[%arg0, %mul3A_555, %dma_start3A_556] : memref<2x1024x128xf32, #tpu.memory_space<hbm>> -> memref<1x64x128xf32, #tpu.memory_space<hbm>>
      %dma_start3A_558 = tpu.memref_squeeze %dma_start3A_557 : memref<1x64x128xf32, #tpu.memory_space<hbm>> -> memref<64x128xf32, #tpu.memory_space<hbm>>
      %dma_start3A_559 = arith.constant 0 : i32
      %dma_start3A_560 = tpu.memref_slice %arg8[%mul3A_553, %dma_start3A_559] : memref<1152x128xf32, #tpu.memory_space<vmem_shared>> -> memref<64x128xf32, #tpu.memory_space<vmem_shared>>
      tpu.enqueue_dma source(%dma_start3A_560 : memref<64x128xf32, #tpu.memory_space<vmem_shared>>) target(%dma_start3A_558 : memref<64x128xf32, #tpu.memory_space<hbm>>) target_semaphore(%run_scoped3A : memref<!tpu.dma_semaphore, #tpu.memory_space<semaphore_mem>>)
      %dma_wait3A_561 = arith.constant 0 : i32
      %dma_wait3A_562 = tpu.memref_slice %arg5[%arg0, %mul3A_555, %dma_wait3A_561] : memref<2x1024x128xf32, #tpu.memory_space<hbm>> -> memref<1x64x128xf32, #tpu.memory_space<hbm>>
      %dma_wait3A_563 = tpu.memref_squeeze %dma_wait3A_562 : memref<1x64x128xf32, #tpu.memory_space<hbm>> -> memref<64x128xf32, #tpu.memory_space<hbm>>
      %dma_wait3A_564 = arith.constant 0 : i32
      %dma_wait3A_565 = tpu.memref_slice %arg8[%mul3A_553, %dma_wait3A_564] : memref<1152x128xf32, #tpu.memory_space<vmem_shared>> -> memref<64x128xf32, #tpu.memory_space<vmem_shared>>
      tpu.wait_dma2 semaphore(%run_scoped3A : memref<!tpu.dma_semaphore, #tpu.memory_space<semaphore_mem>>) src(%dma_wait3A_565 : memref<64x128xf32, #tpu.memory_space<vmem_shared>>) dst(%dma_wait3A_563 : memref<64x128xf32, #tpu.memory_space<hbm>>)
      tpu.yield
    }) : () -> ()
    return
  }
}

module attributes {stable_mosaic.version = 14 : i64} {
  func.func @_dense_kernel(%arg0: i32, %arg1: memref<4096x128xf32, #tpu.memory_space<vmem>>, %arg2: memref<128x256xbf16, #tpu.memory_space<vmem>>, %arg3: memref<1x64xf32, #tpu.memory_space<vmem>>, %arg4: memref<64x128xbf16, #tpu.memory_space<vmem>>, %arg5: memref<1x1xf32, #tpu.memory_space<vmem>>, %arg6: memref<1x128xf32, #tpu.memory_space<vmem>>, %arg7: memref<4096x128xf32, #tpu.memory_space<vmem>>) attributes {dimension_semantics = [#tpu.dimension_semantics<arbitrary>], iteration_bounds = array<i64: 13>, scalar_prefetch = 0 : i64, scratch_operands = 0 : i64, tpu.core_type = #tpu.core_type<tc>, window_params = [{transform_indices = @transform_0, window_bounds = array<i64: 4096, 128>}, {pipeline_mode = #tpu.pipeline_mode<synchronous>, transform_indices = @transform_1, window_bounds = array<i64: 128, 256>}, {pipeline_mode = #tpu.pipeline_mode<synchronous>, transform_indices = @transform_2, window_bounds = array<i64: 1, 64>}, {pipeline_mode = #tpu.pipeline_mode<synchronous>, transform_indices = @transform_3, window_bounds = array<i64: 64, 128>}, {pipeline_mode = #tpu.pipeline_mode<synchronous>, transform_indices = @transform_4, window_bounds = array<i64: 1, 1>}, {pipeline_mode = #tpu.pipeline_mode<synchronous>, transform_indices = @transform_5, window_bounds = array<i64: 1, 128>}, {transform_indices = @transform_6, window_bounds = array<i64: 4096, 128>}]} {
    %get3A = arith.constant 0 : index
    %get3A_0 = arith.constant 0 : index
    %get3A_1 = vector.load %arg1[%get3A, %get3A_0] : memref<4096x128xf32, #tpu.memory_space<vmem>>, vector<4096x128xf32>
    %convert_element_type3A = arith.truncf %get3A_1 : vector<4096x128xf32> to vector<4096x128xbf16>
    %get3A_2 = arith.constant 0 : index
    %get3A_3 = arith.constant 0 : index
    %get3A_4 = vector.load %arg2[%get3A_2, %get3A_3] : memref<128x256xbf16, #tpu.memory_space<vmem>>, vector<128x256xbf16>
    %dot_general3A = arith.constant dense<0.000000e+00> : vector<4096x256xf32>
    %dot_general3A_5 = tpu.matmul %convert_element_type3A, %get3A_4, %dot_general3A {dimension_numbers = #tpu.dot_dimension_numbers<[1], [0], [0], [1], [0, 0, 1, 1], [], []>, transpose_lhs_hint = false} : vector<4096x128xbf16>, vector<128x256xbf16>, vector<4096x256xf32> -> vector<4096x256xf32>
    %slice3A = vector.extract_strided_slice %dot_general3A_5 {offsets = [0, 0], sizes = [4096, 128], strides = [1, 1]} : vector<4096x256xf32> to vector<4096x128xf32>
    %get3A_6 = arith.constant 0 : index
    %get3A_7 = arith.constant 0 : index
    %get3A_8 = vector.load %arg6[%get3A_6, %get3A_7] : memref<1x128xf32, #tpu.memory_space<vmem>>, vector<1x128xf32>
    %add3A = vector.broadcast %get3A_8 : vector<1x128xf32> to vector<4096x128xf32>
    %add3A_9 = arith.addf %slice3A, %add3A : vector<4096x128xf32>
    %slice3A_10 = vector.extract_strided_slice %dot_general3A_5 {offsets = [0, 128], sizes = [4096, 64], strides = [1, 1]} : vector<4096x256xf32> to vector<4096x64xf32>
    %get3A_11 = arith.constant 0 : index
    %get3A_12 = arith.constant 0 : index
    %get3A_13 = vector.load %arg3[%get3A_11, %get3A_12] : memref<1x64xf32, #tpu.memory_space<vmem>>, vector<1x64xf32>
    %add3A_14 = vector.broadcast %get3A_13 : vector<1x64xf32> to vector<4096x64xf32>
    %add3A_15 = arith.addf %slice3A_10, %add3A_14 : vector<4096x64xf32>
    %max3A = arith.constant 0.000000e+00 : f32
    %max3A_16 = vector.broadcast %max3A : f32 to vector<4096x64xf32>
    %max3A_17 = arith.maximumf %add3A_15, %max3A_16 : vector<4096x64xf32>
    %convert_element_type3A_18 = arith.truncf %max3A_17 : vector<4096x64xf32> to vector<4096x64xbf16>
    %get3A_19 = arith.constant 0 : index
    %get3A_20 = arith.constant 0 : index
    %get3A_21 = vector.load %arg4[%get3A_19, %get3A_20] : memref<64x128xbf16, #tpu.memory_space<vmem>>, vector<64x128xbf16>
    %dot_general3A_22 = arith.constant dense<0.000000e+00> : vector<4096x128xf32>
    %dot_general3A_23 = tpu.matmul %convert_element_type3A_18, %get3A_21, %dot_general3A_22 {dimension_numbers = #tpu.dot_dimension_numbers<[1], [0], [0], [1], [0, 0, 1, 1], [], []>, transpose_lhs_hint = false} : vector<4096x64xbf16>, vector<64x128xbf16>, vector<4096x128xf32> -> vector<4096x128xf32>
    %get3A_24 = arith.constant 0 : index
    %get3A_25 = arith.constant 0 : index
    %get3A_26 = vector.load %arg5[%get3A_24, %get3A_25] : memref<1x1xf32, #tpu.memory_space<vmem>>, vector<1x1xf32>
    %get3A_27 = vector.extract %get3A_26[0, 0] : f32 from vector<1x1xf32>
    %add3A_28 = vector.broadcast %get3A_27 : f32 to vector<4096x128xf32>
    %add3A_29 = arith.addf %dot_general3A_23, %add3A_28 : vector<4096x128xf32>
    %logistic3A = arith.negf %add3A_29 : vector<4096x128xf32>
    %logistic3A_30 = math.exp %logistic3A : vector<4096x128xf32>
    %logistic3A_31 = arith.constant 1.000000e+00 : f32
    %logistic3A_32 = vector.broadcast %logistic3A_31 : f32 to vector<4096x128xf32>
    %logistic3A_33 = arith.addf %logistic3A_32, %logistic3A_30 : vector<4096x128xf32>
    %logistic3A_34 = arith.divf %logistic3A_32, %logistic3A_33 : vector<4096x128xf32>
    %mul3A = arith.mulf %logistic3A_34, %add3A_9 : vector<4096x128xf32>
    %swap3A = arith.constant 0 : index
    %swap3A_35 = arith.constant 0 : index
    %swap3A_36 = vector.load %arg7[%swap3A, %swap3A_35] : memref<4096x128xf32, #tpu.memory_space<vmem>>, vector<4096x128xf32>
    tpu.vector_store %arg7[%swap3A, %swap3A_35], %mul3A {strides = array<i32>} : memref<4096x128xf32, #tpu.memory_space<vmem>>, vector<4096x128xf32>,
    return
  }
  func.func @transform_0(%arg0: i32) -> (i32, i32) {
    %add3A = arith.constant 0 : i32
    %add3A_0 = arith.addi %arg0, %add3A : i32
    %c0_i32 = arith.constant 0 : i32
    %c0_i32_1 = arith.constant 0 : i32
    return %add3A_0, %c0_i32 : i32, i32
  }
  func.func @transform_1(%arg0: i32) -> (i32, i32) {
    %c0_i32 = arith.constant 0 : i32
    %c0_i32_0 = arith.constant 0 : i32
    %c0_i32_1 = arith.constant 0 : i32
    return %c0_i32, %c0_i32_0 : i32, i32
  }
  func.func @transform_2(%arg0: i32) -> (i32, i32) {
    %c0_i32 = arith.constant 0 : i32
    %c0_i32_0 = arith.constant 0 : i32
    %c0_i32_1 = arith.constant 0 : i32
    return %c0_i32, %c0_i32_0 : i32, i32
  }
  func.func @transform_3(%arg0: i32) -> (i32, i32) {
    %c0_i32 = arith.constant 0 : i32
    %c0_i32_0 = arith.constant 0 : i32
    %c0_i32_1 = arith.constant 0 : i32
    return %c0_i32, %c0_i32_0 : i32, i32
  }
  func.func @transform_4(%arg0: i32) -> (i32, i32) {
    %c0_i32 = arith.constant 0 : i32
    %c0_i32_0 = arith.constant 0 : i32
    %c0_i32_1 = arith.constant 0 : i32
    return %c0_i32, %c0_i32_0 : i32, i32
  }
  func.func @transform_5(%arg0: i32) -> (i32, i32) {
    %c0_i32 = arith.constant 0 : i32
    %c0_i32_0 = arith.constant 0 : i32
    %c0_i32_1 = arith.constant 0 : i32
    return %c0_i32, %c0_i32_0 : i32, i32
  }
  func.func @transform_6(%arg0: i32) -> (i32, i32) {
    %c0_i32 = arith.constant 0 : i32
    %c0_i32_0 = arith.constant 0 : i32
    return %arg0, %c0_i32 : i32, i32
  }
}

module attributes {stable_mosaic.version = 14 : i64} {
  func.func @_dense_kernel(%arg0: i32, %arg1: memref<4096x128xf32, #tpu.memory_space<vmem>>, %arg2: memref<128x256xbf16, #tpu.memory_space<vmem>>, %arg3: memref<1x64xf32, #tpu.memory_space<vmem>>, %arg4: memref<64x128xbf16, #tpu.memory_space<vmem>>, %arg5: memref<1x1xf32, #tpu.memory_space<vmem>>, %arg6: memref<1x128xf32, #tpu.memory_space<vmem>>, %arg7: memref<4096x128xf32, #tpu.memory_space<vmem>>) attributes {dimension_semantics = [#tpu.dimension_semantics<arbitrary>], iteration_bounds = array<i64: 12>, scalar_prefetch = 0 : i64, scratch_operands = 0 : i64, tpu.core_type = #tpu.core_type<tc>, window_params = [{transform_indices = @transform_0, window_bounds = array<i64: 4096, 128>}, {pipeline_mode = #tpu.pipeline_mode<synchronous>, transform_indices = @transform_1, window_bounds = array<i64: 128, 256>}, {pipeline_mode = #tpu.pipeline_mode<synchronous>, transform_indices = @transform_2, window_bounds = array<i64: 1, 64>}, {pipeline_mode = #tpu.pipeline_mode<synchronous>, transform_indices = @transform_3, window_bounds = array<i64: 64, 128>}, {pipeline_mode = #tpu.pipeline_mode<synchronous>, transform_indices = @transform_4, window_bounds = array<i64: 1, 1>}, {pipeline_mode = #tpu.pipeline_mode<synchronous>, transform_indices = @transform_5, window_bounds = array<i64: 1, 128>}, {transform_indices = @transform_6, window_bounds = array<i64: 4096, 128>}]} {
    %get3A = arith.constant 0 : index
    %get3A_0 = arith.constant 0 : index
    %get3A_1 = vector.load %arg1[%get3A, %get3A_0] : memref<4096x128xf32, #tpu.memory_space<vmem>>, vector<4096x128xf32>
    %convert_element_type3A = arith.truncf %get3A_1 : vector<4096x128xf32> to vector<4096x128xbf16>
    %get3A_2 = arith.constant 0 : index
    %get3A_3 = arith.constant 0 : index
    %get3A_4 = vector.load %arg2[%get3A_2, %get3A_3] : memref<128x256xbf16, #tpu.memory_space<vmem>>, vector<128x256xbf16>
    %dot_general3A = arith.constant dense<0.000000e+00> : vector<4096x256xf32>
    %dot_general3A_5 = tpu.matmul %convert_element_type3A, %get3A_4, %dot_general3A {dimension_numbers = #tpu.dot_dimension_numbers<[1], [0], [0], [1], [0, 0, 1, 1], [], []>, transpose_lhs_hint = false} : vector<4096x128xbf16>, vector<128x256xbf16>, vector<4096x256xf32> -> vector<4096x256xf32>
    %slice3A = vector.extract_strided_slice %dot_general3A_5 {offsets = [0, 0], sizes = [4096, 128], strides = [1, 1]} : vector<4096x256xf32> to vector<4096x128xf32>
    %get3A_6 = arith.constant 0 : index
    %get3A_7 = arith.constant 0 : index
    %get3A_8 = vector.load %arg6[%get3A_6, %get3A_7] : memref<1x128xf32, #tpu.memory_space<vmem>>, vector<1x128xf32>
    %add3A = vector.broadcast %get3A_8 : vector<1x128xf32> to vector<4096x128xf32>
    %add3A_9 = arith.addf %slice3A, %add3A : vector<4096x128xf32>
    %slice3A_10 = vector.extract_strided_slice %dot_general3A_5 {offsets = [0, 128], sizes = [4096, 64], strides = [1, 1]} : vector<4096x256xf32> to vector<4096x64xf32>
    %get3A_11 = arith.constant 0 : index
    %get3A_12 = arith.constant 0 : index
    %get3A_13 = vector.load %arg3[%get3A_11, %get3A_12] : memref<1x64xf32, #tpu.memory_space<vmem>>, vector<1x64xf32>
    %add3A_14 = vector.broadcast %get3A_13 : vector<1x64xf32> to vector<4096x64xf32>
    %add3A_15 = arith.addf %slice3A_10, %add3A_14 : vector<4096x64xf32>
    %max3A = arith.constant 0.000000e+00 : f32
    %max3A_16 = vector.broadcast %max3A : f32 to vector<4096x64xf32>
    %max3A_17 = arith.maximumf %add3A_15, %max3A_16 : vector<4096x64xf32>
    %convert_element_type3A_18 = arith.truncf %max3A_17 : vector<4096x64xf32> to vector<4096x64xbf16>
    %get3A_19 = arith.constant 0 : index
    %get3A_20 = arith.constant 0 : index
    %get3A_21 = vector.load %arg4[%get3A_19, %get3A_20] : memref<64x128xbf16, #tpu.memory_space<vmem>>, vector<64x128xbf16>
    %dot_general3A_22 = arith.constant dense<0.000000e+00> : vector<4096x128xf32>
    %dot_general3A_23 = tpu.matmul %convert_element_type3A_18, %get3A_21, %dot_general3A_22 {dimension_numbers = #tpu.dot_dimension_numbers<[1], [0], [0], [1], [0, 0, 1, 1], [], []>, transpose_lhs_hint = false} : vector<4096x64xbf16>, vector<64x128xbf16>, vector<4096x128xf32> -> vector<4096x128xf32>
    %get3A_24 = arith.constant 0 : index
    %get3A_25 = arith.constant 0 : index
    %get3A_26 = vector.load %arg5[%get3A_24, %get3A_25] : memref<1x1xf32, #tpu.memory_space<vmem>>, vector<1x1xf32>
    %get3A_27 = vector.extract %get3A_26[0, 0] : f32 from vector<1x1xf32>
    %add3A_28 = vector.broadcast %get3A_27 : f32 to vector<4096x128xf32>
    %add3A_29 = arith.addf %dot_general3A_23, %add3A_28 : vector<4096x128xf32>
    %logistic3A = arith.negf %add3A_29 : vector<4096x128xf32>
    %logistic3A_30 = math.exp %logistic3A : vector<4096x128xf32>
    %logistic3A_31 = arith.constant 1.000000e+00 : f32
    %logistic3A_32 = vector.broadcast %logistic3A_31 : f32 to vector<4096x128xf32>
    %logistic3A_33 = arith.addf %logistic3A_32, %logistic3A_30 : vector<4096x128xf32>
    %logistic3A_34 = arith.divf %logistic3A_32, %logistic3A_33 : vector<4096x128xf32>
    %mul3A = arith.mulf %logistic3A_34, %add3A_9 : vector<4096x128xf32>
    %swap3A = arith.constant 0 : index
    %swap3A_35 = arith.constant 0 : index
    %swap3A_36 = vector.load %arg7[%swap3A, %swap3A_35] : memref<4096x128xf32, #tpu.memory_space<vmem>>, vector<4096x128xf32>
    tpu.vector_store %arg7[%swap3A, %swap3A_35], %mul3A {strides = array<i32>} : memref<4096x128xf32, #tpu.memory_space<vmem>>, vector<4096x128xf32>,
    return
  }
  func.func @transform_0(%arg0: i32) -> (i32, i32) {
    %add3A = arith.constant 13 : i32
    %add3A_0 = arith.addi %arg0, %add3A : i32
    %c0_i32 = arith.constant 0 : i32
    %c0_i32_1 = arith.constant 0 : i32
    return %add3A_0, %c0_i32 : i32, i32
  }
  func.func @transform_1(%arg0: i32) -> (i32, i32) {
    %c0_i32 = arith.constant 0 : i32
    %c0_i32_0 = arith.constant 0 : i32
    %c0_i32_1 = arith.constant 0 : i32
    return %c0_i32, %c0_i32_0 : i32, i32
  }
  func.func @transform_2(%arg0: i32) -> (i32, i32) {
    %c0_i32 = arith.constant 0 : i32
    %c0_i32_0 = arith.constant 0 : i32
    %c0_i32_1 = arith.constant 0 : i32
    return %c0_i32, %c0_i32_0 : i32, i32
  }
  func.func @transform_3(%arg0: i32) -> (i32, i32) {
    %c0_i32 = arith.constant 0 : i32
    %c0_i32_0 = arith.constant 0 : i32
    %c0_i32_1 = arith.constant 0 : i32
    return %c0_i32, %c0_i32_0 : i32, i32
  }
  func.func @transform_4(%arg0: i32) -> (i32, i32) {
    %c0_i32 = arith.constant 0 : i32
    %c0_i32_0 = arith.constant 0 : i32
    %c0_i32_1 = arith.constant 0 : i32
    return %c0_i32, %c0_i32_0 : i32, i32
  }
  func.func @transform_5(%arg0: i32) -> (i32, i32) {
    %c0_i32 = arith.constant 0 : i32
    %c0_i32_0 = arith.constant 0 : i32
    %c0_i32_1 = arith.constant 0 : i32
    return %c0_i32, %c0_i32_0 : i32, i32
  }
  func.func @transform_6(%arg0: i32) -> (i32, i32) {
    %c0_i32 = arith.constant 0 : i32
    %c0_i32_0 = arith.constant 0 : i32
    return %arg0, %c0_i32 : i32, i32
  }
}

</mosaic_0001>

<sc_bundles>
// kernel: kernel.6.cloned.1.call-start
scs
__scs_entry_jumppad:
0x0: {  	(pc) =	sbr.rel $0x88, $3  }
0x1: {  	(tag) =	ssettag $0x0;
	lr =	simm.s32 $0x1  }
0x2: {  	[smem:$0x3F99] =	sst lr;
	_ =	strace $0xD0000000  }
0x3: {  	_ = 	snop  }
0x4: {  	_ = 	snop  }
0x5: {  	_ = 	snop  }
0x6: {  	_ = 	snop  }
0x7: {  	_ = 	snop  }
__scs_overlays_trampoline_lowered:
0x8: {  	[smem:$0x3FA8] =	sst s0  }
0x9: {  	[smem:$0x3FA9] =	sst s1  }
0xa: {  	[smem:$0x3FAA] =	sst s2  }
0xb: {  	[smem:$0x3FAB] =	sst s3  }
0xc: {  	[smem:$0x3FAC] =	sst s4  }
0xd: {  	[smem:$0x3FAD] =	sst s5  }
0xe: {  	[smem:$0x3FAE] =	sst s6  }
0xf: {  	[smem:$0x3FAF] =	sst s7  }
0x10: {  	[smem:$0x3FB0] =	sst s8  }
0x11: {  	[smem:$0x3FB1] =	sst s9;
	s0 =	simm.s32 @!p0 $0x0  }
0x12: {  	s1 =	sld [smem:$0x3F97];
	s0 =	simm.s32 @p0 $0x1  }
0x13: {  	[smem:$0x3FB2] =	sst s0;
	s0 =	simm.s32 @!p1 $0x0  }
0x14: {  	s2 =	sld [smem:$0x3F96];
	s0 =	simm.s32 @p1 $0x1  }
0x15: {  	[smem:$0x3FB3] =	sst s0;
	s0 =	simm.s32 @!p2 $0x0  }
0x16: {  	s3 =	sld [smem:$0x3FDB];
	s0 =	simm.s32 @p2 $0x1  }
0x17: {  	s4 =	simm.s32 $0x1BF5;
	[smem:$0x3FB5] =	sst s0  }
0x18: {  	s0 =	sld [smem:$0x3F98];
	_ =	swait.ge [sflag:s4], $0x0  }
0x19: {  	s7 =	sld [smem:$0x3F99]  }
0x1a: {  	s8 =	sadd.s32 $0xFFFFE003, lr  }
0x1b: {  	s9 =	sadd.s32 $0xFFFFFEF7, lr;
	s5 =	simm.s32 $0xFFFFFFFF;
	p2 =	slt.u32 s8, $0xFFFFF086  }
0x1c: {  	p1 =	slt.u32 s9, $0xF7A;
	s5 =	simm.s32 @!p2 $0x0  }
0x1d: {  	s5 =	simm.s32 @p1 $0x1;
	p0 =	seq.s32 s7, s2  }
0x1e: {  	s7 =	smul.u32 @!p0 $0xF7A, s2;
	p2 =	seq.s32 @!p0 s5, $0x0  }
0x1f: {  	s9 =	smul.u32 $0xF7A, s1;
	s8 =	simm.s32 @!p0 $0x1BF5;
	p2 =	por !p2, p0  }
0x20: {  	[sflag:s8] =	ssyncset.s32 @!p0 $0xFFFFF086;
	s6 =	sadd.s32 @!p0 s3, s7;
	s7 =	simm.s32 @!p0 $0x108  }
0x21: {  	s3 =	sadd.s32 s3, s9;
	s6 =	sadd.s32 @!p0 $0x88, s6;
	s7 =	simm.s32 @p2 $0x1082  }
0x22: {  	[simem:s7], [sflag:s8] =	dma.local @!p0 [hbm:s6], $0xF7A  }
0x23: {  	s9 =	sor.u32 $0xD0000000, s2;
	s6 =	simm.s32 $0x108;
	_ =	swait.ge @!p0 [sflag:s8], $0x0  }
0x24: {  	s3 =	sadd.s32 $0x88, s3;
	s6 =	simm.s32 @!p1 $0x1082;
	[sflag:s4] =	ssyncset.s32 $0xFFFFF086  }
0x25: {  	[simem:s6], [sflag:s4] =	dma.local [hbm:s3], $0xF7A  }
0x26: {  	[smem:$0x3F99] =	sst s1;
	(tag) =	ssettag s2;
	_ =	strace s9  }
0x27: {  	s1 =	sld [smem:$0x3FA9]  }
0x28: {  	s2 =	sld [smem:$0x3FAA]  }
0x29: {  	s4 =	sld [smem:$0x3FAC]  }
0x2a: {  	p0 =	seq.s32 s5, $0x0;
	s5 =	sld [smem:$0x3FAD]  }
0x2b: {  	s6 =	sld [smem:$0x3FAE]  }
0x2c: {  	s7 =	sld [smem:$0x3FAF]  }
0x2d: {  	s3 =	simm.s32 $0x108;
	s8 =	sld [smem:$0x3FB0]  }
0x2e: {  	s3 =	simm.s32 @!p0 $0x1082;
	s9 =	sld [smem:$0x3FB1]  }
0x2f: {  	lr =	sadd.s32 s0, s3;
	s0 =	sld [smem:$0x3FA8]  }
0x30: {  	s3 =	sld [smem:$0x3FAB]  }
0x31: {  	[smem:$0x3FB4] =	sst s10  }
0x32: {  	s10 =	sld [smem:$0x3FB2];
	_ =	sdelay $0x3  }
0x33: {  	p0 =	seq.s32 s10, $0x1;
	s10 =	sld [smem:$0x3FB4];
	_ =	sdelay $0x3  }
0x34: {  	[smem:$0x3FB4] =	sst s10  }
0x35: {  	s10 =	sld [smem:$0x3FB3];
	_ =	sdelay $0x3  }
0x36: {  	p1 =	seq.s32 s10, $0x1;
	s10 =	sld [smem:$0x3FB4];
	_ =	sdelay $0x3  }
0x37: {  	[smem:$0x3FB4] =	sst s10  }
0x38: {  	s10 =	sld [smem:$0x3FB5]  }
0x39: {  	_ = 	snop;
	(pc) =	sbr.ind lr, $3  }
0x3a: {  	_ = 	snop  }
0x3b: {  	_ = 	snop  }
0x3c: {  	p2 =	seq.s32 s10, $0x1;
	s10 =	sld [smem:$0x3FB4]  }
0x3d: {  	_ =	shalt  }
0x3e: {  	_ =	shalt  }
0x3f: {  	_ =	shalt  }
0x40: {  	_ =	shalt  }
0x41: {  	_ =	shalt  }
0x42: {  	_ =	shalt  }
0x43: {  	_ =	shalt  }
0x44: {  	_ =	shalt  }
0x45: {  	_ =	shalt  }
0x46: {  	_ =	shalt  }
0x47: {  	_ =	shalt  }
0x48: {  	_ =	shalt  }
0x49: {  	_ =	shalt  }
0x4a: {  	_ =	shalt  }
0x4b: {  	_ =	shalt  }
0x4c: {  	_ =	shalt  }
0x4d: {  	_ =	shalt  }
0x4e: {  	_ =	shalt  }
0x4f: {  	_ =	shalt  }
0x50: {  	_ =	shalt  }
0x51: {  	_ =	shalt  }
0x52: {  	_ =	shalt  }
0x53: {  	_ =	shalt  }
0x54: {  	_ =	shalt  }
0x55: {  	_ =	shalt  }
0x56: {  	_ =	shalt  }
0x57: {  	_ =	shalt  }
0x58: {  	_ =	shalt  }
0x59: {  	_ =	shalt  }
0x5a: {  	_ =	shalt  }
0x5b: {  	_ =	shalt  }
0x5c: {  	_ =	shalt  }
0x5d: {  	_ =	shalt  }
0x5e: {  	_ =	shalt  }
0x5f: {  	_ =	shalt  }
0x60: {  	_ =	shalt  }
0x61: {  	_ =	shalt  }
0x62: {  	_ =	shalt  }
0x63: {  	_ =	shalt  }
0x64: {  	_ =	shalt  }
0x65: {  	_ =	shalt  }
0x66: {  	_ =	shalt  }
0x67: {  	_ =	shalt  }
0x68: {  	_ =	shalt  }
0x69: {  	_ =	shalt  }
0x6a: {  	_ =	shalt  }
0x6b: {  	_ =	shalt  }
0x6c: {  	_ =	shalt  }
0x6d: {  	_ =	shalt  }
0x6e: {  	_ =	shalt  }
0x6f: {  	_ =	shalt  }
0x70: {  	_ =	shalt  }
0x71: {  	_ =	shalt  }
0x72: {  	_ =	shalt  }
0x73: {  	_ =	shalt  }
0x74: {  	_ =	shalt  }
0x75: {  	_ =	shalt  }
0x76: {  	_ =	shalt  }
0x77: {  	_ =	shalt  }
0x78: {  	_ =	shalt  }
0x79: {  	_ =	shalt  }
0x7a: {  	_ =	shalt  }
0x7b: {  	_ =	shalt  }
0x7c: {  	_ =	shalt  }
0x7d: {  	_ =	shalt  }
0x7e: {  	_ =	shalt  }
0x7f: {  	_ =	shalt  }
0x80: {  	_ =	shalt  }
0x81: {  	_ =	shalt  }
0x82: {  	_ =	shalt  }
0x83: {  	_ =	shalt  }
0x84: {  	_ =	shalt  }
0x85: {  	_ =	shalt  }
0x86: {  	_ =	shalt  }
0x87: {  	_ =	shalt  }
.Lfunc_end0:
.L_simem_size_0:
called_computation_lowered:
.L_overlay_start_0:
0x88: {  	s2 =	sld [smem:$0x3FD9]  }
0x89: {  	s3 =	sld [smem:$0x3FFE];
	_ =	sdelay $0x1  }
0x8a: {  	s1 =	srdreg.scid  }
0x8b: {  	s0 =	sand.u32 $0x1, s1  }
0x8c: {  	s16 =	sshll.u32 s0, $0xA;
	s2 =	sadd.s32 s3, s2  }
0x8d: {  	s2 =	sadd.s32 s2, s16  }
0x8e: {  	[smem:$0x3FC0] =	sst s2  }
0x8f: {  	_ = 	snop  }
0x90: {  	(tm) =	ssettm $0x1  }
0x91: {  	s17 =	sld [smem:$0x3FFB];
	_ =	sdelay $0x3  }
0x92: {  	_ =	strace s17  }
0x93: {  	s2 =	sld [smem:$0x3FFC];
	_ =	sdelay $0x3  }
0x94: {  	_ =	strace s2  }
0x95: {  	s2 =	sld [smem:$0x3FFD];
	_ =	sdelay $0x3  }
0x96: {  	_ =	strace s2  }
0x97: {  	_ =	strace $0x8FFFFFFF  }
0x98: {  	s18 =	sld [smem:$0x3FDB];
	_ =	sdelay $0x1  }
0x99: {  	s19 =	simm.s32 $_scs_section_size  }
0x9a: {  	s4 =	simm.s32 $_size__tile_overlayer_lowered;
	s5 =	simm.s32 $_tile_overlayer_lowered  }
0x9b: {  	s22 =	simm.s32 $0x1BFF;
	s21 =	sshll.u32 s5, $0x1;
	s2 =	sadd.s32 s19, s18  }
0x9c: {  	s6 =	simm.s32 $0x0;
	s20 =	sshll.u32 s4, $0x1;
	s4 =	sadd.s32 s21, s2  }
0x9d: {  	[timem:s6], [sflag:s22] =	dma.local [hbm:s4], s20  }
0x9e: {  	_ =	swait.ge [sflag:s22], s20  }
0x9f: {  	s3 =	ssub.s32 $0x0, s20;
	[sflag:s22] =	ssyncset.done $0x0  }
0xa0: {  	[sflag:s22] =	ssyncadd.s32 s3;
	_ =	sdelay $0x1  }
0xa1: {  	s23 =	simm.s32 $0x1B8B  }
0xa2: {  	_ =	swait.ge [sflag:s23], $0x1  }
0xa3: {  	[sflag:s23] =	ssyncset.done $0x0  }
0xa4: {  	s25 =	simm.s32 $0x1B8E;
	s24 =	sld [smem:$0x3FFE];
	[sflag:s23] =	ssyncadd.s32 $0xFFFFFFFF  }
0xa5: {  	s26 =	simm.s32 $execute0_lowered;
	[smem:$0x3FD2] =	sst s25  }
0xa6: {  	s4 =	sshll.u32 s26, $0x1;
	_ =	strace $0x80000046;
	[dreg:$0x1] =	wrdreg $0xFFFFFFFF  }
0xa7: {  	s28 =	simm.s32 $_size_execute0_lowered;
	s2 =	sadd.s32 s2, s4;
	[dreg:$0x0] =	wrdreg $0x0  }
0xa8: {  	s4 =	sshll.u32 s28, $0x1;
	[dreg:$0x2] =	wrdreg s2  }
0xa9: {  	[dreg:$0x3] =	wrdreg s4  }
0xaa: {  	[dreg:$0x4] =	wrdreg $0xC0  }
0xab: {  	_ =	task [dreg:s6], $0x5FFFF  }
0xac: {  	[dreg:$0x1] =	wrdreg $0xFFFFFFFF  }
0xad: {  	[dreg:$0x0] =	wrdreg $0x60  }
0xae: {  	[dreg:$0x2] =	wrdreg s24  }
0xaf: {  	[dreg:$0x3] =	wrdreg $0x108000  }
0xb0: {  	[dreg:$0x4] =	wrdreg $0x9  }
0xb1: {  	_ =	task.clear_ibuf [dreg:s6], $0x5FFFF;
	_ =	strace $0x90000046  }
0xb2: {  	s29 =	simm.s32 $0x9;
	_ =	strace $0x80000048  }
0xb3: {  	_ =	swait.ge [sflag:s29], $0x1  }
0xb4: {  	[sflag:s29] =	ssyncadd.s32 $0xFFFFFFFF  }
0xb5: {  	_ =	strace $0x90000048  }
0xb6: {  	_ =	sfence  }
0xb7: {  	s30 =	sld [smem:$0x0];
	_ =	sdelay $0x2  }
0xb8: {  	s31 =	sshll.u32 s1, $0xD;
	s1 =	sshrl.u32 s1, $0x2  }
0xb9: {  	s3 =	sand.u32 $0x4000, s31;
	s1 =	sadd.s32 s1, s30  }
0xba: {  	s0 =	sor.u32 s3, s0;
	s1 =	sshll.u32 s1, $0x11  }
0xbb: {  	s0 =	sor.u32 s1, s0  }
0xbc: {  	s0 =	sadd.s32 $0x8F2B, s0  }
0xbd: {  	[sflag:s0] =	ssyncadd.remote.s32 $0x1  }
0xbe: {  	_ =	sfence.sel $0xFFFF  }
0xbf: {  	[dreg:$0x0] =	wrdreg $0xFFFFFFFF;
	(pc) =	sbr.abs _section_cstart, $3  }
0xc0: {  	[dreg:$0x1] =	wrdreg $0xFFFFFFFF  }
0xc1: {  	_ =	task.clear_ibuf [dreg:s6], $0x2FFFF;
	_ =	strace $0x9FFFFFFF  }
0xc2: {  	(tm) =	ssettm $0x7FFFFFFF  }
0xc3: {  	_ =	shalt  }
tec
execute0_lowered:
.L_overlay_start_1:
0x0: {  	(tag) =	ssettag $0x1  }
0x1: {  	s0 =	rddreg [dreg:$0x0]  }
0x2: {  	s2 =	rddreg [dreg:$0x1]  }
0x3: {  	s1 =	srdreg.scid;
	s21 =	rddreg [dreg:$0x2];
	s3 =	simm.s32 $0x0  }
0x4: {  	s31 =	simm.s32 $0x100;
	s30 =	simm.s32 $0x180;
	s29 =	simm.s32 $0x200  }
0x5: {  	s4 =	sand.u32 $0x1, s1;
	s1 =	stileid.u32;
	[smem:$0x7FF] =	sst s3  }
0x6: {  	s8 =	sadd.s32 $0x2800, s0;
	s5 =	sshll.u32 s4, $0x4;
	_ =	strace $0x80000047  }
0x7: {  	s7 =	smul.u32 $0x480, s1;
	s26 =	sshll.u32 s1, $0xA;
	s5 =	sor.u32 s1, s5  }
0x8: {  	s10 =	ssub.s32 $0x2, s4;
	s4 =	sshll.u32 s4, $0xE;
	s9 =	smul.u32 $0x34000, s5  }
0x9: {  	s6 =	sshll.u32 s5, $0x8;
	s7 =	sadd.s32 s7, s0;
	s5 =	smul.u32 $0x6800, s5  }
0xa: {  	s6 =	sadd.s32 s6, s0;
	s20 =	sadd.s32 $0xD2800, s7;
	s0 =	sadd.s32 s26, s0  }
0xb: {  	s6 =	sadd.s32 $0x800, s6;
	s22 =	sshrl.u32 s9, $0x3;
	[dreg:$0x4] =	wrdreg s20  }
0xc: {  	s5 =	sadd.s32 s8, s5;
	s0 =	sadd.s32 s4, s0;
	[dreg:$0x3] =	wrdreg s6  }
0xd: {  	s23 =	sadd.s32 s8, s22;
	[dreg:$0x5] =	wrdreg s5;
	s0 =	sadd.s32 $0xD7000, s0  }
0xe: {  	s28 =	simm.s32 $0x280;
	s24 =	sadd.s32 $0x800, s23;
	[dreg:$0x12] =	wrdreg s0  }
0xf: {  	p0 =	por $0x0, $0x0;
	s25 =	sadd.s32 $0x1000, s23;
	[dreg:$0x6] =	wrdreg s24  }
0x10: {  	s14 =	smul.u32 $0x9000, s1;
	s8 =	sadd.s32 $0x1800, s23;
	[dreg:$0x7] =	wrdreg s25  }
0x11: {  	s12 =	sshrl.u32 s10, $0x1;
	s9 =	sadd.s32 $0x2000, s23;
	[dreg:$0x8] =	wrdreg s8  }
0x12: {  	s17 =	sshrl.u32 s14, $0x2;
	s11 =	sadd.s32 $0x2800, s23;
	[dreg:$0x9] =	wrdreg s9  }
0x13: {  	s14 =	simm.s32 $0xC800;
	s13 =	sadd.s32 $0x3000, s23;
	[dreg:$0xa] =	wrdreg s11  }
0x14: {  	s7 =	ssub.s32 s10, s12;
	s15 =	sadd.s32 $0x3800, s23;
	[dreg:$0xb] =	wrdreg s13  }
0x15: {  	s10 =	simm.s32 $0x80;
	s16 =	sadd.s32 $0x4000, s23;
	[dreg:$0xc] =	wrdreg s15  }
0x16: {  	s12 =	simm.s32 $0x6;
	s18 =	sadd.s32 $0x4800, s23;
	[dreg:$0xd] =	wrdreg s16  }
0x17: {  	s4 =	simm.s32 $0x9;
	s19 =	sadd.s32 $0x5000, s23;
	[dreg:$0xe] =	wrdreg s18  }
0x18: {  	s6 =	simm.s32 $0x5;
	s20 =	sadd.s32 $0x5800, s23;
	[dreg:$0xf] =	wrdreg s19  }
0x19: {  	s22 =	sadd.s32 $0x6000, s23;
	s23 =	sshll.u32 s1, $0xD;
	[dreg:$0x10] =	wrdreg s20  }
0x1a: {  	s8 =	sadd.s32 s17, s2;
	[dreg:$0x11] =	wrdreg s22;
	s24 =	sadd.s32 s23, s2  }
0x1b: {  	s20 =	smax.u32 s7, $0x1;
	s25 =	sshll.u32 s1, $0x6;
	s7 =	simm.s32 $0x800  }
0x1c: {  	s18 =	simm.s32 $0x4800;
	s15 =	simm.s32 $0x8800;
	s9 =	simm.s32 $0x1  }
0x1d: {  	s19 =	simm.s32 $0x2;
	s17 =	simm.s32 $0x3;
	p1 =	sne.s32 s20, $0x1  }
.Ltmp0:
0x1e: {  	s16 =	simm.s32 $0x4;
	s13 =	simm.s32 $0x7;
	(pc) =	sbr.rel @!p1 .LBB2_5-.Ltmp0, $4  }
0x1f: {  	s11 =	simm.s32 $0x8;
	s23 =	simm.s32 $0x480;
	s22 =	simm.s32 $0x500  }
0x20: {  	s26 =	sshrl.u32 s8, $0x3;
	s5 =	sor.u32 $0x1C09, s25;
	s8 =	sshrl.u32 s24, $0x3  }
0x21: {  	s0 =	sadd.s32 $0xFFFFFFFF, s20;
	s25 =	simm.s32 $0x380;
	s24 =	simm.s32 $0x400  }
0x22: {  	s20 =	simm.s32 $0x600;
	[dreg:$0x13] =	wrdreg s26;
	s26 =	simm.s32 $0x300  }
0x23: {  	s1 =	rddreg [dreg:$0x3]  }
0x24: {  	[tilespmem:s3], [sflag:$0x9] =	stream.linear.gather [hbm4b:s1+s3], $0x680, $0x38;
	[tilespmem:$0x12C00] =	vst v63  }
0x25: {  	_ =	swait.ge [sflag:s4], $0x680  }
0x26: {  	s1 =	rddreg [dreg:$0x4];
	[sflag:s4] =	ssyncset.done $0x0  }
0x27: {  	s21 =	smov.u32 s0;
	s0 =	rddreg [dreg:$0x13];
	[sflag:s4] =	ssyncadd.s32 $0xFFFFF980  }
0x28: {  	[spmem:s0], [sflag:s5] =	dma.local [hbm:s1], $0x480  }
0x29: {  	_ =	swait.ge [sflag:s4], $0x480  }
0x2a: {  	[sflag:s4] =	ssyncset.done $0x0  }
0x2b: {  	[sflag:s4] =	ssyncadd.s32 $0xFFFFFB80  }
0x2c: {  	[bflag:$0x0] =	sbarrier.arrive $0xFFFF  }
0x2d: {  	s0 =	rddreg [dreg:$0x5]  }
0x2e: {  	[tilespmem:s7], [sflag:$0x1] =	stream.linear.gather [hbm4b:s0+s3], $0x4000, $0x38;
	[tilespmem:$0x12C00] =	vst v63  }
0x2f: {  	s1 =	rddreg [dreg:$0x6]  }
0x30: {  	[tilespmem:s18], [sflag:$0x2] =	stream.linear.gather [hbm4b:s1+s3], $0x4000, $0x38;
	[tilespmem:$0x12C00] =	vst v63  }
0x31: {  	s0 =	rddreg [dreg:$0x7]  }
0x32: {  	[tilespmem:s15], [sflag:$0x3] =	stream.linear.gather [hbm4b:s0+s3], $0x4000, $0x38;
	[tilespmem:$0x12C00] =	vst v63  }
0x33: {  	_ =	swait.ge [sflag:s9], $0x4000  }
0x34: {  	[sflag:s9] =	ssyncset.done $0x0  }
0x35: {  	[sflag:s9] =	ssyncadd.s32 $0xFFFFC000  }
0x36: {  	[spmem:s2] =	stream.indirect.scatter.add.f32 [tilespmem:s7], [sflag:$0x5], $0x80, s3, s10, $0xb8;
	[tilespmem:$0x12C00] =	vst v63  }
0x37: {  	s1 =	rddreg [dreg:$0x8]  }
0x38: {  	[tilespmem:s14], [sflag:$0x4] =	stream.linear.gather [hbm4b:s1+s3], $0x4000, $0x38;
	[tilespmem:$0x12C00] =	vst v63  }
0x39: {  	_ =	swait.ge [sflag:s19], $0x4000  }
0x3a: {  	[sflag:s19] =	ssyncset.done $0x0  }
0x3b: {  	[sflag:s19] =	ssyncadd.s32 $0xFFFFC000  }
0x3c: {  	[spmem:s2] =	stream.indirect.scatter.add.f32 [tilespmem:s18], [sflag:$0x6], $0x80, s10, s10, $0xb8;
	[tilespmem:$0x12C00] =	vst v63  }
0x3d: {  	_ =	swait.ge [sflag:s6], $0x4000  }
0x3e: {  	[sflag:s6] =	ssyncset.done $0x0  }
0x3f: {  	s1 =	rddreg [dreg:$0x9];
	[sflag:s6] =	ssyncadd.s32 $0xFFFFC000  }
0x40: {  	[tilespmem:s7], [sflag:$0x1] =	stream.linear.gather [hbm4b:s1+s3], $0x4000, $0x38;
	[tilespmem:$0x12C00] =	vst v63  }
0x41: {  	_ =	swait.ge [sflag:s17], $0x4000  }
0x42: {  	[sflag:s17] =	ssyncset.done $0x0  }
0x43: {  	[sflag:s17] =	ssyncadd.s32 $0xFFFFC000  }
0x44: {  	[spmem:s2] =	stream.indirect.scatter.add.f32 [tilespmem:s15], [sflag:$0x7], $0x80, s31, s10, $0xb8;
	[tilespmem:$0x12C00] =	vst v63  }
0x45: {  	_ =	swait.ge [sflag:s12], $0x4000  }
0x46: {  	[sflag:s12] =	ssyncset.done $0x0  }
0x47: {  	s1 =	rddreg [dreg:$0xa];
	[sflag:s12] =	ssyncadd.s32 $0xFFFFC000  }
0x48: {  	[tilespmem:s18], [sflag:$0x2] =	stream.linear.gather [hbm4b:s1+s3], $0x4000, $0x38;
	[tilespmem:$0x12C00] =	vst v63  }
0x49: {  	_ =	swait.ge [sflag:s16], $0x4000  }
0x4a: {  	[sflag:s16] =	ssyncset.done $0x0  }
0x4b: {  	[sflag:s16] =	ssyncadd.s32 $0xFFFFC000  }
0x4c: {  	[spmem:s2] =	stream.indirect.scatter.add.f32 [tilespmem:s14], [sflag:$0x8], $0x80, s30, s10, $0xb8;
	[tilespmem:$0x12C00] =	vst v63  }
0x4d: {  	_ =	swait.ge [sflag:s13], $0x4000  }
0x4e: {  	[sflag:s13] =	ssyncset.done $0x0  }
0x4f: {  	s1 =	rddreg [dreg:$0xb];
	[sflag:s13] =	ssyncadd.s32 $0xFFFFC000  }
0x50: {  	[tilespmem:s15], [sflag:$0x3] =	stream.linear.gather [hbm4b:s1+s3], $0x4000, $0x38;
	[tilespmem:$0x12C00] =	vst v63  }
0x51: {  	_ =	swait.ge [sflag:s9], $0x4000  }
0x52: {  	[sflag:s9] =	ssyncset.done $0x0  }
0x53: {  	[sflag:s9] =	ssyncadd.s32 $0xFFFFC000  }
0x54: {  	[spmem:s2] =	stream.indirect.scatter.add.f32 [tilespmem:s7], [sflag:$0x5], $0x80, s29, s10, $0xb8;
	[tilespmem:$0x12C00] =	vst v63  }
0x55: {  	_ =	swait.ge [sflag:s11], $0x4000  }
0x56: {  	[sflag:s11] =	ssyncset.done $0x0  }
0x57: {  	s1 =	rddreg [dreg:$0xc];
	[sflag:s11] =	ssyncadd.s32 $0xFFFFC000  }
0x58: {  	[tilespmem:s14], [sflag:$0x4] =	stream.linear.gather [hbm4b:s1+s3], $0x4000, $0x38;
	[tilespmem:$0x12C00] =	vst v63  }
0x59: {  	_ =	swait.ge [sflag:s19], $0x4000  }
0x5a: {  	[sflag:s19] =	ssyncset.done $0x0  }
0x5b: {  	[sflag:s19] =	ssyncadd.s32 $0xFFFFC000  }
0x5c: {  	[spmem:s2] =	stream.indirect.scatter.add.f32 [tilespmem:s18], [sflag:$0x6], $0x80, s28, s10, $0xb8;
	[tilespmem:$0x12C00] =	vst v63  }
0x5d: {  	_ =	swait.ge [sflag:s6], $0x4000  }
0x5e: {  	[sflag:s6] =	ssyncset.done $0x0  }
0x5f: {  	s1 =	rddreg [dreg:$0xd];
	[sflag:s6] =	ssyncadd.s32 $0xFFFFC000  }
0x60: {  	[tilespmem:s7], [sflag:$0x1] =	stream.linear.gather [hbm4b:s1+s3], $0x4000, $0x38;
	[tilespmem:$0x12C00] =	vst v63  }
0x61: {  	_ =	swait.ge [sflag:s17], $0x4000  }
0x62: {  	[sflag:s17] =	ssyncset.done $0x0  }
0x63: {  	[sflag:s17] =	ssyncadd.s32 $0xFFFFC000  }
0x64: {  	[spmem:s2] =	stream.indirect.scatter.add.f32 [tilespmem:s15], [sflag:$0x7], $0x80, s26, s10, $0xb8;
	[tilespmem:$0x12C00] =	vst v63  }
0x65: {  	_ =	swait.ge [sflag:s12], $0x4000  }
0x66: {  	[sflag:s12] =	ssyncset.done $0x0  }
0x67: {  	s1 =	rddreg [dreg:$0xe];
	[sflag:s12] =	ssyncadd.s32 $0xFFFFC000  }
0x68: {  	[tilespmem:s18], [sflag:$0x2] =	stream.linear.gather [hbm4b:s1+s3], $0x4000, $0x38;
	[tilespmem:$0x12C00] =	vst v63  }
0x69: {  	_ =	swait.ge [sflag:s16], $0x4000  }
0x6a: {  	[sflag:s16] =	ssyncset.done $0x0  }
0x6b: {  	[sflag:s16] =	ssyncadd.s32 $0xFFFFC000  }
0x6c: {  	[spmem:s2] =	stream.indirect.scatter.add.f32 [tilespmem:s14], [sflag:$0x8], $0x80, s25, s10, $0xb8;
	[tilespmem:$0x12C00] =	vst v63  }
0x6d: {  	_ =	swait.ge [sflag:s13], $0x4000  }
0x6e: {  	[sflag:s13] =	ssyncset.done $0x0  }
0x6f: {  	s1 =	rddreg [dreg:$0xf];
	[sflag:s13] =	ssyncadd.s32 $0xFFFFC000  }
0x70: {  	[tilespmem:s15], [sflag:$0x3] =	stream.linear.gather [hbm4b:s1+s3], $0x4000, $0x38;
	[tilespmem:$0x12C00] =	vst v63  }
0x71: {  	_ =	swait.ge [sflag:s9], $0x4000  }
0x72: {  	[sflag:s9] =	ssyncset.done $0x0  }
0x73: {  	[sflag:s9] =	ssyncadd.s32 $0xFFFFC000  }
0x74: {  	[spmem:s2] =	stream.indirect.scatter.add.f32 [tilespmem:s7], [sflag:$0x5], $0x80, s24, s10, $0xb8;
	[tilespmem:$0x12C00] =	vst v63  }
0x75: {  	_ =	swait.ge [sflag:s11], $0x4000  }
0x76: {  	[sflag:s11] =	ssyncset.done $0x0  }
0x77: {  	s1 =	rddreg [dreg:$0x10];
	[sflag:s11] =	ssyncadd.s32 $0xFFFFC000  }
0x78: {  	[tilespmem:s14], [sflag:$0x4] =	stream.linear.gather [hbm4b:s1+s3], $0x4000, $0x38;
	[tilespmem:$0x12C00] =	vst v63  }
0x79: {  	_ =	swait.ge [sflag:s19], $0x4000  }
0x7a: {  	[sflag:s19] =	ssyncset.done $0x0  }
0x7b: {  	[sflag:s19] =	ssyncadd.s32 $0xFFFFC000  }
0x7c: {  	[spmem:s2] =	stream.indirect.scatter.add.f32 [tilespmem:s18], [sflag:$0x6], $0x80, s23, s10, $0xb8;
	[tilespmem:$0x12C00] =	vst v63  }
0x7d: {  	_ =	swait.ge [sflag:s6], $0x4000  }
0x7e: {  	[sflag:s6] =	ssyncset.done $0x0  }
0x7f: {  	s1 =	rddreg [dreg:$0x11];
	[sflag:s6] =	ssyncadd.s32 $0xFFFFC000  }
0x80: {  	[tilespmem:s7], [sflag:$0x1] =	stream.linear.gather [hbm4b:s1+s3], $0x4000, $0x38;
	[tilespmem:$0x12C00] =	vst v63  }
0x81: {  	_ =	swait.ge [sflag:s17], $0x4000  }
0x82: {  	[sflag:s17] =	ssyncset.done $0x0  }
0x83: {  	[sflag:s17] =	ssyncadd.s32 $0xFFFFC000  }
0x84: {  	[spmem:s2] =	stream.indirect.scatter.add.f32 [tilespmem:s15], [sflag:$0x7], $0x80, s22, s10, $0xb8;
	[tilespmem:$0x12C00] =	vst v63  }
0x85: {  	_ =	swait.ge [sflag:s16], $0x4000  }
0x86: {  	[sflag:s16] =	ssyncset.done $0x0  }
0x87: {  	s1 =	simm.s32 $0x580;
	[sflag:s16] =	ssyncadd.s32 $0xFFFFC000  }
0x88: {  	[spmem:s2] =	stream.indirect.scatter.add.f32 [tilespmem:s14], [sflag:$0x8], $0x80, s1, s10, $0xb8;
	[tilespmem:$0x12C00] =	vst v63  }
0x89: {  	_ =	swait.ge [sflag:s9], $0x4000  }
0x8a: {  	[sflag:s9] =	ssyncset.done $0x0  }
0x8b: {  	[sflag:s9] =	ssyncadd.s32 $0xFFFFC000  }
0x8c: {  	[spmem:s2] =	stream.indirect.scatter.add.f32 [tilespmem:s7], [sflag:$0x5], $0x80, s20, s10, $0xb8;
	[tilespmem:$0x12C00] =	vst v63  }
0x8d: {  	_ =	swait.ge [sflag:s12], $0x4000  }
0x8e: {  	[sflag:s12] =	ssyncset.done $0x0  }
0x8f: {  	[sflag:s12] =	ssyncadd.s32 $0xFFFFC000  }
0x90: {  	_ =	swait.ge [sflag:s13], $0x4000  }
0x91: {  	[sflag:s13] =	ssyncset.done $0x0  }
0x92: {  	[sflag:s13] =	ssyncadd.s32 $0xFFFFC000  }
0x93: {  	_ =	swait.ge [sflag:s11], $0x4000  }
0x94: {  	[sflag:s11] =	ssyncset.done $0x0  }
0x95: {  	[sflag:s11] =	ssyncadd.s32 $0xFFFFC000  }
0x96: {  	_ =	swait.ge [sflag:s6], $0x4000  }
0x97: {  	p1 =	sne.s32 s21, $0x1;
	[sflag:s6] =	ssyncset.done $0x0  }
.Ltmp1:
0x98: {  	[sflag:s6] =	ssyncadd.s32 $0xFFFFC000;
	(pc) =	sbr.rel @!p1 .LBB2_2-.Ltmp1, $4  }
0x99: {  	[bflag:$0x0] =	sbarrier.arrive $0xFFFF  }
0x9a: {  	s1 =	rddreg [dreg:$0x12]  }
0x9b: {  	[hbm:s1], [sflag:s5] =	dma.local [spmem:s8], $0x400  }
0x9c: {  	p0 =	por $0x1, $0x1;
	s0 =	sadd.s32 $0xFFFFFFFF, s21;
	_ =	swait.ge [sflag:s4], $0x400  }
.LBB2_3:
0x9d: {  	[sflag:s4] =	ssyncset.done $0x0  }
0x9e: {  	s1 =	rddreg [dreg:$0x3];
	[sflag:s4] =	ssyncadd.s32 $0xFFFFFC00  }
0x9f: {  	[tilespmem:s3], [sflag:$0x9] =	stream.linear.gather [hbm4b:s1+s3], $0x680, $0x38;
	[tilespmem:$0x12C00] =	vst v63  }
0xa0: {  	_ =	swait.ge [sflag:s4], $0x680  }
0xa1: {  	[sflag:s4] =	ssyncset.done $0x0;
	s21 =	rddreg [dreg:$0x4]  }
0xa2: {  	s20 =	rddreg [dreg:$0x13];
	[sflag:s4] =	ssyncadd.s32 $0xFFFFF980  }
0xa3: {  	[spmem:s20], [sflag:s5] =	dma.local [hbm:s21], $0x480  }
0xa4: {  	_ =	swait.ge [sflag:s4], $0x480  }
0xa5: {  	[sflag:s4] =	ssyncset.done $0x0  }
0xa6: {  	[sflag:s4] =	ssyncadd.s32 $0xFFFFFB80  }
0xa7: {  	[bflag:$0x0] =	sbarrier.arrive $0xFFFF  }
0xa8: {  	s1 =	rddreg [dreg:$0x5]  }
0xa9: {  	[tilespmem:s7], [sflag:$0x1] =	stream.linear.gather [hbm4b:s1+s3], $0x4000, $0x38;
	[tilespmem:$0x12C00] =	vst v63  }
0xaa: {  	s20 =	rddreg [dreg:$0x6]  }
0xab: {  	[tilespmem:s18], [sflag:$0x2] =	stream.linear.gather [hbm4b:s20+s3], $0x4000, $0x38;
	[tilespmem:$0x12C00] =	vst v63  }
0xac: {  	s21 =	rddreg [dreg:$0x7]  }
0xad: {  	[tilespmem:s15], [sflag:$0x3] =	stream.linear.gather [hbm4b:s21+s3], $0x4000, $0x38;
	[tilespmem:$0x12C00] =	vst v63  }
0xae: {  	_ =	swait.ge [sflag:s9], $0x4000  }
0xaf: {  	[sflag:s9] =	ssyncset.done $0x0  }
0xb0: {  	[sflag:s9] =	ssyncadd.s32 $0xFFFFC000  }
0xb1: {  	[spmem:s2] =	stream.indirect.scatter.add.f32 [tilespmem:s7], [sflag:$0x5], $0x80, s3, s10, $0xb8;
	[tilespmem:$0x12C00] =	vst v63  }
0xb2: {  	s21 =	rddreg [dreg:$0x8]  }
0xb3: {  	[tilespmem:s14], [sflag:$0x4] =	stream.linear.gather [hbm4b:s21+s3], $0x4000, $0x38;
	[tilespmem:$0x12C00] =	vst v63  }
0xb4: {  	_ =	swait.ge [sflag:s19], $0x4000  }
0xb5: {  	[sflag:s19] =	ssyncset.done $0x0  }
0xb6: {  	[sflag:s19] =	ssyncadd.s32 $0xFFFFC000  }
0xb7: {  	[spmem:s2] =	stream.indirect.scatter.add.f32 [tilespmem:s18], [sflag:$0x6], $0x80, s10, s10, $0xb8;
	[tilespmem:$0x12C00] =	vst v63  }
0xb8: {  	_ =	swait.ge [sflag:s6], $0x4000  }
0xb9: {  	[sflag:s6] =	ssyncset.done $0x0  }
0xba: {  	s21 =	rddreg [dreg:$0x9];
	[sflag:s6] =	ssyncadd.s32 $0xFFFFC000  }
0xbb: {  	[tilespmem:s7], [sflag:$0x1] =	stream.linear.gather [hbm4b:s21+s3], $0x4000, $0x38;
	[tilespmem:$0x12C00] =	vst v63  }
0xbc: {  	_ =	swait.ge [sflag:s17], $0x4000  }
0xbd: {  	[sflag:s17] =	ssyncset.done $0x0  }
0xbe: {  	[sflag:s17] =	ssyncadd.s32 $0xFFFFC000  }
0xbf: {  	[spmem:s2] =	stream.indirect.scatter.add.f32 [tilespmem:s15], [sflag:$0x7], $0x80, s31, s10, $0xb8;
	[tilespmem:$0x12C00] =	vst v63  }
0xc0: {  	_ =	swait.ge [sflag:s12], $0x4000  }
0xc1: {  	[sflag:s12] =	ssyncset.done $0x0  }
0xc2: {  	s21 =	rddreg [dreg:$0xa];
	[sflag:s12] =	ssyncadd.s32 $0xFFFFC000  }
0xc3: {  	[tilespmem:s18], [sflag:$0x2] =	stream.linear.gather [hbm4b:s21+s3], $0x4000, $0x38;
	[tilespmem:$0x12C00] =	vst v63  }
0xc4: {  	_ =	swait.ge [sflag:s16], $0x4000  }
0xc5: {  	[sflag:s16] =	ssyncset.done $0x0  }
0xc6: {  	[sflag:s16] =	ssyncadd.s32 $0xFFFFC000  }
0xc7: {  	[spmem:s2] =	stream.indirect.scatter.add.f32 [tilespmem:s14], [sflag:$0x8], $0x80, s30, s10, $0xb8;
	[tilespmem:$0x12C00] =	vst v63  }
0xc8: {  	_ =	swait.ge [sflag:s13], $0x4000  }
0xc9: {  	[sflag:s13] =	ssyncset.done $0x0  }
0xca: {  	s21 =	rddreg [dreg:$0xb];
	[sflag:s13] =	ssyncadd.s32 $0xFFFFC000  }
0xcb: {  	[tilespmem:s15], [sflag:$0x3] =	stream.linear.gather [hbm4b:s21+s3], $0x4000, $0x38;
	[tilespmem:$0x12C00] =	vst v63  }
0xcc: {  	_ =	swait.ge [sflag:s9], $0x4000  }
0xcd: {  	[sflag:s9] =	ssyncset.done $0x0  }
0xce: {  	[sflag:s9] =	ssyncadd.s32 $0xFFFFC000  }
0xcf: {  	[spmem:s2] =	stream.indirect.scatter.add.f32 [tilespmem:s7], [sflag:$0x5], $0x80, s29, s10, $0xb8;
	[tilespmem:$0x12C00] =	vst v63  }
0xd0: {  	_ =	swait.ge [sflag:s11], $0x4000  }
0xd1: {  	[sflag:s11] =	ssyncset.done $0x0  }
0xd2: {  	s21 =	rddreg [dreg:$0xc];
	[sflag:s11] =	ssyncadd.s32 $0xFFFFC000  }
0xd3: {  	[tilespmem:s14], [sflag:$0x4] =	stream.linear.gather [hbm4b:s21+s3], $0x4000, $0x38;
	[tilespmem:$0x12C00] =	vst v63  }
0xd4: {  	_ =	swait.ge [sflag:s19], $0x4000  }
0xd5: {  	[sflag:s19] =	ssyncset.done $0x0  }
0xd6: {  	[sflag:s19] =	ssyncadd.s32 $0xFFFFC000  }
0xd7: {  	[spmem:s2] =	stream.indirect.scatter.add.f32 [tilespmem:s18], [sflag:$0x6], $0x80, s28, s10, $0xb8;
	[tilespmem:$0x12C00] =	vst v63  }
0xd8: {  	_ =	swait.ge [sflag:s6], $0x4000  }
0xd9: {  	[sflag:s6] =	ssyncset.done $0x0  }
0xda: {  	s21 =	rddreg [dreg:$0xd];
	[sflag:s6] =	ssyncadd.s32 $0xFFFFC000  }
0xdb: {  	[tilespmem:s7], [sflag:$0x1] =	stream.linear.gather [hbm4b:s21+s3], $0x4000, $0x38;
	[tilespmem:$0x12C00] =	vst v63  }
0xdc: {  	_ =	swait.ge [sflag:s17], $0x4000  }
0xdd: {  	[sflag:s17] =	ssyncset.done $0x0  }
0xde: {  	[sflag:s17] =	ssyncadd.s32 $0xFFFFC000  }
0xdf: {  	[spmem:s2] =	stream.indirect.scatter.add.f32 [tilespmem:s15], [sflag:$0x7], $0x80, s26, s10, $0xb8;
	[tilespmem:$0x12C00] =	vst v63  }
0xe0: {  	_ =	swait.ge [sflag:s12], $0x4000  }
0xe1: {  	[sflag:s12] =	ssyncset.done $0x0  }
0xe2: {  	s21 =	rddreg [dreg:$0xe];
	[sflag:s12] =	ssyncadd.s32 $0xFFFFC000  }
0xe3: {  	[tilespmem:s18], [sflag:$0x2] =	stream.linear.gather [hbm4b:s21+s3], $0x4000, $0x38;
	[tilespmem:$0x12C00] =	vst v63  }
0xe4: {  	_ =	swait.ge [sflag:s16], $0x4000  }
0xe5: {  	[sflag:s16] =	ssyncset.done $0x0  }
0xe6: {  	[sflag:s16] =	ssyncadd.s32 $0xFFFFC000  }
0xe7: {  	[spmem:s2] =	stream.indirect.scatter.add.f32 [tilespmem:s14], [sflag:$0x8], $0x80, s25, s10, $0xb8;
	[tilespmem:$0x12C00] =	vst v63  }
0xe8: {  	_ =	swait.ge [sflag:s13], $0x4000  }
0xe9: {  	[sflag:s13] =	ssyncset.done $0x0  }
0xea: {  	s21 =	rddreg [dreg:$0xf];
	[sflag:s13] =	ssyncadd.s32 $0xFFFFC000  }
0xeb: {  	[tilespmem:s15], [sflag:$0x3] =	stream.linear.gather [hbm4b:s21+s3], $0x4000, $0x38;
	[tilespmem:$0x12C00] =	vst v63  }
0xec: {  	_ =	swait.ge [sflag:s9], $0x4000  }
0xed: {  	[sflag:s9] =	ssyncset.done $0x0  }
0xee: {  	[sflag:s9] =	ssyncadd.s32 $0xFFFFC000  }
0xef: {  	[spmem:s2] =	stream.indirect.scatter.add.f32 [tilespmem:s7], [sflag:$0x5], $0x80, s24, s10, $0xb8;
	[tilespmem:$0x12C00] =	vst v63  }
0xf0: {  	_ =	swait.ge [sflag:s11], $0x4000  }
0xf1: {  	[sflag:s11] =	ssyncset.done $0x0  }
0xf2: {  	s21 =	rddreg [dreg:$0x10];
	[sflag:s11] =	ssyncadd.s32 $0xFFFFC000  }
0xf3: {  	[tilespmem:s14], [sflag:$0x4] =	stream.linear.gather [hbm4b:s21+s3], $0x4000, $0x38;
	[tilespmem:$0x12C00] =	vst v63  }
0xf4: {  	_ =	swait.ge [sflag:s19], $0x4000  }
0xf5: {  	[sflag:s19] =	ssyncset.done $0x0  }
0xf6: {  	[sflag:s19] =	ssyncadd.s32 $0xFFFFC000  }
0xf7: {  	[spmem:s2] =	stream.indirect.scatter.add.f32 [tilespmem:s18], [sflag:$0x6], $0x80, s23, s10, $0xb8;
	[tilespmem:$0x12C00] =	vst v63  }
0xf8: {  	_ =	swait.ge [sflag:s6], $0x4000  }
0xf9: {  	[sflag:s6] =	ssyncset.done $0x0  }
0xfa: {  	s21 =	rddreg [dreg:$0x11];
	[sflag:s6] =	ssyncadd.s32 $0xFFFFC000  }
0xfb: {  	[tilespmem:s7], [sflag:$0x1] =	stream.linear.gather [hbm4b:s21+s3], $0x4000, $0x38;
	[tilespmem:$0x12C00] =	vst v63  }
0xfc: {  	_ =	swait.ge [sflag:s17], $0x4000  }
0xfd: {  	[sflag:s17] =	ssyncset.done $0x0  }
0xfe: {  	[sflag:s17] =	ssyncadd.s32 $0xFFFFC000  }
0xff: {  	[spmem:s2] =	stream.indirect.scatter.add.f32 [tilespmem:s15], [sflag:$0x7], $0x80, s22, s10, $0xb8;
	[tilespmem:$0x12C00] =	vst v63  }
0x100: {  	_ =	swait.ge [sflag:s16], $0x4000  }
0x101: {  	[sflag:s16] =	ssyncset.done $0x0  }
0x102: {  	s21 =	simm.s32 $0x580;
	[sflag:s16] =	ssyncadd.s32 $0xFFFFC000  }
0x103: {  	[spmem:s2] =	stream.indirect.scatter.add.f32 [tilespmem:s14], [sflag:$0x8], $0x80, s21, s10, $0xb8;
	[tilespmem:$0x12C00] =	vst v63  }
0x104: {  	_ =	swait.ge [sflag:s9], $0x4000  }
0x105: {  	[sflag:s9] =	ssyncset.done $0x0  }
0x106: {  	s20 =	simm.s32 $0x600;
	[sflag:s9] =	ssyncadd.s32 $0xFFFFC000  }
0x107: {  	[spmem:s2] =	stream.indirect.scatter.add.f32 [tilespmem:s7], [sflag:$0x5], $0x80, s20, s10, $0xb8;
	[tilespmem:$0x12C00] =	vst v63  }
0x108: {  	_ =	swait.ge [sflag:s12], $0x4000  }
0x109: {  	[sflag:s12] =	ssyncset.done $0x0  }
0x10a: {  	[sflag:s12] =	ssyncadd.s32 $0xFFFFC000  }
0x10b: {  	_ =	swait.ge [sflag:s13], $0x4000  }
0x10c: {  	[sflag:s13] =	ssyncset.done $0x0  }
0x10d: {  	[sflag:s13] =	ssyncadd.s32 $0xFFFFC000  }
0x10e: {  	_ =	swait.ge [sflag:s11], $0x4000  }
0x10f: {  	[sflag:s11] =	ssyncset.done $0x0  }
0x110: {  	[sflag:s11] =	ssyncadd.s32 $0xFFFFC000  }
0x111: {  	_ =	swait.ge [sflag:s6], $0x4000  }
0x112: {  	p1 =	sne.s32 s0, $0x1;
	[sflag:s6] =	ssyncset.done $0x0  }
.Ltmp2:
0x113: {  	[sflag:s6] =	ssyncadd.s32 $0xFFFFC000;
	(pc) =	sbr.rel @p1 .LBB2_3-.Ltmp2, $4  }
0x114: {  	[bflag:$0x0] =	sbarrier.arrive $0xFFFF  }
0x115: {  	s21 =	rddreg [dreg:$0x12]  }
0x116: {  	[hbm:s21], [sflag:s5] =	dma.local [spmem:s8], $0x400  }
0x117: {  	s0 =	sadd.s32 $0xFFFFFFFF, s0;
	_ =	swait.ge [sflag:s4], $0x400  }
0x118: {  	s21 =	rddreg [dreg:$0x2]  }
.LBB2_5:
0x119: {  	[sflag:s4] =	ssyncset.done @p0 $0x0  }
0x11a: {  	s0 =	rddreg [dreg:$0x3];
	[sflag:s4] =	ssyncadd.s32 @p0 $0xFFFFFC00  }
0x11b: {  	[tilespmem:s3], [sflag:$0x9] =	stream.linear.gather [hbm4b:s0+s3], $0x680, $0x38;
	[tilespmem:$0x12C00] =	vst v63  }
0x11c: {  	_ =	swait.ge [sflag:s4], $0x680  }
0x11d: {  	s0 =	rddreg [dreg:$0x4];
	[sflag:s4] =	ssyncset.done $0x0  }
0x11e: {  	s1 =	rddreg [dreg:$0x13];
	[sflag:s4] =	ssyncadd.s32 $0xFFFFF980  }
0x11f: {  	[spmem:s1], [sflag:s5] =	dma.local [hbm:s0], $0x480  }
0x120: {  	_ =	swait.ge [sflag:s4], $0x480  }
0x121: {  	[sflag:s4] =	ssyncset.done $0x0  }
0x122: {  	[sflag:s4] =	ssyncadd.s32 $0xFFFFFB80  }
0x123: {  	[bflag:$0x0] =	sbarrier.arrive $0xFFFF  }
0x124: {  	s0 =	rddreg [dreg:$0x5]  }
0x125: {  	[tilespmem:s7], [sflag:$0x1] =	stream.linear.gather [hbm4b:s0+s3], $0x4000, $0x38;
	[tilespmem:$0x12C00] =	vst v63  }
0x126: {  	s1 =	rddreg [dreg:$0x6]  }
0x127: {  	[tilespmem:s18], [sflag:$0x2] =	stream.linear.gather [hbm4b:s1+s3], $0x4000, $0x38;
	[tilespmem:$0x12C00] =	vst v63  }
0x128: {  	s0 =	rddreg [dreg:$0x7]  }
0x129: {  	[tilespmem:s15], [sflag:$0x3] =	stream.linear.gather [hbm4b:s0+s3], $0x4000, $0x38;
	[tilespmem:$0x12C00] =	vst v63  }
0x12a: {  	_ =	swait.ge [sflag:s9], $0x4000  }
0x12b: {  	[sflag:s9] =	ssyncset.done $0x0  }
0x12c: {  	[sflag:s9] =	ssyncadd.s32 $0xFFFFC000  }
0x12d: {  	[spmem:s2] =	stream.indirect.scatter.add.f32 [tilespmem:s7], [sflag:$0x5], $0x80, s3, s10, $0xb8;
	[tilespmem:$0x12C00] =	vst v63  }
0x12e: {  	s1 =	rddreg [dreg:$0x8]  }
0x12f: {  	[tilespmem:s14], [sflag:$0x4] =	stream.linear.gather [hbm4b:s1+s3], $0x4000, $0x38;
	[tilespmem:$0x12C00] =	vst v63  }
0x130: {  	_ =	swait.ge [sflag:s19], $0x4000  }
0x131: {  	[sflag:s19] =	ssyncset.done $0x0  }
0x132: {  	[sflag:s19] =	ssyncadd.s32 $0xFFFFC000  }
0x133: {  	[spmem:s2] =	stream.indirect.scatter.add.f32 [tilespmem:s18], [sflag:$0x6], $0x80, s10, s10, $0xb8;
	[tilespmem:$0x12C00] =	vst v63  }
0x134: {  	_ =	swait.ge [sflag:s6], $0x4000  }
0x135: {  	[sflag:s6] =	ssyncset.done $0x0  }
0x136: {  	s1 =	rddreg [dreg:$0x9];
	[sflag:s6] =	ssyncadd.s32 $0xFFFFC000  }
0x137: {  	[tilespmem:s7], [sflag:$0x1] =	stream.linear.gather [hbm4b:s1+s3], $0x4000, $0x38;
	[tilespmem:$0x12C00] =	vst v63  }
0x138: {  	_ =	swait.ge [sflag:s17], $0x4000  }
0x139: {  	[sflag:s17] =	ssyncset.done $0x0  }
0x13a: {  	[sflag:s17] =	ssyncadd.s32 $0xFFFFC000  }
0x13b: {  	[spmem:s2] =	stream.indirect.scatter.add.f32 [tilespmem:s15], [sflag:$0x7], $0x80, s31, s10, $0xb8;
	[tilespmem:$0x12C00] =	vst v63  }
0x13c: {  	_ =	swait.ge [sflag:s12], $0x4000  }
0x13d: {  	[sflag:s12] =	ssyncset.done $0x0  }
0x13e: {  	s31 =	rddreg [dreg:$0xa];
	[sflag:s12] =	ssyncadd.s32 $0xFFFFC000  }
0x13f: {  	[tilespmem:s18], [sflag:$0x2] =	stream.linear.gather [hbm4b:s31+s3], $0x4000, $0x38;
	[tilespmem:$0x12C00] =	vst v63  }
0x140: {  	_ =	swait.ge [sflag:s16], $0x4000  }
0x141: {  	[sflag:s16] =	ssyncset.done $0x0  }
0x142: {  	[sflag:s16] =	ssyncadd.s32 $0xFFFFC000  }
0x143: {  	[spmem:s2] =	stream.indirect.scatter.add.f32 [tilespmem:s14], [sflag:$0x8], $0x80, s30, s10, $0xb8;
	[tilespmem:$0x12C00] =	vst v63  }
0x144: {  	_ =	swait.ge [sflag:s13], $0x4000  }
0x145: {  	[sflag:s13] =	ssyncset.done $0x0  }
0x146: {  	s1 =	rddreg [dreg:$0xb];
	[sflag:s13] =	ssyncadd.s32 $0xFFFFC000  }
0x147: {  	[tilespmem:s15], [sflag:$0x3] =	stream.linear.gather [hbm4b:s1+s3], $0x4000, $0x38;
	[tilespmem:$0x12C00] =	vst v63  }
0x148: {  	_ =	swait.ge [sflag:s9], $0x4000  }
0x149: {  	[sflag:s9] =	ssyncset.done $0x0  }
0x14a: {  	[sflag:s9] =	ssyncadd.s32 $0xFFFFC000  }
0x14b: {  	[spmem:s2] =	stream.indirect.scatter.add.f32 [tilespmem:s7], [sflag:$0x5], $0x80, s29, s10, $0xb8;
	[tilespmem:$0x12C00] =	vst v63  }
0x14c: {  	_ =	swait.ge [sflag:s11], $0x4000  }
0x14d: {  	[sflag:s11] =	ssyncset.done $0x0  }
0x14e: {  	s30 =	rddreg [dreg:$0xc];
	[sflag:s11] =	ssyncadd.s32 $0xFFFFC000  }
0x14f: {  	[tilespmem:s14], [sflag:$0x4] =	stream.linear.gather [hbm4b:s30+s3], $0x4000, $0x38;
	[tilespmem:$0x12C00] =	vst v63  }
0x150: {  	_ =	swait.ge [sflag:s19], $0x4000  }
0x151: {  	[sflag:s19] =	ssyncset.done $0x0  }
0x152: {  	[sflag:s19] =	ssyncadd.s32 $0xFFFFC000  }
0x153: {  	[spmem:s2] =	stream.indirect.scatter.add.f32 [tilespmem:s18], [sflag:$0x6], $0x80, s28, s10, $0xb8;
	[tilespmem:$0x12C00] =	vst v63  }
0x154: {  	_ =	swait.ge [sflag:s6], $0x4000  }
0x155: {  	[sflag:s6] =	ssyncset.done $0x0  }
0x156: {  	s31 =	rddreg [dreg:$0xd];
	[sflag:s6] =	ssyncadd.s32 $0xFFFFC000  }
0x157: {  	[tilespmem:s7], [sflag:$0x1] =	stream.linear.gather [hbm4b:s31+s3], $0x4000, $0x38;
	[tilespmem:$0x12C00] =	vst v63  }
0x158: {  	_ =	swait.ge [sflag:s17], $0x4000  }
0x159: {  	[sflag:s17] =	ssyncset.done $0x0  }
0x15a: {  	[sflag:s17] =	ssyncadd.s32 $0xFFFFC000  }
0x15b: {  	[spmem:s2] =	stream.indirect.scatter.add.f32 [tilespmem:s15], [sflag:$0x7], $0x80, s26, s10, $0xb8;
	[tilespmem:$0x12C00] =	vst v63  }
0x15c: {  	_ =	swait.ge [sflag:s12], $0x4000  }
0x15d: {  	[sflag:s12] =	ssyncset.done $0x0  }
0x15e: {  	s1 =	rddreg [dreg:$0xe];
	[sflag:s12] =	ssyncadd.s32 $0xFFFFC000  }
0x15f: {  	[tilespmem:s18], [sflag:$0x2] =	stream.linear.gather [hbm4b:s1+s3], $0x4000, $0x38;
	[tilespmem:$0x12C00] =	vst v63  }
0x160: {  	_ =	swait.ge [sflag:s16], $0x4000  }
0x161: {  	[sflag:s16] =	ssyncset.done $0x0  }
0x162: {  	[sflag:s16] =	ssyncadd.s32 $0xFFFFC000  }
0x163: {  	[spmem:s2] =	stream.indirect.scatter.add.f32 [tilespmem:s14], [sflag:$0x8], $0x80, s25, s10, $0xb8;
	[tilespmem:$0x12C00] =	vst v63  }
0x164: {  	_ =	swait.ge [sflag:s13], $0x4000  }
0x165: {  	[sflag:s13] =	ssyncset.done $0x0  }
0x166: {  	s25 =	rddreg [dreg:$0xf];
	[sflag:s13] =	ssyncadd.s32 $0xFFFFC000  }
0x167: {  	[tilespmem:s15], [sflag:$0x3] =	stream.linear.gather [hbm4b:s25+s3], $0x4000, $0x38;
	[tilespmem:$0x12C00] =	vst v63  }
0x168: {  	_ =	swait.ge [sflag:s9], $0x4000  }
0x169: {  	[sflag:s9] =	ssyncset.done $0x0  }
0x16a: {  	[sflag:s9] =	ssyncadd.s32 $0xFFFFC000  }
0x16b: {  	[spmem:s2] =	stream.indirect.scatter.add.f32 [tilespmem:s7], [sflag:$0x5], $0x80, s24, s10, $0xb8;
	[tilespmem:$0x12C00] =	vst v63  }
0x16c: {  	_ =	swait.ge [sflag:s11], $0x4000  }
0x16d: {  	[sflag:s11] =	ssyncset.done $0x0  }
0x16e: {  	s26 =	rddreg [dreg:$0x10];
	[sflag:s11] =	ssyncadd.s32 $0xFFFFC000  }
0x16f: {  	[tilespmem:s14], [sflag:$0x4] =	stream.linear.gather [hbm4b:s26+s3], $0x4000, $0x38;
	[tilespmem:$0x12C00] =	vst v63  }
0x170: {  	_ =	swait.ge [sflag:s19], $0x4000  }
0x171: {  	[sflag:s19] =	ssyncset.done $0x0  }
0x172: {  	[sflag:s19] =	ssyncadd.s32 $0xFFFFC000  }
0x173: {  	[spmem:s2] =	stream.indirect.scatter.add.f32 [tilespmem:s18], [sflag:$0x6], $0x80, s23, s10, $0xb8;
	[tilespmem:$0x12C00] =	vst v63  }
0x174: {  	_ =	swait.ge [sflag:s6], $0x4000  }
0x175: {  	[sflag:s6] =	ssyncset.done $0x0  }
0x176: {  	s28 =	rddreg [dreg:$0x11];
	[sflag:s6] =	ssyncadd.s32 $0xFFFFC000  }
0x177: {  	[tilespmem:s7], [sflag:$0x1] =	stream.linear.gather [hbm4b:s28+s3], $0x4000, $0x38;
	[tilespmem:$0x12C00] =	vst v63  }
0x178: {  	_ =	swait.ge [sflag:s17], $0x4000  }
0x179: {  	[sflag:s17] =	ssyncset.done $0x0  }
0x17a: {  	[sflag:s17] =	ssyncadd.s32 $0xFFFFC000  }
0x17b: {  	[spmem:s2] =	stream.indirect.scatter.add.f32 [tilespmem:s15], [sflag:$0x7], $0x80, s22, s10, $0xb8;
	[tilespmem:$0x12C00] =	vst v63  }
0x17c: {  	_ =	swait.ge [sflag:s16], $0x4000  }
0x17d: {  	[sflag:s16] =	ssyncset.done $0x0  }
0x17e: {  	s29 =	simm.s32 $0x580;
	[sflag:s16] =	ssyncadd.s32 $0xFFFFC000  }
0x17f: {  	[spmem:s2] =	stream.indirect.scatter.add.f32 [tilespmem:s14], [sflag:$0x8], $0x80, s29, s10, $0xb8;
	[tilespmem:$0x12C00] =	vst v63  }
0x180: {  	_ =	swait.ge [sflag:s9], $0x4000  }
0x181: {  	[sflag:s9] =	ssyncset.done $0x0  }
0x182: {  	[sflag:s9] =	ssyncadd.s32 $0xFFFFC000  }
0x183: {  	[spmem:s2] =	stream.indirect.scatter.add.f32 [tilespmem:s7], [sflag:$0x5], $0x80, s20, s10, $0xb8;
	[tilespmem:$0x12C00] =	vst v63  }
0x184: {  	_ =	swait.ge [sflag:s12], $0x4000  }
0x185: {  	[sflag:s12] =	ssyncset.done $0x0  }
0x186: {  	[sflag:s12] =	ssyncadd.s32 $0xFFFFC000  }
0x187: {  	_ =	swait.ge [sflag:s13], $0x4000  }
0x188: {  	[sflag:s13] =	ssyncset.done $0x0  }
0x189: {  	[sflag:s13] =	ssyncadd.s32 $0xFFFFC000  }
0x18a: {  	_ =	swait.ge [sflag:s11], $0x4000  }
0x18b: {  	[sflag:s11] =	ssyncset.done $0x0  }
0x18c: {  	[sflag:s11] =	ssyncadd.s32 $0xFFFFC000  }
0x18d: {  	_ =	swait.ge [sflag:s6], $0x4000  }
0x18e: {  	[sflag:s6] =	ssyncset.done $0x0  }
0x18f: {  	[sflag:s6] =	ssyncadd.s32 $0xFFFFC000  }
0x190: {  	[bflag:$0x0] =	sbarrier.arrive $0xFFFF  }
0x191: {  	s30 =	rddreg [dreg:$0x12]  }
0x192: {  	[hbm:s30], [sflag:s5] =	dma.local [spmem:s8], $0x400  }
0x193: {  	_ =	swait.ge [sflag:s4], $0x400  }
0x194: {  	[sflag:s4] =	ssyncset.done $0x0  }
0x195: {  	[sflag:s4] =	ssyncadd.s32 $0xFFFFFC00  }
0x196: {  	_ =	sfence.sel $0x180000  }
0x197: {  	s31 =	stileid.u32;
	[bflag:$0x0] =	sbarrier.arrive $0xFFFF  }
0x198: {  	p0 =	sne.s32 s31, $0x0;
	_ =	strace $0x90000047  }
0x199: {  	s0 =	sadd.s32 @!p0 $0x100000, s21;
	[bflag:$0x2] =	sbarrier.arrive $0xFFFF  }
0x19a: {  	[sflag:s0] =	ssyncadd.tile.s32 @!p0 $0x1;
	_ =	shalt  }
.LBB2_2:
.Ltmp3:
0x19b: {  	(pc) =	sbr.rel .LBB2_5-.Ltmp3, $2  }
0x19c: {  	_ =	sdelay $0x2  }
0x19d: {  	s21 =	rddreg [dreg:$0x2]  }
.Lfunc_end2:
_tile_overlayer_lowered:
.L_overlay_start_2:
0x19e: {  	(tag) =	ssettag $0x2  }
0x19f: {  	s0 =	rddreg [dreg:$0x0];
	s2 =	stileid.u32  }
0x1a0: {  	s1 =	rddreg [dreg:$0x1];
	p0 =	sne.s32 s2, $0x0  }
0x1a1: {  	s3 =	rddreg [dreg:$0x2];
	[bflag:$0x3] =	sbarrier.arrive $0xFFFF;
	s2 =	simm.s32 @!p0 $0x1C09  }
0x1a2: {  	[timem:s3], [sflag:s2] =	dma.local @!p0 [hbm:s0], s1  }
0x1a3: {  	s0 =	simm.s32 @!p0 $0x9  }
0x1a4: {  	_ =	swait.ge @!p0 [sflag:s0], s1  }
0x1a5: {  	s1 =	ssub.s32 @!p0 $0x0, s1;
	[sflag:s0] =	ssyncset.done @!p0 $0x0  }
0x1a6: {  	[sflag:s0] =	ssyncadd.s32 @!p0 s1  }
0x1a7: {  	[bflag:$0x3] =	sbarrier.arrive $0xFFFF  }
0x1a8: {  	_ =	shalt  }

// kernel: kernel.9.cloned.1.call-start
scs
__scs_entry_jumppad:
0x0: {  	(pc) =	sbr.rel $0x88, $3  }
0x1: {  	(tag) =	ssettag $0x0;
	lr =	simm.s32 $0x1  }
0x2: {  	[smem:$0x3F99] =	sst lr;
	_ =	strace $0xD0000000  }
0x3: {  	_ = 	snop  }
0x4: {  	_ = 	snop  }
0x5: {  	_ = 	snop  }
0x6: {  	_ = 	snop  }
0x7: {  	_ = 	snop  }
__scs_overlays_trampoline_lowered:
0x8: {  	[smem:$0x3FA8] =	sst s0  }
0x9: {  	[smem:$0x3FA9] =	sst s1  }
0xa: {  	[smem:$0x3FAA] =	sst s2  }
0xb: {  	[smem:$0x3FAB] =	sst s3  }
0xc: {  	[smem:$0x3FAC] =	sst s4  }
0xd: {  	[smem:$0x3FAD] =	sst s5  }
0xe: {  	[smem:$0x3FAE] =	sst s6  }
0xf: {  	[smem:$0x3FAF] =	sst s7  }
0x10: {  	[smem:$0x3FB0] =	sst s8  }
0x11: {  	[smem:$0x3FB1] =	sst s9;
	s0 =	simm.s32 @!p0 $0x0  }
0x12: {  	s1 =	sld [smem:$0x3F97];
	s0 =	simm.s32 @p0 $0x1  }
0x13: {  	[smem:$0x3FB2] =	sst s0;
	s0 =	simm.s32 @!p1 $0x0  }
0x14: {  	s2 =	sld [smem:$0x3F96];
	s0 =	simm.s32 @p1 $0x1  }
0x15: {  	[smem:$0x3FB3] =	sst s0;
	s0 =	simm.s32 @!p2 $0x0  }
0x16: {  	s3 =	sld [smem:$0x3FDB];
	s0 =	simm.s32 @p2 $0x1  }
0x17: {  	s4 =	simm.s32 $0x1BF5;
	[smem:$0x3FB5] =	sst s0  }
0x18: {  	s0 =	sld [smem:$0x3F98];
	_ =	swait.ge [sflag:s4], $0x0  }
0x19: {  	s7 =	sld [smem:$0x3F99]  }
0x1a: {  	s8 =	sadd.s32 $0xFFFFE003, lr  }
0x1b: {  	s9 =	sadd.s32 $0xFFFFFEF7, lr;
	s5 =	simm.s32 $0xFFFFFFFF;
	p2 =	slt.u32 s8, $0xFFFFF086  }
0x1c: {  	p1 =	slt.u32 s9, $0xF7A;
	s5 =	simm.s32 @!p2 $0x0  }
0x1d: {  	s5 =	simm.s32 @p1 $0x1;
	p0 =	seq.s32 s7, s2  }
0x1e: {  	s7 =	smul.u32 @!p0 $0xF7A, s2;
	p2 =	seq.s32 @!p0 s5, $0x0  }
0x1f: {  	s9 =	smul.u32 $0xF7A, s1;
	s8 =	simm.s32 @!p0 $0x1BF5;
	p2 =	por !p2, p0  }
0x20: {  	[sflag:s8] =	ssyncset.s32 @!p0 $0xFFFFF086;
	s6 =	sadd.s32 @!p0 s3, s7;
	s7 =	simm.s32 @!p0 $0x108  }
0x21: {  	s3 =	sadd.s32 s3, s9;
	s6 =	sadd.s32 @!p0 $0x88, s6;
	s7 =	simm.s32 @p2 $0x1082  }
0x22: {  	[simem:s7], [sflag:s8] =	dma.local @!p0 [hbm:s6], $0xF7A  }
0x23: {  	s9 =	sor.u32 $0xD0000000, s2;
	s6 =	simm.s32 $0x108;
	_ =	swait.ge @!p0 [sflag:s8], $0x0  }
0x24: {  	s3 =	sadd.s32 $0x88, s3;
	s6 =	simm.s32 @!p1 $0x1082;
	[sflag:s4] =	ssyncset.s32 $0xFFFFF086  }
0x25: {  	[simem:s6], [sflag:s4] =	dma.local [hbm:s3], $0xF7A  }
0x26: {  	[smem:$0x3F99] =	sst s1;
	(tag) =	ssettag s2;
	_ =	strace s9  }
0x27: {  	s1 =	sld [smem:$0x3FA9]  }
0x28: {  	s2 =	sld [smem:$0x3FAA]  }
0x29: {  	s4 =	sld [smem:$0x3FAC]  }
0x2a: {  	p0 =	seq.s32 s5, $0x0;
	s5 =	sld [smem:$0x3FAD]  }
0x2b: {  	s6 =	sld [smem:$0x3FAE]  }
0x2c: {  	s7 =	sld [smem:$0x3FAF]  }
0x2d: {  	s3 =	simm.s32 $0x108;
	s8 =	sld [smem:$0x3FB0]  }
0x2e: {  	s3 =	simm.s32 @!p0 $0x1082;
	s9 =	sld [smem:$0x3FB1]  }
0x2f: {  	lr =	sadd.s32 s0, s3;
	s0 =	sld [smem:$0x3FA8]  }
0x30: {  	s3 =	sld [smem:$0x3FAB]  }
0x31: {  	[smem:$0x3FB4] =	sst s10  }
0x32: {  	s10 =	sld [smem:$0x3FB2];
	_ =	sdelay $0x3  }
0x33: {  	p0 =	seq.s32 s10, $0x1;
	s10 =	sld [smem:$0x3FB4];
	_ =	sdelay $0x3  }
0x34: {  	[smem:$0x3FB4] =	sst s10  }
0x35: {  	s10 =	sld [smem:$0x3FB3];
	_ =	sdelay $0x3  }
0x36: {  	p1 =	seq.s32 s10, $0x1;
	s10 =	sld [smem:$0x3FB4];
	_ =	sdelay $0x3  }
0x37: {  	[smem:$0x3FB4] =	sst s10  }
0x38: {  	s10 =	sld [smem:$0x3FB5]  }
0x39: {  	_ = 	snop;
	(pc) =	sbr.ind lr, $3  }
0x3a: {  	_ = 	snop  }
0x3b: {  	_ = 	snop  }
0x3c: {  	p2 =	seq.s32 s10, $0x1;
	s10 =	sld [smem:$0x3FB4]  }
0x3d: {  	_ =	shalt  }
0x3e: {  	_ =	shalt  }
0x3f: {  	_ =	shalt  }
0x40: {  	_ =	shalt  }
0x41: {  	_ =	shalt  }
0x42: {  	_ =	shalt  }
0x43: {  	_ =	shalt  }
0x44: {  	_ =	shalt  }
0x45: {  	_ =	shalt  }
0x46: {  	_ =	shalt  }
0x47: {  	_ =	shalt  }
0x48: {  	_ =	shalt  }
0x49: {  	_ =	shalt  }
0x4a: {  	_ =	shalt  }
0x4b: {  	_ =	shalt  }
0x4c: {  	_ =	shalt  }
0x4d: {  	_ =	shalt  }
0x4e: {  	_ =	shalt  }
0x4f: {  	_ =	shalt  }
0x50: {  	_ =	shalt  }
0x51: {  	_ =	shalt  }
0x52: {  	_ =	shalt  }
0x53: {  	_ =	shalt  }
0x54: {  	_ =	shalt  }
0x55: {  	_ =	shalt  }
0x56: {  	_ =	shalt  }
0x57: {  	_ =	shalt  }
0x58: {  	_ =	shalt  }
0x59: {  	_ =	shalt  }
0x5a: {  	_ =	shalt  }
0x5b: {  	_ =	shalt  }
0x5c: {  	_ =	shalt  }
0x5d: {  	_ =	shalt  }
0x5e: {  	_ =	shalt  }
0x5f: {  	_ =	shalt  }
0x60: {  	_ =	shalt  }
0x61: {  	_ =	shalt  }
0x62: {  	_ =	shalt  }
0x63: {  	_ =	shalt  }
0x64: {  	_ =	shalt  }
0x65: {  	_ =	shalt  }
0x66: {  	_ =	shalt  }
0x67: {  	_ =	shalt  }
0x68: {  	_ =	shalt  }
0x69: {  	_ =	shalt  }
0x6a: {  	_ =	shalt  }
0x6b: {  	_ =	shalt  }
0x6c: {  	_ =	shalt  }
0x6d: {  	_ =	shalt  }
0x6e: {  	_ =	shalt  }
0x6f: {  	_ =	shalt  }
0x70: {  	_ =	shalt  }
0x71: {  	_ =	shalt  }
0x72: {  	_ =	shalt  }
0x73: {  	_ =	shalt  }
0x74: {  	_ =	shalt  }
0x75: {  	_ =	shalt  }
0x76: {  	_ =	shalt  }
0x77: {  	_ =	shalt  }
0x78: {  	_ =	shalt  }
0x79: {  	_ =	shalt  }
0x7a: {  	_ =	shalt  }
0x7b: {  	_ =	shalt  }
0x7c: {  	_ =	shalt  }
0x7d: {  	_ =	shalt  }
0x7e: {  	_ =	shalt  }
0x7f: {  	_ =	shalt  }
0x80: {  	_ =	shalt  }
0x81: {  	_ =	shalt  }
0x82: {  	_ =	shalt  }
0x83: {  	_ =	shalt  }
0x84: {  	_ =	shalt  }
0x85: {  	_ =	shalt  }
0x86: {  	_ =	shalt  }
0x87: {  	_ =	shalt  }
.Lfunc_end0:
.L_simem_size_0:
called_computation.1_lowered:
.L_overlay_start_0:
0x88: {  	s2 =	sld [smem:$0x3FD9]  }
0x89: {  	s3 =	sld [smem:$0x3FFE];
	_ =	sdelay $0x1  }
0x8a: {  	s1 =	srdreg.scid  }
0x8b: {  	s0 =	sand.u32 $0x1, s1  }
0x8c: {  	s17 =	sshll.u32 s0, $0xA;
	s2 =	sadd.s32 s3, s2  }
0x8d: {  	s2 =	sadd.s32 s2, s17  }
0x8e: {  	[smem:$0x3FC0] =	sst s2  }
0x8f: {  	_ = 	snop  }
0x90: {  	s18 =	sld [smem:$0x3FD0];
	(tm) =	ssettm $0x1  }
0x91: {  	s19 =	sld [smem:$0x3FFB];
	_ =	sdelay $0x3  }
0x92: {  	_ =	strace s19  }
0x93: {  	s2 =	sld [smem:$0x3FFC];
	_ =	sdelay $0x3  }
0x94: {  	_ =	strace s2  }
0x95: {  	s2 =	sld [smem:$0x3FFD];
	_ =	sdelay $0x3  }
0x96: {  	_ =	strace s2  }
0x97: {  	_ =	strace $0x8FFFFFFF  }
0x98: {  	s20 =	sld [smem:$0x3FDB];
	_ =	sdelay $0x1  }
0x99: {  	s4 =	simm.s32 $_scs_section_size  }
0x9a: {  	s5 =	simm.s32 $_size__tile_overlayer_lowered;
	s6 =	simm.s32 $_tile_overlayer_lowered  }
0x9b: {  	s7 =	simm.s32 $0x1BFF;
	s21 =	sshll.u32 s6, $0x1;
	s4 =	sadd.s32 s4, s20  }
0x9c: {  	s22 =	simm.s32 $0x0;
	s5 =	sshll.u32 s5, $0x1;
	s6 =	sadd.s32 s21, s4  }
0x9d: {  	[timem:s22], [sflag:s7] =	dma.local [hbm:s6], s5  }
0x9e: {  	_ =	swait.ge [sflag:s7], s5  }
0x9f: {  	s5 =	ssub.s32 $0x0, s5;
	[sflag:s7] =	ssyncset.done $0x0  }
0xa0: {  	[sflag:s7] =	ssyncadd.s32 s5;
	_ =	sdelay $0x1  }
0xa1: {  	s23 =	simm.s32 $0x1B8B  }
0xa2: {  	_ =	swait.ge [sflag:s23], $0x1  }
0xa3: {  	[sflag:s23] =	ssyncset.done $0x0  }
0xa4: {  	[sflag:s23] =	ssyncadd.s32 $0xFFFFFFFF  }
0xa5: {  	s5 =	sld [smem:$0x0]  }
0xa6: {  	s6 =	sand.u32 $0xFFFFFFFE, s1  }
0xa7: {  	p0 =	sne.s32 s1, s6  }
0xa8: {  	s6 =	sshll.u32 @p0 s6, $0xE  }
0xa9: {  	s6 =	sadd.s32 @p0 $0x11B8D, s6;
	s7 =	sshll.u32 @p0 s5, $0x11  }
0xaa: {  	s6 =	sor.u32 @p0 s7, s6  }
0xab: {  	[sflag:s6] =	ssyncadd.remote.s32 @p0 $0x1;
	_ =	sdelay $0x1  }
0xac: {  	s6 =	simm.s32 @p0 $0x1B8D  }
0xad: {  	_ =	swait.eq @p0 [sflag:s6], $0x1  }
0xae: {  	[sflag:s6] =	ssyncadd.s32 @p0 $0xFFFFFFFF  }
0xaf: {  	s7 =	sshll.u32 @!p0 s1, $0xE  }
0xb0: {  	s7 =	sor.u32 @!p0 $0x4000, s7;
	s6 =	simm.s32 @!p0 $0x1B8D  }
0xb1: {  	s5 =	sshll.u32 @!p0 s5, $0x11;
	s7 =	sadd.s32 @!p0 $0x11B8D, s7;
	_ =	swait.eq @!p0 [sflag:s6], $0x1  }
0xb2: {  	s5 =	sor.u32 @!p0 s5, s7;
	[sflag:s6] =	ssyncadd.s32 @!p0 $0xFFFFFFFF  }
0xb3: {  	s25 =	simm.s32 $0x1B8E;
	s24 =	sld [smem:$0x3FFE];
	[sflag:s5] =	ssyncadd.remote.s32 @!p0 $0x1  }
0xb4: {  	s26 =	simm.s32 $execute0_lowered;
	[smem:$0x3FD2] =	sst s25  }
0xb5: {  	s6 =	sshll.u32 s26, $0x1;
	_ =	strace $0x80000049;
	[dreg:$0x1] =	wrdreg $0xFFFFFFFF  }
0xb6: {  	s28 =	simm.s32 $_size_execute0_lowered;
	s4 =	sadd.s32 s4, s6;
	[dreg:$0x0] =	wrdreg $0x0  }
0xb7: {  	s6 =	sshll.u32 s28, $0x1;
	[dreg:$0x2] =	wrdreg s4  }
0xb8: {  	[dreg:$0x3] =	wrdreg s6  }
0xb9: {  	[dreg:$0x4] =	wrdreg $0xC0  }
0xba: {  	_ =	task [dreg:s22], $0x5FFFF  }
0xbb: {  	[dreg:$0x1] =	wrdreg $0xFFFFFFFF  }
0xbc: {  	[dreg:$0x0] =	wrdreg $0x60  }
0xbd: {  	[dreg:$0x2] =	wrdreg s24  }
0xbe: {  	[dreg:$0x3] =	wrdreg s18  }
0xbf: {  	[dreg:$0x4] =	wrdreg $0x108000  }
0xc0: {  	[dreg:$0x5] =	wrdreg $0xA  }
0xc1: {  	_ =	task.clear_ibuf [dreg:s22], $0x6FFFF;
	_ =	strace $0x90000049  }
0xc2: {  	s29 =	simm.s32 $0xA;
	_ =	strace $0x8000004B  }
0xc3: {  	_ =	swait.ge [sflag:s29], $0x1  }
0xc4: {  	[sflag:s29] =	ssyncadd.s32 $0xFFFFFFFF  }
0xc5: {  	_ =	strace $0x9000004B  }
0xc6: {  	_ =	sfence  }
0xc7: {  	s30 =	sld [smem:$0x0];
	_ =	sdelay $0x2  }
0xc8: {  	s31 =	sshll.u32 s1, $0xD;
	s1 =	sshrl.u32 s1, $0x2  }
0xc9: {  	s4 =	sand.u32 $0x4000, s31;
	s1 =	sadd.s32 s1, s30  }
0xca: {  	s0 =	sor.u32 s4, s0;
	s1 =	sshll.u32 s1, $0x11  }
0xcb: {  	s0 =	sor.u32 s1, s0  }
0xcc: {  	s0 =	sadd.s32 $0x8F2B, s0  }
0xcd: {  	[sflag:s0] =	ssyncadd.remote.s32 $0x1  }
0xce: {  	_ =	sfence.sel $0xFFFF  }
0xcf: {  	[dreg:$0x0] =	wrdreg $0xFFFFFFFF;
	(pc) =	sbr.abs _section_cstart, $3  }
0xd0: {  	[dreg:$0x1] =	wrdreg $0xFFFFFFFF  }
0xd1: {  	_ =	task.clear_ibuf [dreg:s22], $0x2FFFF;
	_ =	strace $0x9FFFFFFF  }
0xd2: {  	(tm) =	ssettm $0x7FFFFFFF  }
0xd3: {  	_ =	shalt  }
tec
execute0_lowered:
.L_overlay_start_1:
0x0: {  	(tag) =	ssettag $0x1  }
0x1: {  	s5 =	rddreg [dreg:$0x0]  }
0x2: {  	s4 =	rddreg [dreg:$0x1]  }
0x3: {  	s0 =	srdreg.scid;
	s2 =	rddreg [dreg:$0x2];
	s3 =	simm.s32 $0x0  }
0x4: {  	s1 =	stileid.u32;
	s0 =	sand.u32 $0x1, s0;
	[smem:$0x7FF] =	sst s3  }
0x5: {  	s7 =	smul.u32 $0x480, s1;
	s9 =	sadd.s32 $0xDF000, s5;
	s14 =	sshll.u32 s1, $0xA  }
0x6: {  	s6 =	sshll.u32 s0, $0x4;
	_ =	strace $0x8000004A;
	s19 =	sshll.u32 s0, $0xE  }
0x7: {  	s6 =	sor.u32 s1, s6;
	s7 =	sadd.s32 s7, s5;
	s5 =	sadd.s32 s14, s5  }
0x8: {  	s8 =	sshll.u32 s6, $0x8;
	s24 =	smul.u32 $0x6000, s6;
	s7 =	sadd.s32 $0xD2800, s7  }
0x9: {  	s5 =	sadd.s32 s19, s5;
	s4 =	sadd.s32 s4, s8;
	[dreg:$0x5] =	wrdreg s7  }
0xa: {  	s5 =	sadd.s32 $0x19F000, s5;
	[dreg:$0x4] =	wrdreg s4  }
0xb: {  	s6 =	smul.u32 $0x30000, s6;
	s4 =	sadd.s32 s9, s24;
	[dreg:$0x11] =	wrdreg s5  }
0xc: {  	s25 =	sadd.s32 $0x800, s4;
	s21 =	rddreg [dreg:$0x4]  }
0xd: {  	s6 =	sshrl.u32 s6, $0x3;
	s26 =	sadd.s32 $0x1000, s4;
	[dreg:$0x6] =	wrdreg s25  }
0xe: {  	s8 =	sadd.s32 $0x1800, s4;
	s6 =	sadd.s32 s9, s6;
	[dreg:$0x7] =	wrdreg s26  }
0xf: {  	[dreg:$0x8] =	wrdreg s8;
	s10 =	sadd.s32 $0x2000, s6  }
0x10: {  	[tilespmem:s3], [sflag:$0x9] =	stream.linear.gather [hbm4b:s21+s3], $0x600, $0x38;
	[tilespmem:$0x12C00] =	vst v63  }
0x11: {  	s11 =	sadd.s32 $0x2800, s6;
	[dreg:$0x9] =	wrdreg s10  }
0x12: {  	s12 =	sadd.s32 $0x3000, s6;
	[dreg:$0xa] =	wrdreg s11  }
0x13: {  	s13 =	sadd.s32 $0x3800, s6;
	[dreg:$0xb] =	wrdreg s12  }
0x14: {  	s17 =	smul.u32 $0x9000, s1;
	s15 =	sadd.s32 $0x4000, s6;
	[dreg:$0xc] =	wrdreg s13  }
0x15: {  	s16 =	sadd.s32 $0x4800, s6;
	[dreg:$0xd] =	wrdreg s15  }
0x16: {  	s18 =	sadd.s32 $0x5000, s6;
	s8 =	sshrl.u32 s17, $0x2;
	[dreg:$0xe] =	wrdreg s16  }
0x17: {  	s6 =	sadd.s32 $0x5800, s6;
	[dreg:$0xf] =	wrdreg s18;
	s20 =	sadd.s32 s8, s2  }
0x18: {  	[dreg:$0x10] =	wrdreg s6;
	s6 =	sshrl.u32 s20, $0x3  }
0x19: {  	s5 =	simm.s32 $0x9;
	[dreg:$0x12] =	wrdreg s6  }
0x1a: {  	_ =	swait.ge [sflag:s5], $0x600  }
0x1b: {  	s24 =	sshll.u32 s1, $0x6;
	s22 =	rddreg [dreg:$0x5];
	[sflag:s5] =	ssyncset.done $0x0  }
0x1c: {  	s6 =	sor.u32 $0x1C09, s24;
	s23 =	rddreg [dreg:$0x12];
	[sflag:s5] =	ssyncadd.s32 $0xFFFFFA00  }
0x1d: {  	[spmem:s23], [sflag:s6] =	dma.local [hbm:s22], $0x480  }
0x1e: {  	_ =	swait.ge [sflag:s5], $0x480  }
0x1f: {  	[sflag:s5] =	ssyncset.done $0x0  }
0x20: {  	[sflag:s5] =	ssyncadd.s32 $0xFFFFFB80  }
0x21: {  	s7 =	simm.s32 $0x800;
	[bflag:$0x0] =	sbarrier.arrive $0xFFFF  }
0x22: {  	[tilespmem:s7], [sflag:$0x1] =	stream.linear.gather [hbm4b:s4+s3], $0x4000, $0x38;
	[tilespmem:$0x12C00] =	vst v63  }
0x23: {  	s8 =	simm.s32 $0x4800;
	s25 =	rddreg [dreg:$0x6]  }
0x24: {  	[tilespmem:s8], [sflag:$0x2] =	stream.linear.gather [hbm4b:s25+s3], $0x4000, $0x38;
	[tilespmem:$0x12C00] =	vst v63  }
0x25: {  	s9 =	simm.s32 $0x8800;
	s10 =	simm.s32 $0x1;
	s11 =	rddreg [dreg:$0x7]  }
0x26: {  	[tilespmem:s9], [sflag:$0x3] =	stream.linear.gather [hbm4b:s11+s3], $0x4000, $0x38;
	[tilespmem:$0x12C00] =	vst v63  }
0x27: {  	_ =	swait.ge [sflag:s10], $0x4000  }
0x28: {  	[sflag:s10] =	ssyncset.done $0x0  }
0x29: {  	s11 =	simm.s32 $0x80;
	[sflag:s10] =	ssyncadd.s32 $0xFFFFC000  }
0x2a: {  	[spmem:s2] =	stream.indirect.scatter.add.f32 [tilespmem:s7], [sflag:$0x5], $0x80, s3, s11, $0xb8;
	[tilespmem:$0x12C00] =	vst v63  }
0x2b: {  	s12 =	simm.s32 $0xC800;
	s13 =	simm.s32 $0x2;
	s14 =	rddreg [dreg:$0x8]  }
0x2c: {  	[tilespmem:s12], [sflag:$0x4] =	stream.linear.gather [hbm4b:s14+s3], $0x4000, $0x38;
	[tilespmem:$0x12C00] =	vst v63  }
0x2d: {  	_ =	swait.ge [sflag:s13], $0x4000  }
0x2e: {  	[sflag:s13] =	ssyncset.done $0x0  }
0x2f: {  	s14 =	simm.s32 $0x5;
	[sflag:s13] =	ssyncadd.s32 $0xFFFFC000  }
0x30: {  	[spmem:s2] =	stream.indirect.scatter.add.f32 [tilespmem:s8], [sflag:$0x6], $0x80, s11, s11, $0xb8;
	[tilespmem:$0x12C00] =	vst v63  }
0x31: {  	_ =	swait.ge [sflag:s14], $0x4000  }
0x32: {  	[sflag:s14] =	ssyncset.done $0x0  }
0x33: {  	s15 =	simm.s32 $0x3;
	s16 =	rddreg [dreg:$0x9];
	[sflag:s14] =	ssyncadd.s32 $0xFFFFC000  }
0x34: {  	[tilespmem:s7], [sflag:$0x1] =	stream.linear.gather [hbm4b:s16+s3], $0x4000, $0x38;
	[tilespmem:$0x12C00] =	vst v63  }
0x35: {  	_ =	swait.ge [sflag:s15], $0x4000  }
0x36: {  	[sflag:s15] =	ssyncset.done $0x0  }
0x37: {  	s26 =	simm.s32 $0x100;
	s17 =	simm.s32 $0x6;
	[sflag:s15] =	ssyncadd.s32 $0xFFFFC000  }
0x38: {  	[spmem:s2] =	stream.indirect.scatter.add.f32 [tilespmem:s9], [sflag:$0x7], $0x80, s26, s11, $0xb8;
	[tilespmem:$0x12C00] =	vst v63  }
0x39: {  	_ =	swait.ge [sflag:s17], $0x4000  }
0x3a: {  	[sflag:s17] =	ssyncset.done $0x0  }
0x3b: {  	s18 =	simm.s32 $0x4;
	s19 =	rddreg [dreg:$0xa];
	[sflag:s17] =	ssyncadd.s32 $0xFFFFC000  }
0x3c: {  	[tilespmem:s8], [sflag:$0x2] =	stream.linear.gather [hbm4b:s19+s3], $0x4000, $0x38;
	[tilespmem:$0x12C00] =	vst v63  }
0x3d: {  	_ =	swait.ge [sflag:s18], $0x4000  }
0x3e: {  	[sflag:s18] =	ssyncset.done $0x0  }
0x3f: {  	s20 =	simm.s32 $0x7;
	s19 =	simm.s32 $0x180;
	[sflag:s18] =	ssyncadd.s32 $0xFFFFC000  }
0x40: {  	[spmem:s2] =	stream.indirect.scatter.add.f32 [tilespmem:s12], [sflag:$0x8], $0x80, s19, s11, $0xb8;
	[tilespmem:$0x12C00] =	vst v63  }
0x41: {  	_ =	swait.ge [sflag:s20], $0x4000  }
0x42: {  	[sflag:s20] =	ssyncset.done $0x0  }
0x43: {  	s21 =	rddreg [dreg:$0xb];
	[sflag:s20] =	ssyncadd.s32 $0xFFFFC000  }
0x44: {  	[tilespmem:s9], [sflag:$0x3] =	stream.linear.gather [hbm4b:s21+s3], $0x4000, $0x38;
	[tilespmem:$0x12C00] =	vst v63  }
0x45: {  	_ =	swait.ge [sflag:s10], $0x4000  }
0x46: {  	[sflag:s10] =	ssyncset.done $0x0  }
0x47: {  	s22 =	simm.s32 $0x8;
	s21 =	simm.s32 $0x200;
	[sflag:s10] =	ssyncadd.s32 $0xFFFFC000  }
0x48: {  	[spmem:s2] =	stream.indirect.scatter.add.f32 [tilespmem:s7], [sflag:$0x5], $0x80, s21, s11, $0xb8;
	[tilespmem:$0x12C00] =	vst v63  }
0x49: {  	_ =	swait.ge [sflag:s22], $0x4000  }
0x4a: {  	[sflag:s22] =	ssyncset.done $0x0  }
0x4b: {  	s23 =	rddreg [dreg:$0xc];
	[sflag:s22] =	ssyncadd.s32 $0xFFFFC000  }
0x4c: {  	[tilespmem:s12], [sflag:$0x4] =	stream.linear.gather [hbm4b:s23+s3], $0x4000, $0x38;
	[tilespmem:$0x12C00] =	vst v63  }
0x4d: {  	_ =	swait.ge [sflag:s13], $0x4000  }
0x4e: {  	[sflag:s13] =	ssyncset.done $0x0  }
0x4f: {  	s23 =	simm.s32 $0x280;
	[sflag:s13] =	ssyncadd.s32 $0xFFFFC000  }
0x50: {  	[spmem:s2] =	stream.indirect.scatter.add.f32 [tilespmem:s8], [sflag:$0x6], $0x80, s23, s11, $0xb8;
	[tilespmem:$0x12C00] =	vst v63  }
0x51: {  	_ =	swait.ge [sflag:s14], $0x4000  }
0x52: {  	[sflag:s14] =	ssyncset.done $0x0  }
0x53: {  	s24 =	rddreg [dreg:$0xd];
	[sflag:s14] =	ssyncadd.s32 $0xFFFFC000  }
0x54: {  	[tilespmem:s7], [sflag:$0x1] =	stream.linear.gather [hbm4b:s24+s3], $0x4000, $0x38;
	[tilespmem:$0x12C00] =	vst v63  }
0x55: {  	_ =	swait.ge [sflag:s15], $0x4000  }
0x56: {  	[sflag:s15] =	ssyncset.done $0x0  }
0x57: {  	s24 =	simm.s32 $0x300;
	[sflag:s15] =	ssyncadd.s32 $0xFFFFC000  }
0x58: {  	[spmem:s2] =	stream.indirect.scatter.add.f32 [tilespmem:s9], [sflag:$0x7], $0x80, s24, s11, $0xb8;
	[tilespmem:$0x12C00] =	vst v63  }
0x59: {  	_ =	swait.ge [sflag:s17], $0x4000  }
0x5a: {  	[sflag:s17] =	ssyncset.done $0x0  }
0x5b: {  	s25 =	rddreg [dreg:$0xe];
	[sflag:s17] =	ssyncadd.s32 $0xFFFFC000  }
0x5c: {  	[tilespmem:s8], [sflag:$0x2] =	stream.linear.gather [hbm4b:s25+s3], $0x4000, $0x38;
	[tilespmem:$0x12C00] =	vst v63  }
0x5d: {  	_ =	swait.ge [sflag:s18], $0x4000  }
0x5e: {  	[sflag:s18] =	ssyncset.done $0x0  }
0x5f: {  	s25 =	simm.s32 $0x380;
	[sflag:s18] =	ssyncadd.s32 $0xFFFFC000  }
0x60: {  	[spmem:s2] =	stream.indirect.scatter.add.f32 [tilespmem:s12], [sflag:$0x8], $0x80, s25, s11, $0xb8;
	[tilespmem:$0x12C00] =	vst v63  }
0x61: {  	_ =	swait.ge [sflag:s20], $0x4000  }
0x62: {  	[sflag:s20] =	ssyncset.done $0x0  }
0x63: {  	s26 =	rddreg [dreg:$0xf];
	[sflag:s20] =	ssyncadd.s32 $0xFFFFC000  }
0x64: {  	[tilespmem:s9], [sflag:$0x3] =	stream.linear.gather [hbm4b:s26+s3], $0x4000, $0x38;
	[tilespmem:$0x12C00] =	vst v63  }
0x65: {  	_ =	swait.ge [sflag:s10], $0x4000  }
0x66: {  	[sflag:s10] =	ssyncset.done $0x0  }
0x67: {  	s26 =	simm.s32 $0x400;
	[sflag:s10] =	ssyncadd.s32 $0xFFFFC000  }
0x68: {  	[spmem:s2] =	stream.indirect.scatter.add.f32 [tilespmem:s7], [sflag:$0x5], $0x80, s26, s11, $0xb8;
	[tilespmem:$0x12C00] =	vst v63  }
0x69: {  	_ =	swait.ge [sflag:s22], $0x4000  }
0x6a: {  	[sflag:s22] =	ssyncset.done $0x0  }
0x6b: {  	s28 =	rddreg [dreg:$0x10];
	[sflag:s22] =	ssyncadd.s32 $0xFFFFC000  }
0x6c: {  	[tilespmem:s12], [sflag:$0x4] =	stream.linear.gather [hbm4b:s28+s3], $0x4000, $0x38;
	[tilespmem:$0x12C00] =	vst v63  }
0x6d: {  	_ =	swait.ge [sflag:s13], $0x4000  }
0x6e: {  	[sflag:s13] =	ssyncset.done $0x0  }
0x6f: {  	s28 =	simm.s32 $0x480;
	[sflag:s13] =	ssyncadd.s32 $0xFFFFC000  }
0x70: {  	[spmem:s2] =	stream.indirect.scatter.add.f32 [tilespmem:s8], [sflag:$0x6], $0x80, s28, s11, $0xb8;
	[tilespmem:$0x12C00] =	vst v63  }
0x71: {  	_ =	swait.ge [sflag:s15], $0x4000  }
0x72: {  	[sflag:s15] =	ssyncset.done $0x0  }
0x73: {  	s29 =	simm.s32 $0x500;
	[sflag:s15] =	ssyncadd.s32 $0xFFFFC000  }
0x74: {  	[spmem:s2] =	stream.indirect.scatter.add.f32 [tilespmem:s9], [sflag:$0x7], $0x80, s29, s11, $0xb8;
	[tilespmem:$0x12C00] =	vst v63  }
0x75: {  	_ =	swait.ge [sflag:s18], $0x4000  }
0x76: {  	[sflag:s18] =	ssyncset.done $0x0  }
0x77: {  	s30 =	simm.s32 $0x580;
	[sflag:s18] =	ssyncadd.s32 $0xFFFFC000  }
0x78: {  	[spmem:s2] =	stream.indirect.scatter.add.f32 [tilespmem:s12], [sflag:$0x8], $0x80, s30, s11, $0xb8;
	[tilespmem:$0x12C00] =	vst v63  }
0x79: {  	_ =	swait.ge [sflag:s14], $0x4000  }
0x7a: {  	[sflag:s14] =	ssyncset.done $0x0  }
0x7b: {  	[sflag:s14] =	ssyncadd.s32 $0xFFFFC000  }
0x7c: {  	_ =	swait.ge [sflag:s17], $0x4000  }
0x7d: {  	[sflag:s17] =	ssyncset.done $0x0  }
0x7e: {  	s0 =	ssub.s32 $0x2, s0;
	[sflag:s17] =	ssyncadd.s32 $0xFFFFC000  }
0x7f: {  	s31 =	sshll.u32 s1, $0xD;
	s1 =	sshrl.u32 s0, $0x1;
	_ =	swait.ge [sflag:s20], $0x4000  }
0x80: {  	s0 =	ssub.s32 s0, s1;
	[sflag:s20] =	ssyncset.done $0x0  }
0x81: {  	s0 =	smax.u32 s0, $0x1;
	[sflag:s20] =	ssyncadd.s32 $0xFFFFC000  }
0x82: {  	p0 =	sne.s32 s0, $0x1;
	_ =	swait.ge [sflag:s22], $0x4000  }
.Ltmp0:
0x83: {  	[sflag:s22] =	ssyncset.done $0x0;
	(pc) =	sbr.rel @!p0 .LBB2_2-.Ltmp0, $4  }
0x84: {  	[sflag:s22] =	ssyncadd.s32 $0xFFFFC000  }
0x85: {  	s31 =	sadd.s32 s31, s2;
	[bflag:$0x0] =	sbarrier.arrive $0xFFFF  }
0x86: {  	s31 =	sshrl.u32 s31, $0x3;
	s0 =	sadd.s32 $0xFFFFFFFF, s0;
	s16 =	rddreg [dreg:$0x11]  }
0x87: {  	[hbm:s16], [sflag:s6] =	dma.local [spmem:s31], $0x400  }
.LBB2_1:
0x88: {  	_ =	swait.ge [sflag:s5], $0x400  }
0x89: {  	[sflag:s5] =	ssyncset.done $0x0  }
0x8a: {  	s1 =	rddreg [dreg:$0x4];
	[sflag:s5] =	ssyncadd.s32 $0xFFFFFC00  }
0x8b: {  	[tilespmem:s3], [sflag:$0x9] =	stream.linear.gather [hbm4b:s1+s3], $0x600, $0x38;
	[tilespmem:$0x12C00] =	vst v63  }
0x8c: {  	_ =	swait.ge [sflag:s5], $0x600  }
0x8d: {  	[sflag:s5] =	ssyncset.done $0x0;
	s1 =	rddreg [dreg:$0x5]  }
0x8e: {  	s16 =	rddreg [dreg:$0x12];
	[sflag:s5] =	ssyncadd.s32 $0xFFFFFA00  }
0x8f: {  	[spmem:s16], [sflag:s6] =	dma.local [hbm:s1], $0x480  }
0x90: {  	_ =	swait.ge [sflag:s5], $0x480  }
0x91: {  	[sflag:s5] =	ssyncset.done $0x0  }
0x92: {  	[sflag:s5] =	ssyncadd.s32 $0xFFFFFB80  }
0x93: {  	[bflag:$0x0] =	sbarrier.arrive $0xFFFF  }
0x94: {  	[tilespmem:s7], [sflag:$0x1] =	stream.linear.gather [hbm4b:s4+s3], $0x4000, $0x38;
	[tilespmem:$0x12C00] =	vst v63  }
0x95: {  	s1 =	rddreg [dreg:$0x6]  }
0x96: {  	[tilespmem:s8], [sflag:$0x2] =	stream.linear.gather [hbm4b:s1+s3], $0x4000, $0x38;
	[tilespmem:$0x12C00] =	vst v63  }
0x97: {  	s16 =	rddreg [dreg:$0x7]  }
0x98: {  	[tilespmem:s9], [sflag:$0x3] =	stream.linear.gather [hbm4b:s16+s3], $0x4000, $0x38;
	[tilespmem:$0x12C00] =	vst v63  }
0x99: {  	_ =	swait.ge [sflag:s10], $0x4000  }
0x9a: {  	[sflag:s10] =	ssyncset.done $0x0  }
0x9b: {  	[sflag:s10] =	ssyncadd.s32 $0xFFFFC000  }
0x9c: {  	[spmem:s2] =	stream.indirect.scatter.add.f32 [tilespmem:s7], [sflag:$0x5], $0x80, s3, s11, $0xb8;
	[tilespmem:$0x12C00] =	vst v63  }
0x9d: {  	s16 =	rddreg [dreg:$0x8]  }
0x9e: {  	[tilespmem:s12], [sflag:$0x4] =	stream.linear.gather [hbm4b:s16+s3], $0x4000, $0x38;
	[tilespmem:$0x12C00] =	vst v63  }
0x9f: {  	_ =	swait.ge [sflag:s13], $0x4000  }
0xa0: {  	[sflag:s13] =	ssyncset.done $0x0  }
0xa1: {  	[sflag:s13] =	ssyncadd.s32 $0xFFFFC000  }
0xa2: {  	[spmem:s2] =	stream.indirect.scatter.add.f32 [tilespmem:s8], [sflag:$0x6], $0x80, s11, s11, $0xb8;
	[tilespmem:$0x12C00] =	vst v63  }
0xa3: {  	_ =	swait.ge [sflag:s14], $0x4000  }
0xa4: {  	[sflag:s14] =	ssyncset.done $0x0  }
0xa5: {  	s16 =	rddreg [dreg:$0x9];
	[sflag:s14] =	ssyncadd.s32 $0xFFFFC000  }
0xa6: {  	[tilespmem:s7], [sflag:$0x1] =	stream.linear.gather [hbm4b:s16+s3], $0x4000, $0x38;
	[tilespmem:$0x12C00] =	vst v63  }
0xa7: {  	_ =	swait.ge [sflag:s15], $0x4000  }
0xa8: {  	[sflag:s15] =	ssyncset.done $0x0  }
0xa9: {  	s16 =	simm.s32 $0x100;
	[sflag:s15] =	ssyncadd.s32 $0xFFFFC000  }
0xaa: {  	[spmem:s2] =	stream.indirect.scatter.add.f32 [tilespmem:s9], [sflag:$0x7], $0x80, s16, s11, $0xb8;
	[tilespmem:$0x12C00] =	vst v63  }
0xab: {  	_ =	swait.ge [sflag:s17], $0x4000  }
0xac: {  	[sflag:s17] =	ssyncset.done $0x0  }
0xad: {  	s16 =	rddreg [dreg:$0xa];
	[sflag:s17] =	ssyncadd.s32 $0xFFFFC000  }
0xae: {  	[tilespmem:s8], [sflag:$0x2] =	stream.linear.gather [hbm4b:s16+s3], $0x4000, $0x38;
	[tilespmem:$0x12C00] =	vst v63  }
0xaf: {  	_ =	swait.ge [sflag:s18], $0x4000  }
0xb0: {  	[sflag:s18] =	ssyncset.done $0x0  }
0xb1: {  	[sflag:s18] =	ssyncadd.s32 $0xFFFFC000  }
0xb2: {  	[spmem:s2] =	stream.indirect.scatter.add.f32 [tilespmem:s12], [sflag:$0x8], $0x80, s19, s11, $0xb8;
	[tilespmem:$0x12C00] =	vst v63  }
0xb3: {  	_ =	swait.ge [sflag:s20], $0x4000  }
0xb4: {  	[sflag:s20] =	ssyncset.done $0x0  }
0xb5: {  	s16 =	rddreg [dreg:$0xb];
	[sflag:s20] =	ssyncadd.s32 $0xFFFFC000  }
0xb6: {  	[tilespmem:s9], [sflag:$0x3] =	stream.linear.gather [hbm4b:s16+s3], $0x4000, $0x38;
	[tilespmem:$0x12C00] =	vst v63  }
0xb7: {  	_ =	swait.ge [sflag:s10], $0x4000  }
0xb8: {  	[sflag:s10] =	ssyncset.done $0x0  }
0xb9: {  	[sflag:s10] =	ssyncadd.s32 $0xFFFFC000  }
0xba: {  	[spmem:s2] =	stream.indirect.scatter.add.f32 [tilespmem:s7], [sflag:$0x5], $0x80, s21, s11, $0xb8;
	[tilespmem:$0x12C00] =	vst v63  }
0xbb: {  	_ =	swait.ge [sflag:s22], $0x4000  }
0xbc: {  	[sflag:s22] =	ssyncset.done $0x0  }
0xbd: {  	s16 =	rddreg [dreg:$0xc];
	[sflag:s22] =	ssyncadd.s32 $0xFFFFC000  }
0xbe: {  	[tilespmem:s12], [sflag:$0x4] =	stream.linear.gather [hbm4b:s16+s3], $0x4000, $0x38;
	[tilespmem:$0x12C00] =	vst v63  }
0xbf: {  	_ =	swait.ge [sflag:s13], $0x4000  }
0xc0: {  	[sflag:s13] =	ssyncset.done $0x0  }
0xc1: {  	[sflag:s13] =	ssyncadd.s32 $0xFFFFC000  }
0xc2: {  	[spmem:s2] =	stream.indirect.scatter.add.f32 [tilespmem:s8], [sflag:$0x6], $0x80, s23, s11, $0xb8;
	[tilespmem:$0x12C00] =	vst v63  }
0xc3: {  	_ =	swait.ge [sflag:s14], $0x4000  }
0xc4: {  	[sflag:s14] =	ssyncset.done $0x0  }
0xc5: {  	s16 =	rddreg [dreg:$0xd];
	[sflag:s14] =	ssyncadd.s32 $0xFFFFC000  }
0xc6: {  	[tilespmem:s7], [sflag:$0x1] =	stream.linear.gather [hbm4b:s16+s3], $0x4000, $0x38;
	[tilespmem:$0x12C00] =	vst v63  }
0xc7: {  	_ =	swait.ge [sflag:s15], $0x4000  }
0xc8: {  	[sflag:s15] =	ssyncset.done $0x0  }
0xc9: {  	[sflag:s15] =	ssyncadd.s32 $0xFFFFC000  }
0xca: {  	[spmem:s2] =	stream.indirect.scatter.add.f32 [tilespmem:s9], [sflag:$0x7], $0x80, s24, s11, $0xb8;
	[tilespmem:$0x12C00] =	vst v63  }
0xcb: {  	_ =	swait.ge [sflag:s17], $0x4000  }
0xcc: {  	[sflag:s17] =	ssyncset.done $0x0  }
0xcd: {  	s16 =	rddreg [dreg:$0xe];
	[sflag:s17] =	ssyncadd.s32 $0xFFFFC000  }
0xce: {  	[tilespmem:s8], [sflag:$0x2] =	stream.linear.gather [hbm4b:s16+s3], $0x4000, $0x38;
	[tilespmem:$0x12C00] =	vst v63  }
0xcf: {  	_ =	swait.ge [sflag:s18], $0x4000  }
0xd0: {  	[sflag:s18] =	ssyncset.done $0x0  }
0xd1: {  	[sflag:s18] =	ssyncadd.s32 $0xFFFFC000  }
0xd2: {  	[spmem:s2] =	stream.indirect.scatter.add.f32 [tilespmem:s12], [sflag:$0x8], $0x80, s25, s11, $0xb8;
	[tilespmem:$0x12C00] =	vst v63  }
0xd3: {  	_ =	swait.ge [sflag:s20], $0x4000  }
0xd4: {  	[sflag:s20] =	ssyncset.done $0x0  }
0xd5: {  	s16 =	rddreg [dreg:$0xf];
	[sflag:s20] =	ssyncadd.s32 $0xFFFFC000  }
0xd6: {  	[tilespmem:s9], [sflag:$0x3] =	stream.linear.gather [hbm4b:s16+s3], $0x4000, $0x38;
	[tilespmem:$0x12C00] =	vst v63  }
0xd7: {  	_ =	swait.ge [sflag:s10], $0x4000  }
0xd8: {  	[sflag:s10] =	ssyncset.done $0x0  }
0xd9: {  	[sflag:s10] =	ssyncadd.s32 $0xFFFFC000  }
0xda: {  	[spmem:s2] =	stream.indirect.scatter.add.f32 [tilespmem:s7], [sflag:$0x5], $0x80, s26, s11, $0xb8;
	[tilespmem:$0x12C00] =	vst v63  }
0xdb: {  	_ =	swait.ge [sflag:s22], $0x4000  }
0xdc: {  	[sflag:s22] =	ssyncset.done $0x0  }
0xdd: {  	s16 =	rddreg [dreg:$0x10];
	[sflag:s22] =	ssyncadd.s32 $0xFFFFC000  }
0xde: {  	[tilespmem:s12], [sflag:$0x4] =	stream.linear.gather [hbm4b:s16+s3], $0x4000, $0x38;
	[tilespmem:$0x12C00] =	vst v63  }
0xdf: {  	_ =	swait.ge [sflag:s13], $0x4000  }
0xe0: {  	[sflag:s13] =	ssyncset.done $0x0  }
0xe1: {  	[sflag:s13] =	ssyncadd.s32 $0xFFFFC000  }
0xe2: {  	[spmem:s2] =	stream.indirect.scatter.add.f32 [tilespmem:s8], [sflag:$0x6], $0x80, s28, s11, $0xb8;
	[tilespmem:$0x12C00] =	vst v63  }
0xe3: {  	_ =	swait.ge [sflag:s15], $0x4000  }
0xe4: {  	[sflag:s15] =	ssyncset.done $0x0  }
0xe5: {  	[sflag:s15] =	ssyncadd.s32 $0xFFFFC000  }
0xe6: {  	[spmem:s2] =	stream.indirect.scatter.add.f32 [tilespmem:s9], [sflag:$0x7], $0x80, s29, s11, $0xb8;
	[tilespmem:$0x12C00] =	vst v63  }
0xe7: {  	_ =	swait.ge [sflag:s18], $0x4000  }
0xe8: {  	[sflag:s18] =	ssyncset.done $0x0  }
0xe9: {  	[sflag:s18] =	ssyncadd.s32 $0xFFFFC000  }
0xea: {  	[spmem:s2] =	stream.indirect.scatter.add.f32 [tilespmem:s12], [sflag:$0x8], $0x80, s30, s11, $0xb8;
	[tilespmem:$0x12C00] =	vst v63  }
0xeb: {  	_ =	swait.ge [sflag:s14], $0x4000  }
0xec: {  	[sflag:s14] =	ssyncset.done $0x0  }
0xed: {  	[sflag:s14] =	ssyncadd.s32 $0xFFFFC000  }
0xee: {  	_ =	swait.ge [sflag:s17], $0x4000  }
0xef: {  	[sflag:s17] =	ssyncset.done $0x0  }
0xf0: {  	[sflag:s17] =	ssyncadd.s32 $0xFFFFC000  }
0xf1: {  	_ =	swait.ge [sflag:s20], $0x4000  }
0xf2: {  	[sflag:s20] =	ssyncset.done $0x0  }
0xf3: {  	[sflag:s20] =	ssyncadd.s32 $0xFFFFC000  }
0xf4: {  	p0 =	sne.s32 s0, $0x1;
	_ =	swait.ge [sflag:s22], $0x4000  }
.Ltmp1:
0xf5: {  	[sflag:s22] =	ssyncset.done $0x0;
	(pc) =	sbr.rel @p0 .LBB2_1-.Ltmp1, $4  }
0xf6: {  	[sflag:s22] =	ssyncadd.s32 $0xFFFFC000  }
0xf7: {  	[bflag:$0x0] =	sbarrier.arrive $0xFFFF  }
0xf8: {  	s0 =	sadd.s32 $0xFFFFFFFF, s0;
	s16 =	rddreg [dreg:$0x11]  }
0xf9: {  	[hbm:s16], [sflag:s6] =	dma.local [spmem:s31], $0x400  }
.LBB2_2:
0xfa: {  	_ =	swait.ge [sflag:s5], $0x400  }
0xfb: {  	[sflag:s5] =	ssyncset.done $0x0  }
0xfc: {  	[sflag:s5] =	ssyncadd.s32 $0xFFFFFC00  }
0xfd: {  	_ =	sfence.sel $0x180000  }
0xfe: {  	[bflag:$0x0] =	sbarrier.arrive $0xFFFF  }
0xff: {  	_ =	strace $0x9000004A  }
0x100: {  	s0 =	stileid.u32;
	[bflag:$0x2] =	sbarrier.arrive $0xFFFF  }
0x101: {  	p0 =	sne.s32 s0, $0x0;
	s0 =	rddreg [dreg:$0x3]  }
0x102: {  	s0 =	sadd.s32 @!p0 $0x100000, s0  }
0x103: {  	[sflag:s0] =	ssyncadd.tile.s32 @!p0 $0x1;
	_ =	shalt  }
.Lfunc_end2:
_tile_overlayer_lowered:
.L_overlay_start_2:
0x104: {  	(tag) =	ssettag $0x2  }
0x105: {  	s0 =	rddreg [dreg:$0x0];
	s2 =	stileid.u32  }
0x106: {  	s1 =	rddreg [dreg:$0x1];
	p0 =	sne.s32 s2, $0x0  }
0x107: {  	s3 =	rddreg [dreg:$0x2];
	[bflag:$0x3] =	sbarrier.arrive $0xFFFF;
	s2 =	simm.s32 @!p0 $0x1C09  }
0x108: {  	[timem:s3], [sflag:s2] =	dma.local @!p0 [hbm:s0], s1  }
0x109: {  	s0 =	simm.s32 @!p0 $0x9  }
0x10a: {  	_ =	swait.ge @!p0 [sflag:s0], s1  }
0x10b: {  	s1 =	ssub.s32 @!p0 $0x0, s1;
	[sflag:s0] =	ssyncset.done @!p0 $0x0  }
0x10c: {  	[sflag:s0] =	ssyncadd.s32 @!p0 s1  }
0x10d: {  	[bflag:$0x3] =	sbarrier.arrive $0xFFFF  }
0x10e: {  	_ =	shalt  }

</sc_bundles>
